<compile_context>
chip_gen: v7x
topology: tpu7x:2x2x1
jax: 0.10.2.dev20260603
libtpu: 0.0.44.dev20260713+nightly
codegen_flags: <defaults>
</compile_context>

<pallas_src>
import functools

import jax
import jax.numpy as jnp
from jax import lax
from jax.experimental import pallas as pl
from jax.experimental.pallas import tpu as pltpu
from jax.experimental.pallas import tpu_sc as plsc

N = 10000
E = 320000
D = 128
B = 64
STEPS = 3

NC = 2
NS = 16
NW = NC * NS
CHUNK = 128
EROWS = 2560
RPW = EROWS // NW
HALF = RPW // 2
EPAD = EROWS * CHUNK - E
NP = 10112
RPS = NP // NS

_MESH = plsc.VectorSubcoreMesh(
    core_axis_name="c", subcore_axis_name="s", num_cores=NC, num_subcores=NS)




def _deg_body(dst_hbm, ones_hbm, zrow_hbm, out_hbm, acc, ones_vm, idx_vm):
    c = lax.axis_index("c")
    s = lax.axis_index("s")
    base = (c * NS + s) * RPW

    pltpu.sync_copy(dst_hbm.at[pl.ds(base, RPW)], idx_vm)
    pltpu.sync_copy(ones_hbm, ones_vm)
    pltpu.sync_copy(zrow_hbm, acc.at[pl.ds(s * RPS, RPS)])
    plsc.subcore_barrier()

    @pl.loop(0, RPW)
    def _scatter(g):
        pltpu.sync_copy(ones_vm, acc.at[idx_vm.at[g]], add=True)

    plsc.subcore_barrier()
    pltpu.sync_copy(acc.at[pl.ds(s * RPS, RPS)],
                    out_hbm.at[c].at[pl.ds(s * RPS, RPS)])


@functools.partial(
    pl.kernel,
    out_type=jax.ShapeDtypeStruct((NC, NP, 16), jnp.float32),
    mesh=_MESH,
    scratch_types=[
        pltpu.VMEM_SHARED((NP, 16), jnp.float32),
        pltpu.VMEM((CHUNK, 16), jnp.float32),
        pltpu.VMEM((RPW, CHUNK), jnp.int32),
    ],
    compiler_params=pltpu.CompilerParams(use_tc_tiling_on_sc=False),
)
def _deg_sc(dst_hbm, ones_hbm, zrow_hbm, out_hbm, acc, ones_vm, idx_vm):
    _deg_body(dst_hbm, ones_hbm, zrow_hbm, out_hbm, acc, ones_vm, idx_vm)


def _agg_body(h_hbm, src_hbm, dst_hbm, zfeat_hbm, out_hbm, acc,
              rows0, rows1, idxs_vm, idxd_vm, sem0, sem1):
    c = lax.axis_index("c")
    s = lax.axis_index("s")
    base = (c * NS + s) * RPW

    rows = (rows0, rows1)
    sems = (sem0, sem1)

    def fire(g, b):
        pltpu.async_copy(h_hbm.at[idxs_vm.at[g]], rows[b], sems[b])

    def drain_scatter(g, b):
        pltpu.make_async_copy(h_hbm.at[idxs_vm.at[g]], rows[b], sems[b]).wait()
        pltpu.sync_copy(rows[b], acc.at[idxd_vm.at[g]], add=True)

    def phase(off):
        pltpu.sync_copy(src_hbm.at[pl.ds(base + off, HALF)], idxs_vm)
        pltpu.sync_copy(dst_hbm.at[pl.ds(base + off, HALF)], idxd_vm)
        fire(0, 0)

        @pl.loop(0, (HALF - 2) // 2)
        def _pipeline(i):
            g = 2 * i
            fire(g + 1, 1)
            drain_scatter(g, 0)
            fire(g + 2, 0)
            drain_scatter(g + 1, 1)

        fire(HALF - 1, 1)
        drain_scatter(HALF - 2, 0)
        drain_scatter(HALF - 1, 1)

    pltpu.sync_copy(zfeat_hbm, acc.at[pl.ds(s * RPS, RPS)])
    plsc.subcore_barrier()

    phase(0)
    phase(HALF)

    plsc.subcore_barrier()
    pltpu.sync_copy(acc.at[pl.ds(s * RPS, RPS)],
                    out_hbm.at[c].at[pl.ds(s * RPS, RPS)])


@functools.partial(
    pl.kernel,
    out_type=jax.ShapeDtypeStruct((NC, NP, D), jnp.float32),
    mesh=_MESH,
    scratch_types=[
        pltpu.VMEM_SHARED((NP, D), jnp.float32),
        pltpu.VMEM((CHUNK, D), jnp.float32),
        pltpu.VMEM((CHUNK, D), jnp.float32),
        pltpu.VMEM((HALF, CHUNK), jnp.int32),
        pltpu.VMEM((HALF, CHUNK), jnp.int32),
        pltpu.SemaphoreType.DMA,
        pltpu.SemaphoreType.DMA,
    ],
)
def _agg_sc(h_hbm, src_hbm, dst_hbm, zfeat_hbm, out_hbm, acc,
            rows0, rows1, idxs_vm, idxd_vm, sem0, sem1):
    _agg_body(h_hbm, src_hbm, dst_hbm, zfeat_hbm, out_hbm, acc,
              rows0, rows1, idxs_vm, idxd_vm, sem0, sem1)


def _dinv_from(degp):
    deg = degp[0, :N, 0:1] + degp[1, :N, 0:1] + 1.0
    return lax.rsqrt(deg)


def _k1_body(x_ref, w_ref, degp_ref, o_ref):
    dinv = _dinv_from(degp_ref[...])
    h = jnp.dot(x_ref[...], w_ref[...], preferred_element_type=jnp.float32)
    o_ref[0:N] = h * dinv
    o_ref[N:NP] = jnp.zeros((NP - N, D), jnp.float32)


def _k1(x, W1, degp):
    return pl.pallas_call(
        _k1_body,
        out_shape=jax.ShapeDtypeStruct((NP, D), jnp.float32),
    )(x, W1, degp)


def _k2_body(p_ref, hs1_ref, degp_ref, b1_ref, w2_ref, o_ref):
    dinv = _dinv_from(degp_ref[...])
    tot = p_ref[0, :N] + p_ref[1, :N] + hs1_ref[0:N]
    h1 = jnp.maximum(tot * dinv + b1_ref[...], 0.0)
    h2 = jnp.dot(h1, w2_ref[...], preferred_element_type=jnp.float32)
    o_ref[0:N] = h2 * dinv
    o_ref[N:NP] = jnp.zeros((NP - N, D), jnp.float32)


def _k2(p, hs1, degp, b1, W2):
    return pl.pallas_call(
        _k2_body,
        out_shape=jax.ShapeDtypeStruct((NP, D), jnp.float32),
    )(p, hs1, degp, b1.reshape(1, D), W2)


def _k3_body(p_ref, hs2_ref, degp_ref, b2_ref, batch_ref, wih_ref, whh_ref,
             bih_ref, bhh_ref, o_ref):
    dinv = _dinv_from(degp_ref[...])
    h2 = (p_ref[0, :N] + p_ref[1, :N] + hs2_ref[0:N]) * dinv + b2_ref[...]

    seg = batch_ref[0:1, :]
    bids = lax.broadcasted_iota(jnp.int32, (B, N), 0)
    member = bids == seg

    q_star = jnp.zeros((B, 2 * D), jnp.float32)
    h = jnp.zeros((B, D), jnp.float32)
    c = jnp.zeros((B, D), jnp.float32)
    wih = wih_ref[...]
    whh = whh_ref[...]
    bias = bih_ref[...] + bhh_ref[...]

    for _ in range(STEPS):
        gates = (
            lax.dot_general(q_star, wih, (((1,), (1,)), ((), ())),
                            preferred_element_type=jnp.float32)
            + lax.dot_general(h, whh, (((1,), (1,)), ((), ())),
                              preferred_element_type=jnp.float32)
            + bias)
        ig = jax.nn.sigmoid(gates[:, 0:D])
        fg = jax.nn.sigmoid(gates[:, D:2 * D])
        gg = jnp.tanh(gates[:, 2 * D:3 * D])
        og = jax.nn.sigmoid(gates[:, 3 * D:4 * D])
        c = fg * c + ig * gg
        h = og * jnp.tanh(c)

        e = lax.dot_general(h, h2, (((1,), (1,)), ((), ())),
                            preferred_element_type=jnp.float32)
        em = jnp.where(member, e, -jnp.inf)
        emax = jnp.max(em, axis=1, keepdims=True)
        emax = jnp.where(emax < -3e38, 0.0, emax)
        a = jnp.exp(em - emax)
        ssum = jnp.sum(a, axis=1, keepdims=True)
        r = lax.dot_general(a, h2, (((1,), (0,)), ((), ())),
                            preferred_element_type=jnp.float32)
        r = r / (ssum + 1e-16)
        q_star = jnp.concatenate([h, r], axis=1)

    o_ref[...] = q_star


def _k3(p2, hs2, degp, b2, batch, w_ih, w_hh, b_ih, b_hh):
    batch8 = jnp.broadcast_to(batch[None, :], (8, N))
    return pl.pallas_call(
        _k3_body,
        out_shape=jax.ShapeDtypeStruct((B, 2 * D), jnp.float32),
    )(p2, hs2, degp, b2.reshape(1, D), batch8, w_ih, w_hh,
      b_ih.reshape(1, 4 * D), b_hh.reshape(1, 4 * D))


def kernel(x, edge_index, batch, W1, b1, W2, b2, w_ih, w_hh, b_ih, b_hh):
    pad = (N + jnp.arange(EPAD, dtype=edge_index.dtype) % (NP - N))
    src = jnp.concatenate([edge_index[0], pad]).reshape(EROWS, CHUNK)
    dst = jnp.concatenate([edge_index[1], pad]).reshape(EROWS, CHUNK)

    onehot = jnp.zeros((CHUNK, 16), jnp.float32).at[:, 0].set(1.0)
    zrow = jnp.zeros((RPS, 16), jnp.float32)
    zfeat = jnp.zeros((RPS, D), jnp.float32)

    degp = _deg_sc(dst, onehot, zrow)
    hs1 = _k1(x, W1, degp)
    p1 = _agg_sc(hs1, src, dst, zfeat)
    hs2 = _k2(p1, hs1, degp, b1, W2)
    p2 = _agg_sc(hs2, src, dst, zfeat)
    return _k3(p2, hs2, degp, b2, batch, w_ih, w_hh, b_ih, b_hh)

# --- scband reference (transcript-rebuilt; emitter-appended) ---
"""Pipeline reference for scband-graph2-vec-set2-set-54889682043381 (READ-ONLY COPY).

The authoritative reference and input builder live on the scoring server;
editing this copy changes nothing except your own understanding.
"""

import jax, jax.numpy as jnp
import numpy as np

N = 10000
E = 320000
D_IN = 128
D_HID = 128
D_OUT = 128
B = 64
STEPS = 3


def setup_inputs(seed: int = 0):
    key = jax.random.key(seed)
    ks = jax.random.split(key, 11)
    x = jax.random.normal(ks[0], (N, D_IN), dtype=jnp.float32)
    edge_index = jax.random.randint(ks[1], (2, E), 0, N, dtype=jnp.int32)
    batch = jnp.sort(jax.random.randint(ks[2], (N,), 0, B, dtype=jnp.int32))
    W1 = jax.random.normal(ks[3], (D_IN, D_HID), dtype=jnp.float32) / np.sqrt(D_IN)
    b1 = jnp.zeros((D_HID,), dtype=jnp.float32)
    W2 = jax.random.normal(ks[4], (D_HID, D_OUT), dtype=jnp.float32) / np.sqrt(D_HID)
    b2 = jnp.zeros((D_OUT,), dtype=jnp.float32)
    w_ih = jax.random.normal(ks[5], (4 * D_OUT, 2 * D_OUT), dtype=jnp.float32) / np.sqrt(2 * D_OUT)
    w_hh = jax.random.normal(ks[6], (4 * D_OUT, D_OUT), dtype=jnp.float32) / np.sqrt(D_OUT)
    b_ih = jnp.zeros((4 * D_OUT,), dtype=jnp.float32)
    b_hh = jnp.zeros((4 * D_OUT,), dtype=jnp.float32)
    return {"x": x, "edge_index": edge_index, "batch": batch, "W1": W1, "b1": b1, "W2": W2, "b2": b2, "w_ih": w_ih, "w_hh": w_hh, "b_ih": b_ih, "b_hh": b_hh}


def _gcn_conv(x, edge_index, W, b):
    # PyG GCNConv: add self-loops, symmetric normalization, scatter-add aggregation
    n = x.shape[0]
    loop = jnp.arange(n, dtype=edge_index.dtype)
    src = jnp.concatenate([edge_index[0], loop])
    dst = jnp.concatenate([edge_index[1], loop])
    h = x @ W
    deg = jnp.zeros((n,), dtype=x.dtype).at[dst].add(1.0)
    dinv = jnp.where(deg > 0, 1.0 / jnp.sqrt(deg), 0.0)
    norm = dinv[src] * dinv[dst]
    msg = h[src] * norm[:, None]
    out = jax.ops.segment_sum(msg, dst, num_segments=n)
    return out + b


def _set2set(x, batch, w_ih, w_hh, b_ih, b_hh):
    # Set2Set with processing_steps=3; LSTM input 2*d, hidden d (PyTorch gate order i,f,g,o)
    d = x.shape[1]
    q_star = jnp.zeros((B, 2 * d), dtype=x.dtype)
    h = jnp.zeros((B, d), dtype=x.dtype)
    c = jnp.zeros((B, d), dtype=x.dtype)
    for _ in range(STEPS):
        gates = q_star @ w_ih.T + b_ih + h @ w_hh.T + b_hh
        i, f, g, o = jnp.split(gates, 4, axis=1)
        i = jax.nn.sigmoid(i)
        f = jax.nn.sigmoid(f)
        g = jnp.tanh(g)
        o = jax.nn.sigmoid(o)
        c = f * c + i * g
        h = o * jnp.tanh(c)
        q = h
        e = jnp.sum(x * q[batch], axis=1)
        emax = jax.ops.segment_max(e, batch, num_segments=B)
        emax = jnp.where(jnp.isfinite(emax), emax, 0.0)
        a = jnp.exp(e - emax[batch])
        s = jax.ops.segment_sum(a, batch, num_segments=B)
        a = a / (s[batch] + 1e-16)
        r = jax.ops.segment_sum(a[:, None] * x, batch, num_segments=B)
        q_star = jnp.concatenate([q, r], axis=1)
    return q_star


def reference(x, edge_index, batch, W1, b1, W2, b2, w_ih, w_hh, b_ih, b_hh):
    h1 = jax.nn.relu(_gcn_conv(x, edge_index, W1, b1))
    h2 = _gcn_conv(h1, edge_index, W2, b2)
    return _set2set(h2, batch, w_ih, w_hh, b_ih, b_hh)

if __name__ == "__main__":
    import jax
    _d = setup_inputs()
    print(jax.jit(kernel)(*tuple(_d.values())))

</pallas_src>

<mosaic_0001>
#map = affine_map<(d0, d1) -> (0, 0)>
#map1 = affine_map<(d0, d1) -> (0, 0, 0)>
module attributes {stable_mosaic.version = 14 : i64} {
  func.func @_agg_sc(%arg0: i32, %arg1: i32, %arg2: memref<10112x128xf32, #tpu.memory_space<hbm>>, %arg3: memref<2560x128xi32, #tpu.memory_space<hbm>>, %arg4: memref<2560x128xi32, #tpu.memory_space<hbm>>, %arg5: memref<632x128xf32, #tpu.memory_space<hbm>>, %arg6: memref<2x10112x128xf32, #tpu.memory_space<hbm>>, %arg7: memref<10112x128xf32, #tpu.memory_space<vmem_shared>>, %arg8: memref<128x128xf32, #tpu.memory_space<vmem>>, %arg9: memref<128x128xf32, #tpu.memory_space<vmem>>, %arg10: memref<40x128xi32, #tpu.memory_space<vmem>>, %arg11: memref<40x128xi32, #tpu.memory_space<vmem>>, %arg12: memref<!tpu.dma_semaphore, #tpu.memory_space<semaphore_mem>>, %arg13: memref<!tpu.dma_semaphore, #tpu.memory_space<semaphore_mem>>) attributes {dimension_semantics = [#tpu.dimension_semantics<core_parallel>, #tpu.dimension_semantics<subcore_parallel>], iteration_bounds = array<i64: 2, 16>, scalar_prefetch = 0 : i64, scratch_operands = 7 : i64, tpu.core_type = #tpu.core_type<sc_vector_subcore>, window_params = [{transform_indices = #map}, {transform_indices = #map}, {transform_indices = #map}, {transform_indices = #map}, {transform_indices = #map1}]} {
    %mul3A = arith.constant 16 : i32
    %mul3A_0 = arith.muli %arg0, %mul3A : i32
    %add3A = arith.addi %mul3A_0, %arg1 : i32
    %mul3A_1 = arith.constant 80 : i32
    %mul3A_2 = arith.muli %add3A, %mul3A_1 : i32
    %mul3A_3 = arith.constant 632 : i32
    %mul3A_4 = arith.muli %arg1, %mul3A_3 : i32
    "tpu.region"() ({
      %run_scoped3A_84 = tpu.sem_alloc : memref<!tpu.dma_semaphore, #tpu.memory_space<semaphore_mem>>
      %dma_start3A_85 = arith.constant 0 : i32
      %dma_start3A_86 = tpu.memref_slice %arg7[%mul3A_4, %dma_start3A_85] : memref<10112x128xf32, #tpu.memory_space<vmem_shared>> -> memref<632x128xf32, #tpu.memory_space<vmem_shared>>
      tpu.enqueue_dma source(%arg5 : memref<632x128xf32, #tpu.memory_space<hbm>>) target(%dma_start3A_86 : memref<632x128xf32, #tpu.memory_space<vmem_shared>>) target_semaphore(%run_scoped3A_84 : memref<!tpu.dma_semaphore, #tpu.memory_space<semaphore_mem>>)
      %dma_wait3A_87 = arith.constant 0 : i32
      %dma_wait3A_88 = tpu.memref_slice %arg7[%mul3A_4, %dma_wait3A_87] : memref<10112x128xf32, #tpu.memory_space<vmem_shared>> -> memref<632x128xf32, #tpu.memory_space<vmem_shared>>
      tpu.wait_dma2 semaphore(%run_scoped3A_84 : memref<!tpu.dma_semaphore, #tpu.memory_space<semaphore_mem>>) src(%arg5 : memref<632x128xf32, #tpu.memory_space<hbm>>) dst(%dma_wait3A_88 : memref<632x128xf32, #tpu.memory_space<vmem_shared>>)
      tpu.yield
    }) : () -> ()
    %barrier3A = arith.constant 0 : index
    tpu.barrier barrier_id(%barrier3A)
    %add3A_5 = arith.constant 0 : i32
    %add3A_6 = arith.addi %mul3A_2, %add3A_5 : i32
    "tpu.region"() ({
      %run_scoped3A_84 = tpu.sem_alloc : memref<!tpu.dma_semaphore, #tpu.memory_space<semaphore_mem>>
      %dma_start3A_85 = arith.constant 0 : i32
      %dma_start3A_86 = tpu.memref_slice %arg3[%add3A_6, %dma_start3A_85] : memref<2560x128xi32, #tpu.memory_space<hbm>> -> memref<40x128xi32, #tpu.memory_space<hbm>>
      %dma_start3A_87 = arith.constant 0 : i32
      %dma_start3A_88 = tpu.memref_slice %arg3[%add3A_6, %dma_start3A_87] : memref<2560x128xi32, #tpu.memory_space<hbm>> -> memref<40x128xi32, #tpu.memory_space<hbm>>
      tpu.enqueue_dma source(%dma_start3A_88 : memref<40x128xi32, #tpu.memory_space<hbm>>) target(%arg10 : memref<40x128xi32, #tpu.memory_space<vmem>>) target_semaphore(%run_scoped3A_84 : memref<!tpu.dma_semaphore, #tpu.memory_space<semaphore_mem>>)
      %dma_wait3A_89 = arith.constant 0 : i32
      %dma_wait3A_90 = tpu.memref_slice %arg3[%add3A_6, %dma_wait3A_89] : memref<2560x128xi32, #tpu.memory_space<hbm>> -> memref<40x128xi32, #tpu.memory_space<hbm>>
      %dma_wait3A_91 = arith.constant 0 : i32
      %dma_wait3A_92 = tpu.memref_slice %arg3[%add3A_6, %dma_wait3A_91] : memref<2560x128xi32, #tpu.memory_space<hbm>> -> memref<40x128xi32, #tpu.memory_space<hbm>>
      tpu.wait_dma2 semaphore(%run_scoped3A_84 : memref<!tpu.dma_semaphore, #tpu.memory_space<semaphore_mem>>) src(%dma_wait3A_92 : memref<40x128xi32, #tpu.memory_space<hbm>>) dst(%arg10 : memref<40x128xi32, #tpu.memory_space<vmem>>)
      tpu.yield
    }) : () -> ()
    %add3A_7 = arith.constant 0 : i32
    %add3A_8 = arith.addi %mul3A_2, %add3A_7 : i32
    "tpu.region"() ({
      %run_scoped3A_84 = tpu.sem_alloc : memref<!tpu.dma_semaphore, #tpu.memory_space<semaphore_mem>>
      %dma_start3A_85 = arith.constant 0 : i32
      %dma_start3A_86 = tpu.memref_slice %arg4[%add3A_8, %dma_start3A_85] : memref<2560x128xi32, #tpu.memory_space<hbm>> -> memref<40x128xi32, #tpu.memory_space<hbm>>
      %dma_start3A_87 = arith.constant 0 : i32
      %dma_start3A_88 = tpu.memref_slice %arg4[%add3A_8, %dma_start3A_87] : memref<2560x128xi32, #tpu.memory_space<hbm>> -> memref<40x128xi32, #tpu.memory_space<hbm>>
      tpu.enqueue_dma source(%dma_start3A_88 : memref<40x128xi32, #tpu.memory_space<hbm>>) target(%arg11 : memref<40x128xi32, #tpu.memory_space<vmem>>) target_semaphore(%run_scoped3A_84 : memref<!tpu.dma_semaphore, #tpu.memory_space<semaphore_mem>>)
      %dma_wait3A_89 = arith.constant 0 : i32
      %dma_wait3A_90 = tpu.memref_slice %arg4[%add3A_8, %dma_wait3A_89] : memref<2560x128xi32, #tpu.memory_space<hbm>> -> memref<40x128xi32, #tpu.memory_space<hbm>>
      %dma_wait3A_91 = arith.constant 0 : i32
      %dma_wait3A_92 = tpu.memref_slice %arg4[%add3A_8, %dma_wait3A_91] : memref<2560x128xi32, #tpu.memory_space<hbm>> -> memref<40x128xi32, #tpu.memory_space<hbm>>
      tpu.wait_dma2 semaphore(%run_scoped3A_84 : memref<!tpu.dma_semaphore, #tpu.memory_space<semaphore_mem>>) src(%dma_wait3A_92 : memref<40x128xi32, #tpu.memory_space<hbm>>) dst(%arg11 : memref<40x128xi32, #tpu.memory_space<vmem>>)
      tpu.yield
    }) : () -> ()
    %dma_start3A = arith.constant 0 : i32
    %dma_start3A_9 = arith.constant 0 : i32
    %dma_start3A_10 = tpu.memref_slice %arg10[%dma_start3A, %dma_start3A_9] : memref<40x128xi32, #tpu.memory_space<vmem>> -> memref<1x128xi32, #tpu.memory_space<vmem>>
    %dma_start3A_11 = tpu.memref_squeeze %dma_start3A_10 : memref<1x128xi32, #tpu.memory_space<vmem>> -> memref<128xi32, #tpu.memory_space<vmem>>
    %dma_start3A_12 = arith.constant 0 : i32
    %dma_start3A_13 = arith.constant 0 : i32
    %dma_start3A_14 = tpu.memref_slice %arg2[%dma_start3A_12, %dma_start3A_13] : memref<10112x128xf32, #tpu.memory_space<hbm>> -> memref<10112x128xf32, #tpu.memory_space<hbm>>
    tpu.enqueue_indirect_dma source(%dma_start3A_14 : memref<10112x128xf32, #tpu.memory_space<hbm>>) target(%arg8 : memref<128x128xf32, #tpu.memory_space<vmem>>) offsets(%dma_start3A_11 : memref<128xi32, #tpu.memory_space<vmem>>) semaphore(%arg12 : memref<!tpu.dma_semaphore, #tpu.memory_space<semaphore_mem>>)
    %scan3A = arith.constant 0 : i32
    %scan3A_15 = arith.constant 19 : i32
    %scan3A_16 = arith.addi %scan3A, %scan3A_15 : i32
    %scan3A_17 = arith.constant 1 : i32
    scf.for %scan3A_84 = %scan3A to %scan3A_16 step %scan3A_17  : i32 {
      %mul3A_85 = arith.constant 1 : i32
      %mul3A_86 = arith.muli %scan3A_84, %mul3A_85 : i32
      %add3A_87 = arith.constant 0 : i32
      %add3A_88 = arith.addi %add3A_87, %mul3A_86 : i32
      %mul3A_89 = arith.constant 2 : i32
      %mul3A_90 = arith.muli %mul3A_89, %add3A_88 : i32
      %add3A_91 = arith.constant 1 : i32
      %add3A_92 = arith.addi %mul3A_90, %add3A_91 : i32
      %dma_start3A_93 = arith.constant 0 : i32
      %dma_start3A_94 = tpu.memref_slice %arg10[%add3A_92, %dma_start3A_93] : memref<40x128xi32, #tpu.memory_space<vmem>> -> memref<1x128xi32, #tpu.memory_space<vmem>>
      %dma_start3A_95 = tpu.memref_squeeze %dma_start3A_94 : memref<1x128xi32, #tpu.memory_space<vmem>> -> memref<128xi32, #tpu.memory_space<vmem>>
      %dma_start3A_96 = arith.constant 0 : i32
      %dma_start3A_97 = arith.constant 0 : i32
      %dma_start3A_98 = tpu.memref_slice %arg2[%dma_start3A_96, %dma_start3A_97] : memref<10112x128xf32, #tpu.memory_space<hbm>> -> memref<10112x128xf32, #tpu.memory_space<hbm>>
      tpu.enqueue_indirect_dma source(%dma_start3A_98 : memref<10112x128xf32, #tpu.memory_space<hbm>>) target(%arg9 : memref<128x128xf32, #tpu.memory_space<vmem>>) offsets(%dma_start3A_95 : memref<128xi32, #tpu.memory_space<vmem>>) semaphore(%arg13 : memref<!tpu.dma_semaphore, #tpu.memory_space<semaphore_mem>>)
      %dma_wait3A_99 = arith.constant 0 : i32
      %dma_wait3A_100 = tpu.memref_slice %arg10[%mul3A_90, %dma_wait3A_99] : memref<40x128xi32, #tpu.memory_space<vmem>> -> memref<1x128xi32, #tpu.memory_space<vmem>>
      %dma_wait3A_101 = tpu.memref_squeeze %dma_wait3A_100 : memref<1x128xi32, #tpu.memory_space<vmem>> -> memref<128xi32, #tpu.memory_space<vmem>>
      %dma_wait3A_102 = arith.constant 0 : i32
      %dma_wait3A_103 = arith.constant 0 : i32
      %dma_wait3A_104 = tpu.memref_slice %arg2[%dma_wait3A_102, %dma_wait3A_103] : memref<10112x128xf32, #tpu.memory_space<hbm>> -> memref<10112x128xf32, #tpu.memory_space<hbm>>
      tpu.wait_indirect_dma semaphore(%arg12 : memref<!tpu.dma_semaphore, #tpu.memory_space<semaphore_mem>>) src(%dma_wait3A_104 : memref<10112x128xf32, #tpu.memory_space<hbm>>) dst(%arg8 : memref<128x128xf32, #tpu.memory_space<vmem>>)
      "tpu.region"() ({
        %run_scoped3A_121 = tpu.sem_alloc : memref<!tpu.dma_semaphore, #tpu.memory_space<semaphore_mem>>
        %dma_start3A_122 = arith.constant 0 : i32
        %dma_start3A_123 = tpu.memref_slice %arg11[%mul3A_90, %dma_start3A_122] : memref<40x128xi32, #tpu.memory_space<vmem>> -> memref<1x128xi32, #tpu.memory_space<vmem>>
        %dma_start3A_124 = tpu.memref_squeeze %dma_start3A_123 : memref<1x128xi32, #tpu.memory_space<vmem>> -> memref<128xi32, #tpu.memory_space<vmem>>
        %dma_start3A_125 = arith.constant 0 : i32
        %dma_start3A_126 = arith.constant 0 : i32
        %dma_start3A_127 = tpu.memref_slice %arg7[%dma_start3A_125, %dma_start3A_126] : memref<10112x128xf32, #tpu.memory_space<vmem_shared>> -> memref<10112x128xf32, #tpu.memory_space<vmem_shared>>
        tpu.enqueue_indirect_dma source(%arg8 : memref<128x128xf32, #tpu.memory_space<vmem>>) target(%dma_start3A_127 : memref<10112x128xf32, #tpu.memory_space<vmem_shared>>) offsets(%dma_start3A_124 : memref<128xi32, #tpu.memory_space<vmem>>) semaphore(%run_scoped3A_121 : memref<!tpu.dma_semaphore, #tpu.memory_space<semaphore_mem>>) {add = true}
        %dma_wait3A_128 = arith.constant 0 : i32
        %dma_wait3A_129 = tpu.memref_slice %arg11[%mul3A_90, %dma_wait3A_128] : memref<40x128xi32, #tpu.memory_space<vmem>> -> memref<1x128xi32, #tpu.memory_space<vmem>>
        %dma_wait3A_130 = tpu.memref_squeeze %dma_wait3A_129 : memref<1x128xi32, #tpu.memory_space<vmem>> -> memref<128xi32, #tpu.memory_space<vmem>>
        %dma_wait3A_131 = arith.constant 0 : i32
        %dma_wait3A_132 = arith.constant 0 : i32
        %dma_wait3A_133 = tpu.memref_slice %arg7[%dma_wait3A_131, %dma_wait3A_132] : memref<10112x128xf32, #tpu.memory_space<vmem_shared>> -> memref<10112x128xf32, #tpu.memory_space<vmem_shared>>
        tpu.wait_indirect_dma semaphore(%run_scoped3A_121 : memref<!tpu.dma_semaphore, #tpu.memory_space<semaphore_mem>>) src(%arg8 : memref<128x128xf32, #tpu.memory_space<vmem>>) dst(%dma_wait3A_133 : memref<10112x128xf32, #tpu.memory_space<vmem_shared>>)
        tpu.yield
      }) : () -> ()
      %add3A_105 = arith.constant 2 : i32
      %add3A_106 = arith.addi %mul3A_90, %add3A_105 : i32
      %dma_start3A_107 = arith.constant 0 : i32
      %dma_start3A_108 = tpu.memref_slice %arg10[%add3A_106, %dma_start3A_107] : memref<40x128xi32, #tpu.memory_space<vmem>> -> memref<1x128xi32, #tpu.memory_space<vmem>>
      %dma_start3A_109 = tpu.memref_squeeze %dma_start3A_108 : memref<1x128xi32, #tpu.memory_space<vmem>> -> memref<128xi32, #tpu.memory_space<vmem>>
      %dma_start3A_110 = arith.constant 0 : i32
      %dma_start3A_111 = arith.constant 0 : i32
      %dma_start3A_112 = tpu.memref_slice %arg2[%dma_start3A_110, %dma_start3A_111] : memref<10112x128xf32, #tpu.memory_space<hbm>> -> memref<10112x128xf32, #tpu.memory_space<hbm>>
      tpu.enqueue_indirect_dma source(%dma_start3A_112 : memref<10112x128xf32, #tpu.memory_space<hbm>>) target(%arg8 : memref<128x128xf32, #tpu.memory_space<vmem>>) offsets(%dma_start3A_109 : memref<128xi32, #tpu.memory_space<vmem>>) semaphore(%arg12 : memref<!tpu.dma_semaphore, #tpu.memory_space<semaphore_mem>>)
      %add3A_113 = arith.constant 1 : i32
      %add3A_114 = arith.addi %mul3A_90, %add3A_113 : i32
      %dma_wait3A_115 = arith.constant 0 : i32
      %dma_wait3A_116 = tpu.memref_slice %arg10[%add3A_114, %dma_wait3A_115] : memref<40x128xi32, #tpu.memory_space<vmem>> -> memref<1x128xi32, #tpu.memory_space<vmem>>
      %dma_wait3A_117 = tpu.memref_squeeze %dma_wait3A_116 : memref<1x128xi32, #tpu.memory_space<vmem>> -> memref<128xi32, #tpu.memory_space<vmem>>
      %dma_wait3A_118 = arith.constant 0 : i32
      %dma_wait3A_119 = arith.constant 0 : i32
      %dma_wait3A_120 = tpu.memref_slice %arg2[%dma_wait3A_118, %dma_wait3A_119] : memref<10112x128xf32, #tpu.memory_space<hbm>> -> memref<10112x128xf32, #tpu.memory_space<hbm>>
      tpu.wait_indirect_dma semaphore(%arg13 : memref<!tpu.dma_semaphore, #tpu.memory_space<semaphore_mem>>) src(%dma_wait3A_120 : memref<10112x128xf32, #tpu.memory_space<hbm>>) dst(%arg9 : memref<128x128xf32, #tpu.memory_space<vmem>>)
      "tpu.region"() ({
        %run_scoped3A_121 = tpu.sem_alloc : memref<!tpu.dma_semaphore, #tpu.memory_space<semaphore_mem>>
        %dma_start3A_122 = arith.constant 0 : i32
        %dma_start3A_123 = tpu.memref_slice %arg11[%add3A_114, %dma_start3A_122] : memref<40x128xi32, #tpu.memory_space<vmem>> -> memref<1x128xi32, #tpu.memory_space<vmem>>
        %dma_start3A_124 = tpu.memref_squeeze %dma_start3A_123 : memref<1x128xi32, #tpu.memory_space<vmem>> -> memref<128xi32, #tpu.memory_space<vmem>>
        %dma_start3A_125 = arith.constant 0 : i32
        %dma_start3A_126 = arith.constant 0 : i32
        %dma_start3A_127 = tpu.memref_slice %arg7[%dma_start3A_125, %dma_start3A_126] : memref<10112x128xf32, #tpu.memory_space<vmem_shared>> -> memref<10112x128xf32, #tpu.memory_space<vmem_shared>>
        tpu.enqueue_indirect_dma source(%arg9 : memref<128x128xf32, #tpu.memory_space<vmem>>) target(%dma_start3A_127 : memref<10112x128xf32, #tpu.memory_space<vmem_shared>>) offsets(%dma_start3A_124 : memref<128xi32, #tpu.memory_space<vmem>>) semaphore(%run_scoped3A_121 : memref<!tpu.dma_semaphore, #tpu.memory_space<semaphore_mem>>) {add = true}
        %dma_wait3A_128 = arith.constant 0 : i32
        %dma_wait3A_129 = tpu.memref_slice %arg11[%add3A_114, %dma_wait3A_128] : memref<40x128xi32, #tpu.memory_space<vmem>> -> memref<1x128xi32, #tpu.memory_space<vmem>>
        %dma_wait3A_130 = tpu.memref_squeeze %dma_wait3A_129 : memref<1x128xi32, #tpu.memory_space<vmem>> -> memref<128xi32, #tpu.memory_space<vmem>>
        %dma_wait3A_131 = arith.constant 0 : i32
        %dma_wait3A_132 = arith.constant 0 : i32
        %dma_wait3A_133 = tpu.memref_slice %arg7[%dma_wait3A_131, %dma_wait3A_132] : memref<10112x128xf32, #tpu.memory_space<vmem_shared>> -> memref<10112x128xf32, #tpu.memory_space<vmem_shared>>
        tpu.wait_indirect_dma semaphore(%run_scoped3A_121 : memref<!tpu.dma_semaphore, #tpu.memory_space<semaphore_mem>>) src(%arg9 : memref<128x128xf32, #tpu.memory_space<vmem>>) dst(%dma_wait3A_133 : memref<10112x128xf32, #tpu.memory_space<vmem_shared>>)
        tpu.yield
      }) : () -> ()
    }
    %scan3A_18 = arith.constant 19 : i32
    %dma_start3A_19 = arith.constant 39 : i32
    %dma_start3A_20 = arith.constant 0 : i32
    %dma_start3A_21 = tpu.memref_slice %arg10[%dma_start3A_19, %dma_start3A_20] : memref<40x128xi32, #tpu.memory_space<vmem>> -> memref<1x128xi32, #tpu.memory_space<vmem>>
    %dma_start3A_22 = tpu.memref_squeeze %dma_start3A_21 : memref<1x128xi32, #tpu.memory_space<vmem>> -> memref<128xi32, #tpu.memory_space<vmem>>
    %dma_start3A_23 = arith.constant 0 : i32
    %dma_start3A_24 = arith.constant 0 : i32
    %dma_start3A_25 = tpu.memref_slice %arg2[%dma_start3A_23, %dma_start3A_24] : memref<10112x128xf32, #tpu.memory_space<hbm>> -> memref<10112x128xf32, #tpu.memory_space<hbm>>
    tpu.enqueue_indirect_dma source(%dma_start3A_25 : memref<10112x128xf32, #tpu.memory_space<hbm>>) target(%arg9 : memref<128x128xf32, #tpu.memory_space<vmem>>) offsets(%dma_start3A_22 : memref<128xi32, #tpu.memory_space<vmem>>) semaphore(%arg13 : memref<!tpu.dma_semaphore, #tpu.memory_space<semaphore_mem>>)
    %dma_wait3A = arith.constant 38 : i32
    %dma_wait3A_26 = arith.constant 0 : i32
    %dma_wait3A_27 = tpu.memref_slice %arg10[%dma_wait3A, %dma_wait3A_26] : memref<40x128xi32, #tpu.memory_space<vmem>> -> memref<1x128xi32, #tpu.memory_space<vmem>>
    %dma_wait3A_28 = tpu.memref_squeeze %dma_wait3A_27 : memref<1x128xi32, #tpu.memory_space<vmem>> -> memref<128xi32, #tpu.memory_space<vmem>>
    %dma_wait3A_29 = arith.constant 0 : i32
    %dma_wait3A_30 = arith.constant 0 : i32
    %dma_wait3A_31 = tpu.memref_slice %arg2[%dma_wait3A_29, %dma_wait3A_30] : memref<10112x128xf32, #tpu.memory_space<hbm>> -> memref<10112x128xf32, #tpu.memory_space<hbm>>
    tpu.wait_indirect_dma semaphore(%arg12 : memref<!tpu.dma_semaphore, #tpu.memory_space<semaphore_mem>>) src(%dma_wait3A_31 : memref<10112x128xf32, #tpu.memory_space<hbm>>) dst(%arg8 : memref<128x128xf32, #tpu.memory_space<vmem>>)
    %run_scoped3A = arith.constant 38 : i32
    "tpu.region"() ({
      %run_scoped3A_84 = tpu.sem_alloc : memref<!tpu.dma_semaphore, #tpu.memory_space<semaphore_mem>>
      %dma_start3A_85 = arith.constant 0 : i32
      %dma_start3A_86 = tpu.memref_slice %arg11[%run_scoped3A, %dma_start3A_85] : memref<40x128xi32, #tpu.memory_space<vmem>> -> memref<1x128xi32, #tpu.memory_space<vmem>>
      %dma_start3A_87 = tpu.memref_squeeze %dma_start3A_86 : memref<1x128xi32, #tpu.memory_space<vmem>> -> memref<128xi32, #tpu.memory_space<vmem>>
      %dma_start3A_88 = arith.constant 0 : i32
      %dma_start3A_89 = arith.constant 0 : i32
      %dma_start3A_90 = tpu.memref_slice %arg7[%dma_start3A_88, %dma_start3A_89] : memref<10112x128xf32, #tpu.memory_space<vmem_shared>> -> memref<10112x128xf32, #tpu.memory_space<vmem_shared>>
      tpu.enqueue_indirect_dma source(%arg8 : memref<128x128xf32, #tpu.memory_space<vmem>>) target(%dma_start3A_90 : memref<10112x128xf32, #tpu.memory_space<vmem_shared>>) offsets(%dma_start3A_87 : memref<128xi32, #tpu.memory_space<vmem>>) semaphore(%run_scoped3A_84 : memref<!tpu.dma_semaphore, #tpu.memory_space<semaphore_mem>>) {add = true}
      %dma_wait3A_91 = arith.constant 0 : i32
      %dma_wait3A_92 = tpu.memref_slice %arg11[%run_scoped3A, %dma_wait3A_91] : memref<40x128xi32, #tpu.memory_space<vmem>> -> memref<1x128xi32, #tpu.memory_space<vmem>>
      %dma_wait3A_93 = tpu.memref_squeeze %dma_wait3A_92 : memref<1x128xi32, #tpu.memory_space<vmem>> -> memref<128xi32, #tpu.memory_space<vmem>>
      %dma_wait3A_94 = arith.constant 0 : i32
      %dma_wait3A_95 = arith.constant 0 : i32
      %dma_wait3A_96 = tpu.memref_slice %arg7[%dma_wait3A_94, %dma_wait3A_95] : memref<10112x128xf32, #tpu.memory_space<vmem_shared>> -> memref<10112x128xf32, #tpu.memory_space<vmem_shared>>
      tpu.wait_indirect_dma semaphore(%run_scoped3A_84 : memref<!tpu.dma_semaphore, #tpu.memory_space<semaphore_mem>>) src(%arg8 : memref<128x128xf32, #tpu.memory_space<vmem>>) dst(%dma_wait3A_96 : memref<10112x128xf32, #tpu.memory_space<vmem_shared>>)
      tpu.yield
    }) : () -> ()
    %dma_wait3A_32 = arith.constant 39 : i32
    %dma_wait3A_33 = arith.constant 0 : i32
    %dma_wait3A_34 = tpu.memref_slice %arg10[%dma_wait3A_32, %dma_wait3A_33] : memref<40x128xi32, #tpu.memory_space<vmem>> -> memref<1x128xi32, #tpu.memory_space<vmem>>
    %dma_wait3A_35 = tpu.memref_squeeze %dma_wait3A_34 : memref<1x128xi32, #tpu.memory_space<vmem>> -> memref<128xi32, #tpu.memory_space<vmem>>
    %dma_wait3A_36 = arith.constant 0 : i32
    %dma_wait3A_37 = arith.constant 0 : i32
    %dma_wait3A_38 = tpu.memref_slice %arg2[%dma_wait3A_36, %dma_wait3A_37] : memref<10112x128xf32, #tpu.memory_space<hbm>> -> memref<10112x128xf32, #tpu.memory_space<hbm>>
    tpu.wait_indirect_dma semaphore(%arg13 : memref<!tpu.dma_semaphore, #tpu.memory_space<semaphore_mem>>) src(%dma_wait3A_38 : memref<10112x128xf32, #tpu.memory_space<hbm>>) dst(%arg9 : memref<128x128xf32, #tpu.memory_space<vmem>>)
    %run_scoped3A_39 = arith.constant 39 : i32
    "tpu.region"() ({
      %run_scoped3A_84 = tpu.sem_alloc : memref<!tpu.dma_semaphore, #tpu.memory_space<semaphore_mem>>
      %dma_start3A_85 = arith.constant 0 : i32
      %dma_start3A_86 = tpu.memref_slice %arg11[%run_scoped3A_39, %dma_start3A_85] : memref<40x128xi32, #tpu.memory_space<vmem>> -> memref<1x128xi32, #tpu.memory_space<vmem>>
      %dma_start3A_87 = tpu.memref_squeeze %dma_start3A_86 : memref<1x128xi32, #tpu.memory_space<vmem>> -> memref<128xi32, #tpu.memory_space<vmem>>
      %dma_start3A_88 = arith.constant 0 : i32
      %dma_start3A_89 = arith.constant 0 : i32
      %dma_start3A_90 = tpu.memref_slice %arg7[%dma_start3A_88, %dma_start3A_89] : memref<10112x128xf32, #tpu.memory_space<vmem_shared>> -> memref<10112x128xf32, #tpu.memory_space<vmem_shared>>
      tpu.enqueue_indirect_dma source(%arg9 : memref<128x128xf32, #tpu.memory_space<vmem>>) target(%dma_start3A_90 : memref<10112x128xf32, #tpu.memory_space<vmem_shared>>) offsets(%dma_start3A_87 : memref<128xi32, #tpu.memory_space<vmem>>) semaphore(%run_scoped3A_84 : memref<!tpu.dma_semaphore, #tpu.memory_space<semaphore_mem>>) {add = true}
      %dma_wait3A_91 = arith.constant 0 : i32
      %dma_wait3A_92 = tpu.memref_slice %arg11[%run_scoped3A_39, %dma_wait3A_91] : memref<40x128xi32, #tpu.memory_space<vmem>> -> memref<1x128xi32, #tpu.memory_space<vmem>>
      %dma_wait3A_93 = tpu.memref_squeeze %dma_wait3A_92 : memref<1x128xi32, #tpu.memory_space<vmem>> -> memref<128xi32, #tpu.memory_space<vmem>>
      %dma_wait3A_94 = arith.constant 0 : i32
      %dma_wait3A_95 = arith.constant 0 : i32
      %dma_wait3A_96 = tpu.memref_slice %arg7[%dma_wait3A_94, %dma_wait3A_95] : memref<10112x128xf32, #tpu.memory_space<vmem_shared>> -> memref<10112x128xf32, #tpu.memory_space<vmem_shared>>
      tpu.wait_indirect_dma semaphore(%run_scoped3A_84 : memref<!tpu.dma_semaphore, #tpu.memory_space<semaphore_mem>>) src(%arg9 : memref<128x128xf32, #tpu.memory_space<vmem>>) dst(%dma_wait3A_96 : memref<10112x128xf32, #tpu.memory_space<vmem_shared>>)
      tpu.yield
    }) : () -> ()
    %add3A_40 = arith.constant 40 : i32
    %add3A_41 = arith.addi %mul3A_2, %add3A_40 : i32
    "tpu.region"() ({
      %run_scoped3A_84 = tpu.sem_alloc : memref<!tpu.dma_semaphore, #tpu.memory_space<semaphore_mem>>
      %dma_start3A_85 = arith.constant 0 : i32
      %dma_start3A_86 = tpu.memref_slice %arg3[%add3A_41, %dma_start3A_85] : memref<2560x128xi32, #tpu.memory_space<hbm>> -> memref<40x128xi32, #tpu.memory_space<hbm>>
      %dma_start3A_87 = arith.constant 0 : i32
      %dma_start3A_88 = tpu.memref_slice %arg3[%add3A_41, %dma_start3A_87] : memref<2560x128xi32, #tpu.memory_space<hbm>> -> memref<40x128xi32, #tpu.memory_space<hbm>>
      tpu.enqueue_dma source(%dma_start3A_88 : memref<40x128xi32, #tpu.memory_space<hbm>>) target(%arg10 : memref<40x128xi32, #tpu.memory_space<vmem>>) target_semaphore(%run_scoped3A_84 : memref<!tpu.dma_semaphore, #tpu.memory_space<semaphore_mem>>)
      %dma_wait3A_89 = arith.constant 0 : i32
      %dma_wait3A_90 = tpu.memref_slice %arg3[%add3A_41, %dma_wait3A_89] : memref<2560x128xi32, #tpu.memory_space<hbm>> -> memref<40x128xi32, #tpu.memory_space<hbm>>
      %dma_wait3A_91 = arith.constant 0 : i32
      %dma_wait3A_92 = tpu.memref_slice %arg3[%add3A_41, %dma_wait3A_91] : memref<2560x128xi32, #tpu.memory_space<hbm>> -> memref<40x128xi32, #tpu.memory_space<hbm>>
      tpu.wait_dma2 semaphore(%run_scoped3A_84 : memref<!tpu.dma_semaphore, #tpu.memory_space<semaphore_mem>>) src(%dma_wait3A_92 : memref<40x128xi32, #tpu.memory_space<hbm>>) dst(%arg10 : memref<40x128xi32, #tpu.memory_space<vmem>>)
      tpu.yield
    }) : () -> ()
    %add3A_42 = arith.constant 40 : i32
    %add3A_43 = arith.addi %mul3A_2, %add3A_42 : i32
    "tpu.region"() ({
      %run_scoped3A_84 = tpu.sem_alloc : memref<!tpu.dma_semaphore, #tpu.memory_space<semaphore_mem>>
      %dma_start3A_85 = arith.constant 0 : i32
      %dma_start3A_86 = tpu.memref_slice %arg4[%add3A_43, %dma_start3A_85] : memref<2560x128xi32, #tpu.memory_space<hbm>> -> memref<40x128xi32, #tpu.memory_space<hbm>>
      %dma_start3A_87 = arith.constant 0 : i32
      %dma_start3A_88 = tpu.memref_slice %arg4[%add3A_43, %dma_start3A_87] : memref<2560x128xi32, #tpu.memory_space<hbm>> -> memref<40x128xi32, #tpu.memory_space<hbm>>
      tpu.enqueue_dma source(%dma_start3A_88 : memref<40x128xi32, #tpu.memory_space<hbm>>) target(%arg11 : memref<40x128xi32, #tpu.memory_space<vmem>>) target_semaphore(%run_scoped3A_84 : memref<!tpu.dma_semaphore, #tpu.memory_space<semaphore_mem>>)
      %dma_wait3A_89 = arith.constant 0 : i32
      %dma_wait3A_90 = tpu.memref_slice %arg4[%add3A_43, %dma_wait3A_89] : memref<2560x128xi32, #tpu.memory_space<hbm>> -> memref<40x128xi32, #tpu.memory_space<hbm>>
      %dma_wait3A_91 = arith.constant 0 : i32
      %dma_wait3A_92 = tpu.memref_slice %arg4[%add3A_43, %dma_wait3A_91] : memref<2560x128xi32, #tpu.memory_space<hbm>> -> memref<40x128xi32, #tpu.memory_space<hbm>>
      tpu.wait_dma2 semaphore(%run_scoped3A_84 : memref<!tpu.dma_semaphore, #tpu.memory_space<semaphore_mem>>) src(%dma_wait3A_92 : memref<40x128xi32, #tpu.memory_space<hbm>>) dst(%arg11 : memref<40x128xi32, #tpu.memory_space<vmem>>)
      tpu.yield
    }) : () -> ()
    %dma_start3A_44 = arith.constant 0 : i32
    %dma_start3A_45 = arith.constant 0 : i32
    %dma_start3A_46 = tpu.memref_slice %arg10[%dma_start3A_44, %dma_start3A_45] : memref<40x128xi32, #tpu.memory_space<vmem>> -> memref<1x128xi32, #tpu.memory_space<vmem>>
    %dma_start3A_47 = tpu.memref_squeeze %dma_start3A_46 : memref<1x128xi32, #tpu.memory_space<vmem>> -> memref<128xi32, #tpu.memory_space<vmem>>
    %dma_start3A_48 = arith.constant 0 : i32
    %dma_start3A_49 = arith.constant 0 : i32
    %dma_start3A_50 = tpu.memref_slice %arg2[%dma_start3A_48, %dma_start3A_49] : memref<10112x128xf32, #tpu.memory_space<hbm>> -> memref<10112x128xf32, #tpu.memory_space<hbm>>
    tpu.enqueue_indirect_dma source(%dma_start3A_50 : memref<10112x128xf32, #tpu.memory_space<hbm>>) target(%arg8 : memref<128x128xf32, #tpu.memory_space<vmem>>) offsets(%dma_start3A_47 : memref<128xi32, #tpu.memory_space<vmem>>) semaphore(%arg12 : memref<!tpu.dma_semaphore, #tpu.memory_space<semaphore_mem>>)
    %scan3A_51 = arith.constant 0 : i32
    %scan3A_52 = arith.constant 19 : i32
    %scan3A_53 = arith.addi %scan3A_51, %scan3A_52 : i32
    %scan3A_54 = arith.constant 1 : i32
    scf.for %scan3A_84 = %scan3A_51 to %scan3A_53 step %scan3A_54  : i32 {
      %mul3A_85 = arith.constant 1 : i32
      %mul3A_86 = arith.muli %scan3A_84, %mul3A_85 : i32
      %add3A_87 = arith.constant 0 : i32
      %add3A_88 = arith.addi %add3A_87, %mul3A_86 : i32
      %mul3A_89 = arith.constant 2 : i32
      %mul3A_90 = arith.muli %mul3A_89, %add3A_88 : i32
      %add3A_91 = arith.constant 1 : i32
      %add3A_92 = arith.addi %mul3A_90, %add3A_91 : i32
      %dma_start3A_93 = arith.constant 0 : i32
      %dma_start3A_94 = tpu.memref_slice %arg10[%add3A_92, %dma_start3A_93] : memref<40x128xi32, #tpu.memory_space<vmem>> -> memref<1x128xi32, #tpu.memory_space<vmem>>
      %dma_start3A_95 = tpu.memref_squeeze %dma_start3A_94 : memref<1x128xi32, #tpu.memory_space<vmem>> -> memref<128xi32, #tpu.memory_space<vmem>>
      %dma_start3A_96 = arith.constant 0 : i32
      %dma_start3A_97 = arith.constant 0 : i32
      %dma_start3A_98 = tpu.memref_slice %arg2[%dma_start3A_96, %dma_start3A_97] : memref<10112x128xf32, #tpu.memory_space<hbm>> -> memref<10112x128xf32, #tpu.memory_space<hbm>>
      tpu.enqueue_indirect_dma source(%dma_start3A_98 : memref<10112x128xf32, #tpu.memory_space<hbm>>) target(%arg9 : memref<128x128xf32, #tpu.memory_space<vmem>>) offsets(%dma_start3A_95 : memref<128xi32, #tpu.memory_space<vmem>>) semaphore(%arg13 : memref<!tpu.dma_semaphore, #tpu.memory_space<semaphore_mem>>)
      %dma_wait3A_99 = arith.constant 0 : i32
      %dma_wait3A_100 = tpu.memref_slice %arg10[%mul3A_90, %dma_wait3A_99] : memref<40x128xi32, #tpu.memory_space<vmem>> -> memref<1x128xi32, #tpu.memory_space<vmem>>
      %dma_wait3A_101 = tpu.memref_squeeze %dma_wait3A_100 : memref<1x128xi32, #tpu.memory_space<vmem>> -> memref<128xi32, #tpu.memory_space<vmem>>
      %dma_wait3A_102 = arith.constant 0 : i32
      %dma_wait3A_103 = arith.constant 0 : i32
      %dma_wait3A_104 = tpu.memref_slice %arg2[%dma_wait3A_102, %dma_wait3A_103] : memref<10112x128xf32, #tpu.memory_space<hbm>> -> memref<10112x128xf32, #tpu.memory_space<hbm>>
      tpu.wait_indirect_dma semaphore(%arg12 : memref<!tpu.dma_semaphore, #tpu.memory_space<semaphore_mem>>) src(%dma_wait3A_104 : memref<10112x128xf32, #tpu.memory_space<hbm>>) dst(%arg8 : memref<128x128xf32, #tpu.memory_space<vmem>>)
      "tpu.region"() ({
        %run_scoped3A_121 = tpu.sem_alloc : memref<!tpu.dma_semaphore, #tpu.memory_space<semaphore_mem>>
        %dma_start3A_122 = arith.constant 0 : i32
        %dma_start3A_123 = tpu.memref_slice %arg11[%mul3A_90, %dma_start3A_122] : memref<40x128xi32, #tpu.memory_space<vmem>> -> memref<1x128xi32, #tpu.memory_space<vmem>>
        %dma_start3A_124 = tpu.memref_squeeze %dma_start3A_123 : memref<1x128xi32, #tpu.memory_space<vmem>> -> memref<128xi32, #tpu.memory_space<vmem>>
        %dma_start3A_125 = arith.constant 0 : i32
        %dma_start3A_126 = arith.constant 0 : i32
        %dma_start3A_127 = tpu.memref_slice %arg7[%dma_start3A_125, %dma_start3A_126] : memref<10112x128xf32, #tpu.memory_space<vmem_shared>> -> memref<10112x128xf32, #tpu.memory_space<vmem_shared>>
        tpu.enqueue_indirect_dma source(%arg8 : memref<128x128xf32, #tpu.memory_space<vmem>>) target(%dma_start3A_127 : memref<10112x128xf32, #tpu.memory_space<vmem_shared>>) offsets(%dma_start3A_124 : memref<128xi32, #tpu.memory_space<vmem>>) semaphore(%run_scoped3A_121 : memref<!tpu.dma_semaphore, #tpu.memory_space<semaphore_mem>>) {add = true}
        %dma_wait3A_128 = arith.constant 0 : i32
        %dma_wait3A_129 = tpu.memref_slice %arg11[%mul3A_90, %dma_wait3A_128] : memref<40x128xi32, #tpu.memory_space<vmem>> -> memref<1x128xi32, #tpu.memory_space<vmem>>
        %dma_wait3A_130 = tpu.memref_squeeze %dma_wait3A_129 : memref<1x128xi32, #tpu.memory_space<vmem>> -> memref<128xi32, #tpu.memory_space<vmem>>
        %dma_wait3A_131 = arith.constant 0 : i32
        %dma_wait3A_132 = arith.constant 0 : i32
        %dma_wait3A_133 = tpu.memref_slice %arg7[%dma_wait3A_131, %dma_wait3A_132] : memref<10112x128xf32, #tpu.memory_space<vmem_shared>> -> memref<10112x128xf32, #tpu.memory_space<vmem_shared>>
        tpu.wait_indirect_dma semaphore(%run_scoped3A_121 : memref<!tpu.dma_semaphore, #tpu.memory_space<semaphore_mem>>) src(%arg8 : memref<128x128xf32, #tpu.memory_space<vmem>>) dst(%dma_wait3A_133 : memref<10112x128xf32, #tpu.memory_space<vmem_shared>>)
        tpu.yield
      }) : () -> ()
      %add3A_105 = arith.constant 2 : i32
      %add3A_106 = arith.addi %mul3A_90, %add3A_105 : i32
      %dma_start3A_107 = arith.constant 0 : i32
      %dma_start3A_108 = tpu.memref_slice %arg10[%add3A_106, %dma_start3A_107] : memref<40x128xi32, #tpu.memory_space<vmem>> -> memref<1x128xi32, #tpu.memory_space<vmem>>
      %dma_start3A_109 = tpu.memref_squeeze %dma_start3A_108 : memref<1x128xi32, #tpu.memory_space<vmem>> -> memref<128xi32, #tpu.memory_space<vmem>>
      %dma_start3A_110 = arith.constant 0 : i32
      %dma_start3A_111 = arith.constant 0 : i32
      %dma_start3A_112 = tpu.memref_slice %arg2[%dma_start3A_110, %dma_start3A_111] : memref<10112x128xf32, #tpu.memory_space<hbm>> -> memref<10112x128xf32, #tpu.memory_space<hbm>>
      tpu.enqueue_indirect_dma source(%dma_start3A_112 : memref<10112x128xf32, #tpu.memory_space<hbm>>) target(%arg8 : memref<128x128xf32, #tpu.memory_space<vmem>>) offsets(%dma_start3A_109 : memref<128xi32, #tpu.memory_space<vmem>>) semaphore(%arg12 : memref<!tpu.dma_semaphore, #tpu.memory_space<semaphore_mem>>)
      %add3A_113 = arith.constant 1 : i32
      %add3A_114 = arith.addi %mul3A_90, %add3A_113 : i32
      %dma_wait3A_115 = arith.constant 0 : i32
      %dma_wait3A_116 = tpu.memref_slice %arg10[%add3A_114, %dma_wait3A_115] : memref<40x128xi32, #tpu.memory_space<vmem>> -> memref<1x128xi32, #tpu.memory_space<vmem>>
      %dma_wait3A_117 = tpu.memref_squeeze %dma_wait3A_116 : memref<1x128xi32, #tpu.memory_space<vmem>> -> memref<128xi32, #tpu.memory_space<vmem>>
      %dma_wait3A_118 = arith.constant 0 : i32
      %dma_wait3A_119 = arith.constant 0 : i32
      %dma_wait3A_120 = tpu.memref_slice %arg2[%dma_wait3A_118, %dma_wait3A_119] : memref<10112x128xf32, #tpu.memory_space<hbm>> -> memref<10112x128xf32, #tpu.memory_space<hbm>>
      tpu.wait_indirect_dma semaphore(%arg13 : memref<!tpu.dma_semaphore, #tpu.memory_space<semaphore_mem>>) src(%dma_wait3A_120 : memref<10112x128xf32, #tpu.memory_space<hbm>>) dst(%arg9 : memref<128x128xf32, #tpu.memory_space<vmem>>)
      "tpu.region"() ({
        %run_scoped3A_121 = tpu.sem_alloc : memref<!tpu.dma_semaphore, #tpu.memory_space<semaphore_mem>>
        %dma_start3A_122 = arith.constant 0 : i32
        %dma_start3A_123 = tpu.memref_slice %arg11[%add3A_114, %dma_start3A_122] : memref<40x128xi32, #tpu.memory_space<vmem>> -> memref<1x128xi32, #tpu.memory_space<vmem>>
        %dma_start3A_124 = tpu.memref_squeeze %dma_start3A_123 : memref<1x128xi32, #tpu.memory_space<vmem>> -> memref<128xi32, #tpu.memory_space<vmem>>
        %dma_start3A_125 = arith.constant 0 : i32
        %dma_start3A_126 = arith.constant 0 : i32
        %dma_start3A_127 = tpu.memref_slice %arg7[%dma_start3A_125, %dma_start3A_126] : memref<10112x128xf32, #tpu.memory_space<vmem_shared>> -> memref<10112x128xf32, #tpu.memory_space<vmem_shared>>
        tpu.enqueue_indirect_dma source(%arg9 : memref<128x128xf32, #tpu.memory_space<vmem>>) target(%dma_start3A_127 : memref<10112x128xf32, #tpu.memory_space<vmem_shared>>) offsets(%dma_start3A_124 : memref<128xi32, #tpu.memory_space<vmem>>) semaphore(%run_scoped3A_121 : memref<!tpu.dma_semaphore, #tpu.memory_space<semaphore_mem>>) {add = true}
        %dma_wait3A_128 = arith.constant 0 : i32
        %dma_wait3A_129 = tpu.memref_slice %arg11[%add3A_114, %dma_wait3A_128] : memref<40x128xi32, #tpu.memory_space<vmem>> -> memref<1x128xi32, #tpu.memory_space<vmem>>
        %dma_wait3A_130 = tpu.memref_squeeze %dma_wait3A_129 : memref<1x128xi32, #tpu.memory_space<vmem>> -> memref<128xi32, #tpu.memory_space<vmem>>
        %dma_wait3A_131 = arith.constant 0 : i32
        %dma_wait3A_132 = arith.constant 0 : i32
        %dma_wait3A_133 = tpu.memref_slice %arg7[%dma_wait3A_131, %dma_wait3A_132] : memref<10112x128xf32, #tpu.memory_space<vmem_shared>> -> memref<10112x128xf32, #tpu.memory_space<vmem_shared>>
        tpu.wait_indirect_dma semaphore(%run_scoped3A_121 : memref<!tpu.dma_semaphore, #tpu.memory_space<semaphore_mem>>) src(%arg9 : memref<128x128xf32, #tpu.memory_space<vmem>>) dst(%dma_wait3A_133 : memref<10112x128xf32, #tpu.memory_space<vmem_shared>>)
        tpu.yield
      }) : () -> ()
    }
    %scan3A_55 = arith.constant 19 : i32
    %dma_start3A_56 = arith.constant 39 : i32
    %dma_start3A_57 = arith.constant 0 : i32
    %dma_start3A_58 = tpu.memref_slice %arg10[%dma_start3A_56, %dma_start3A_57] : memref<40x128xi32, #tpu.memory_space<vmem>> -> memref<1x128xi32, #tpu.memory_space<vmem>>
    %dma_start3A_59 = tpu.memref_squeeze %dma_start3A_58 : memref<1x128xi32, #tpu.memory_space<vmem>> -> memref<128xi32, #tpu.memory_space<vmem>>
    %dma_start3A_60 = arith.constant 0 : i32
    %dma_start3A_61 = arith.constant 0 : i32
    %dma_start3A_62 = tpu.memref_slice %arg2[%dma_start3A_60, %dma_start3A_61] : memref<10112x128xf32, #tpu.memory_space<hbm>> -> memref<10112x128xf32, #tpu.memory_space<hbm>>
    tpu.enqueue_indirect_dma source(%dma_start3A_62 : memref<10112x128xf32, #tpu.memory_space<hbm>>) target(%arg9 : memref<128x128xf32, #tpu.memory_space<vmem>>) offsets(%dma_start3A_59 : memref<128xi32, #tpu.memory_space<vmem>>) semaphore(%arg13 : memref<!tpu.dma_semaphore, #tpu.memory_space<semaphore_mem>>)
    %dma_wait3A_63 = arith.constant 38 : i32
    %dma_wait3A_64 = arith.constant 0 : i32
    %dma_wait3A_65 = tpu.memref_slice %arg10[%dma_wait3A_63, %dma_wait3A_64] : memref<40x128xi32, #tpu.memory_space<vmem>> -> memref<1x128xi32, #tpu.memory_space<vmem>>
    %dma_wait3A_66 = tpu.memref_squeeze %dma_wait3A_65 : memref<1x128xi32, #tpu.memory_space<vmem>> -> memref<128xi32, #tpu.memory_space<vmem>>
    %dma_wait3A_67 = arith.constant 0 : i32
    %dma_wait3A_68 = arith.constant 0 : i32
    %dma_wait3A_69 = tpu.memref_slice %arg2[%dma_wait3A_67, %dma_wait3A_68] : memref<10112x128xf32, #tpu.memory_space<hbm>> -> memref<10112x128xf32, #tpu.memory_space<hbm>>
    tpu.wait_indirect_dma semaphore(%arg12 : memref<!tpu.dma_semaphore, #tpu.memory_space<semaphore_mem>>) src(%dma_wait3A_69 : memref<10112x128xf32, #tpu.memory_space<hbm>>) dst(%arg8 : memref<128x128xf32, #tpu.memory_space<vmem>>)
    %run_scoped3A_70 = arith.constant 38 : i32
    "tpu.region"() ({
      %run_scoped3A_84 = tpu.sem_alloc : memref<!tpu.dma_semaphore, #tpu.memory_space<semaphore_mem>>
      %dma_start3A_85 = arith.constant 0 : i32
      %dma_start3A_86 = tpu.memref_slice %arg11[%run_scoped3A_70, %dma_start3A_85] : memref<40x128xi32, #tpu.memory_space<vmem>> -> memref<1x128xi32, #tpu.memory_space<vmem>>
      %dma_start3A_87 = tpu.memref_squeeze %dma_start3A_86 : memref<1x128xi32, #tpu.memory_space<vmem>> -> memref<128xi32, #tpu.memory_space<vmem>>
      %dma_start3A_88 = arith.constant 0 : i32
      %dma_start3A_89 = arith.constant 0 : i32
      %dma_start3A_90 = tpu.memref_slice %arg7[%dma_start3A_88, %dma_start3A_89] : memref<10112x128xf32, #tpu.memory_space<vmem_shared>> -> memref<10112x128xf32, #tpu.memory_space<vmem_shared>>
      tpu.enqueue_indirect_dma source(%arg8 : memref<128x128xf32, #tpu.memory_space<vmem>>) target(%dma_start3A_90 : memref<10112x128xf32, #tpu.memory_space<vmem_shared>>) offsets(%dma_start3A_87 : memref<128xi32, #tpu.memory_space<vmem>>) semaphore(%run_scoped3A_84 : memref<!tpu.dma_semaphore, #tpu.memory_space<semaphore_mem>>) {add = true}
      %dma_wait3A_91 = arith.constant 0 : i32
      %dma_wait3A_92 = tpu.memref_slice %arg11[%run_scoped3A_70, %dma_wait3A_91] : memref<40x128xi32, #tpu.memory_space<vmem>> -> memref<1x128xi32, #tpu.memory_space<vmem>>
      %dma_wait3A_93 = tpu.memref_squeeze %dma_wait3A_92 : memref<1x128xi32, #tpu.memory_space<vmem>> -> memref<128xi32, #tpu.memory_space<vmem>>
      %dma_wait3A_94 = arith.constant 0 : i32
      %dma_wait3A_95 = arith.constant 0 : i32
      %dma_wait3A_96 = tpu.memref_slice %arg7[%dma_wait3A_94, %dma_wait3A_95] : memref<10112x128xf32, #tpu.memory_space<vmem_shared>> -> memref<10112x128xf32, #tpu.memory_space<vmem_shared>>
      tpu.wait_indirect_dma semaphore(%run_scoped3A_84 : memref<!tpu.dma_semaphore, #tpu.memory_space<semaphore_mem>>) src(%arg8 : memref<128x128xf32, #tpu.memory_space<vmem>>) dst(%dma_wait3A_96 : memref<10112x128xf32, #tpu.memory_space<vmem_shared>>)
      tpu.yield
    }) : () -> ()
    %dma_wait3A_71 = arith.constant 39 : i32
    %dma_wait3A_72 = arith.constant 0 : i32
    %dma_wait3A_73 = tpu.memref_slice %arg10[%dma_wait3A_71, %dma_wait3A_72] : memref<40x128xi32, #tpu.memory_space<vmem>> -> memref<1x128xi32, #tpu.memory_space<vmem>>
    %dma_wait3A_74 = tpu.memref_squeeze %dma_wait3A_73 : memref<1x128xi32, #tpu.memory_space<vmem>> -> memref<128xi32, #tpu.memory_space<vmem>>
    %dma_wait3A_75 = arith.constant 0 : i32
    %dma_wait3A_76 = arith.constant 0 : i32
    %dma_wait3A_77 = tpu.memref_slice %arg2[%dma_wait3A_75, %dma_wait3A_76] : memref<10112x128xf32, #tpu.memory_space<hbm>> -> memref<10112x128xf32, #tpu.memory_space<hbm>>
    tpu.wait_indirect_dma semaphore(%arg13 : memref<!tpu.dma_semaphore, #tpu.memory_space<semaphore_mem>>) src(%dma_wait3A_77 : memref<10112x128xf32, #tpu.memory_space<hbm>>) dst(%arg9 : memref<128x128xf32, #tpu.memory_space<vmem>>)
    %run_scoped3A_78 = arith.constant 39 : i32
    "tpu.region"() ({
      %run_scoped3A_84 = tpu.sem_alloc : memref<!tpu.dma_semaphore, #tpu.memory_space<semaphore_mem>>
      %dma_start3A_85 = arith.constant 0 : i32
      %dma_start3A_86 = tpu.memref_slice %arg11[%run_scoped3A_78, %dma_start3A_85] : memref<40x128xi32, #tpu.memory_space<vmem>> -> memref<1x128xi32, #tpu.memory_space<vmem>>
      %dma_start3A_87 = tpu.memref_squeeze %dma_start3A_86 : memref<1x128xi32, #tpu.memory_space<vmem>> -> memref<128xi32, #tpu.memory_space<vmem>>
      %dma_start3A_88 = arith.constant 0 : i32
      %dma_start3A_89 = arith.constant 0 : i32
      %dma_start3A_90 = tpu.memref_slice %arg7[%dma_start3A_88, %dma_start3A_89] : memref<10112x128xf32, #tpu.memory_space<vmem_shared>> -> memref<10112x128xf32, #tpu.memory_space<vmem_shared>>
      tpu.enqueue_indirect_dma source(%arg9 : memref<128x128xf32, #tpu.memory_space<vmem>>) target(%dma_start3A_90 : memref<10112x128xf32, #tpu.memory_space<vmem_shared>>) offsets(%dma_start3A_87 : memref<128xi32, #tpu.memory_space<vmem>>) semaphore(%run_scoped3A_84 : memref<!tpu.dma_semaphore, #tpu.memory_space<semaphore_mem>>) {add = true}
      %dma_wait3A_91 = arith.constant 0 : i32
      %dma_wait3A_92 = tpu.memref_slice %arg11[%run_scoped3A_78, %dma_wait3A_91] : memref<40x128xi32, #tpu.memory_space<vmem>> -> memref<1x128xi32, #tpu.memory_space<vmem>>
      %dma_wait3A_93 = tpu.memref_squeeze %dma_wait3A_92 : memref<1x128xi32, #tpu.memory_space<vmem>> -> memref<128xi32, #tpu.memory_space<vmem>>
      %dma_wait3A_94 = arith.constant 0 : i32
      %dma_wait3A_95 = arith.constant 0 : i32
      %dma_wait3A_96 = tpu.memref_slice %arg7[%dma_wait3A_94, %dma_wait3A_95] : memref<10112x128xf32, #tpu.memory_space<vmem_shared>> -> memref<10112x128xf32, #tpu.memory_space<vmem_shared>>
      tpu.wait_indirect_dma semaphore(%run_scoped3A_84 : memref<!tpu.dma_semaphore, #tpu.memory_space<semaphore_mem>>) src(%arg9 : memref<128x128xf32, #tpu.memory_space<vmem>>) dst(%dma_wait3A_96 : memref<10112x128xf32, #tpu.memory_space<vmem_shared>>)
      tpu.yield
    }) : () -> ()
    %barrier3A_79 = arith.constant 0 : index
    tpu.barrier barrier_id(%barrier3A_79)
    %mul3A_80 = arith.constant 632 : i32
    %mul3A_81 = arith.muli %arg1, %mul3A_80 : i32
    %mul3A_82 = arith.constant 632 : i32
    %mul3A_83 = arith.muli %arg1, %mul3A_82 : i32
    "tpu.region"() ({
      %run_scoped3A_84 = tpu.sem_alloc : memref<!tpu.dma_semaphore, #tpu.memory_space<semaphore_mem>>
      %dma_start3A_85 = arith.constant 0 : i32
      %dma_start3A_86 = arith.constant 0 : i32
      %dma_start3A_87 = tpu.memref_slice %arg6[%arg0, %dma_start3A_85, %dma_start3A_86] : memref<2x10112x128xf32, #tpu.memory_space<hbm>> -> memref<1x10112x128xf32, #tpu.memory_space<hbm>>
      %dma_start3A_88 = tpu.memref_squeeze %dma_start3A_87 : memref<1x10112x128xf32, #tpu.memory_space<hbm>> -> memref<10112x128xf32, #tpu.memory_space<hbm>>
      %dma_start3A_89 = arith.constant 0 : i32
      %dma_start3A_90 = tpu.memref_slice %dma_start3A_88[%mul3A_83, %dma_start3A_89] : memref<10112x128xf32, #tpu.memory_space<hbm>> -> memref<632x128xf32, #tpu.memory_space<hbm>>
      %dma_start3A_91 = arith.constant 0 : i32
      %dma_start3A_92 = tpu.memref_slice %arg7[%mul3A_81, %dma_start3A_91] : memref<10112x128xf32, #tpu.memory_space<vmem_shared>> -> memref<632x128xf32, #tpu.memory_space<vmem_shared>>
      tpu.enqueue_dma source(%dma_start3A_92 : memref<632x128xf32, #tpu.memory_space<vmem_shared>>) target(%dma_start3A_90 : memref<632x128xf32, #tpu.memory_space<hbm>>) target_semaphore(%run_scoped3A_84 : memref<!tpu.dma_semaphore, #tpu.memory_space<semaphore_mem>>)
      %dma_wait3A_93 = arith.constant 0 : i32
      %dma_wait3A_94 = arith.constant 0 : i32
      %dma_wait3A_95 = tpu.memref_slice %arg6[%arg0, %dma_wait3A_93, %dma_wait3A_94] : memref<2x10112x128xf32, #tpu.memory_space<hbm>> -> memref<1x10112x128xf32, #tpu.memory_space<hbm>>
      %dma_wait3A_96 = tpu.memref_squeeze %dma_wait3A_95 : memref<1x10112x128xf32, #tpu.memory_space<hbm>> -> memref<10112x128xf32, #tpu.memory_space<hbm>>
      %dma_wait3A_97 = arith.constant 0 : i32
      %dma_wait3A_98 = tpu.memref_slice %dma_wait3A_96[%mul3A_83, %dma_wait3A_97] : memref<10112x128xf32, #tpu.memory_space<hbm>> -> memref<632x128xf32, #tpu.memory_space<hbm>>
      %dma_wait3A_99 = arith.constant 0 : i32
      %dma_wait3A_100 = tpu.memref_slice %arg7[%mul3A_81, %dma_wait3A_99] : memref<10112x128xf32, #tpu.memory_space<vmem_shared>> -> memref<632x128xf32, #tpu.memory_space<vmem_shared>>
      tpu.wait_dma2 semaphore(%run_scoped3A_84 : memref<!tpu.dma_semaphore, #tpu.memory_space<semaphore_mem>>) src(%dma_wait3A_100 : memref<632x128xf32, #tpu.memory_space<vmem_shared>>) dst(%dma_wait3A_98 : memref<632x128xf32, #tpu.memory_space<hbm>>)
      tpu.yield
    }) : () -> ()
    return
  }
}

#map = affine_map<(d0, d1) -> (0, 0)>
#map1 = affine_map<(d0, d1) -> (0, 0, 0)>
module attributes {stable_mosaic.version = 14 : i64} {
  func.func @_agg_sc(%arg0: i32, %arg1: i32, %arg2: memref<10112x128xf32, #tpu.memory_space<hbm>>, %arg3: memref<2560x128xi32, #tpu.memory_space<hbm>>, %arg4: memref<2560x128xi32, #tpu.memory_space<hbm>>, %arg5: memref<632x128xf32, #tpu.memory_space<hbm>>, %arg6: memref<2x10112x128xf32, #tpu.memory_space<hbm>>, %arg7: memref<10112x128xf32, #tpu.memory_space<vmem_shared>>, %arg8: memref<128x128xf32, #tpu.memory_space<vmem>>, %arg9: memref<128x128xf32, #tpu.memory_space<vmem>>, %arg10: memref<40x128xi32, #tpu.memory_space<vmem>>, %arg11: memref<40x128xi32, #tpu.memory_space<vmem>>, %arg12: memref<!tpu.dma_semaphore, #tpu.memory_space<semaphore_mem>>, %arg13: memref<!tpu.dma_semaphore, #tpu.memory_space<semaphore_mem>>) attributes {dimension_semantics = [#tpu.dimension_semantics<core_parallel>, #tpu.dimension_semantics<subcore_parallel>], iteration_bounds = array<i64: 2, 16>, scalar_prefetch = 0 : i64, scratch_operands = 7 : i64, tpu.core_type = #tpu.core_type<sc_vector_subcore>, window_params = [{transform_indices = #map}, {transform_indices = #map}, {transform_indices = #map}, {transform_indices = #map}, {transform_indices = #map1}]} {
    %mul3A = arith.constant 16 : i32
    %mul3A_0 = arith.muli %arg0, %mul3A : i32
    %add3A = arith.addi %mul3A_0, %arg1 : i32
    %mul3A_1 = arith.constant 80 : i32
    %mul3A_2 = arith.muli %add3A, %mul3A_1 : i32
    %mul3A_3 = arith.constant 632 : i32
    %mul3A_4 = arith.muli %arg1, %mul3A_3 : i32
    "tpu.region"() ({
      %run_scoped3A_84 = tpu.sem_alloc : memref<!tpu.dma_semaphore, #tpu.memory_space<semaphore_mem>>
      %dma_start3A_85 = arith.constant 0 : i32
      %dma_start3A_86 = tpu.memref_slice %arg7[%mul3A_4, %dma_start3A_85] : memref<10112x128xf32, #tpu.memory_space<vmem_shared>> -> memref<632x128xf32, #tpu.memory_space<vmem_shared>>
      tpu.enqueue_dma source(%arg5 : memref<632x128xf32, #tpu.memory_space<hbm>>) target(%dma_start3A_86 : memref<632x128xf32, #tpu.memory_space<vmem_shared>>) target_semaphore(%run_scoped3A_84 : memref<!tpu.dma_semaphore, #tpu.memory_space<semaphore_mem>>)
      %dma_wait3A_87 = arith.constant 0 : i32
      %dma_wait3A_88 = tpu.memref_slice %arg7[%mul3A_4, %dma_wait3A_87] : memref<10112x128xf32, #tpu.memory_space<vmem_shared>> -> memref<632x128xf32, #tpu.memory_space<vmem_shared>>
      tpu.wait_dma2 semaphore(%run_scoped3A_84 : memref<!tpu.dma_semaphore, #tpu.memory_space<semaphore_mem>>) src(%arg5 : memref<632x128xf32, #tpu.memory_space<hbm>>) dst(%dma_wait3A_88 : memref<632x128xf32, #tpu.memory_space<vmem_shared>>)
      tpu.yield
    }) : () -> ()
    %barrier3A = arith.constant 0 : index
    tpu.barrier barrier_id(%barrier3A)
    %add3A_5 = arith.constant 0 : i32
    %add3A_6 = arith.addi %mul3A_2, %add3A_5 : i32
    "tpu.region"() ({
      %run_scoped3A_84 = tpu.sem_alloc : memref<!tpu.dma_semaphore, #tpu.memory_space<semaphore_mem>>
      %dma_start3A_85 = arith.constant 0 : i32
      %dma_start3A_86 = tpu.memref_slice %arg3[%add3A_6, %dma_start3A_85] : memref<2560x128xi32, #tpu.memory_space<hbm>> -> memref<40x128xi32, #tpu.memory_space<hbm>>
      %dma_start3A_87 = arith.constant 0 : i32
      %dma_start3A_88 = tpu.memref_slice %arg3[%add3A_6, %dma_start3A_87] : memref<2560x128xi32, #tpu.memory_space<hbm>> -> memref<40x128xi32, #tpu.memory_space<hbm>>
      tpu.enqueue_dma source(%dma_start3A_88 : memref<40x128xi32, #tpu.memory_space<hbm>>) target(%arg10 : memref<40x128xi32, #tpu.memory_space<vmem>>) target_semaphore(%run_scoped3A_84 : memref<!tpu.dma_semaphore, #tpu.memory_space<semaphore_mem>>)
      %dma_wait3A_89 = arith.constant 0 : i32
      %dma_wait3A_90 = tpu.memref_slice %arg3[%add3A_6, %dma_wait3A_89] : memref<2560x128xi32, #tpu.memory_space<hbm>> -> memref<40x128xi32, #tpu.memory_space<hbm>>
      %dma_wait3A_91 = arith.constant 0 : i32
      %dma_wait3A_92 = tpu.memref_slice %arg3[%add3A_6, %dma_wait3A_91] : memref<2560x128xi32, #tpu.memory_space<hbm>> -> memref<40x128xi32, #tpu.memory_space<hbm>>
      tpu.wait_dma2 semaphore(%run_scoped3A_84 : memref<!tpu.dma_semaphore, #tpu.memory_space<semaphore_mem>>) src(%dma_wait3A_92 : memref<40x128xi32, #tpu.memory_space<hbm>>) dst(%arg10 : memref<40x128xi32, #tpu.memory_space<vmem>>)
      tpu.yield
    }) : () -> ()
    %add3A_7 = arith.constant 0 : i32
    %add3A_8 = arith.addi %mul3A_2, %add3A_7 : i32
    "tpu.region"() ({
      %run_scoped3A_84 = tpu.sem_alloc : memref<!tpu.dma_semaphore, #tpu.memory_space<semaphore_mem>>
      %dma_start3A_85 = arith.constant 0 : i32
      %dma_start3A_86 = tpu.memref_slice %arg4[%add3A_8, %dma_start3A_85] : memref<2560x128xi32, #tpu.memory_space<hbm>> -> memref<40x128xi32, #tpu.memory_space<hbm>>
      %dma_start3A_87 = arith.constant 0 : i32
      %dma_start3A_88 = tpu.memref_slice %arg4[%add3A_8, %dma_start3A_87] : memref<2560x128xi32, #tpu.memory_space<hbm>> -> memref<40x128xi32, #tpu.memory_space<hbm>>
      tpu.enqueue_dma source(%dma_start3A_88 : memref<40x128xi32, #tpu.memory_space<hbm>>) target(%arg11 : memref<40x128xi32, #tpu.memory_space<vmem>>) target_semaphore(%run_scoped3A_84 : memref<!tpu.dma_semaphore, #tpu.memory_space<semaphore_mem>>)
      %dma_wait3A_89 = arith.constant 0 : i32
      %dma_wait3A_90 = tpu.memref_slice %arg4[%add3A_8, %dma_wait3A_89] : memref<2560x128xi32, #tpu.memory_space<hbm>> -> memref<40x128xi32, #tpu.memory_space<hbm>>
      %dma_wait3A_91 = arith.constant 0 : i32
      %dma_wait3A_92 = tpu.memref_slice %arg4[%add3A_8, %dma_wait3A_91] : memref<2560x128xi32, #tpu.memory_space<hbm>> -> memref<40x128xi32, #tpu.memory_space<hbm>>
      tpu.wait_dma2 semaphore(%run_scoped3A_84 : memref<!tpu.dma_semaphore, #tpu.memory_space<semaphore_mem>>) src(%dma_wait3A_92 : memref<40x128xi32, #tpu.memory_space<hbm>>) dst(%arg11 : memref<40x128xi32, #tpu.memory_space<vmem>>)
      tpu.yield
    }) : () -> ()
    %dma_start3A = arith.constant 0 : i32
    %dma_start3A_9 = arith.constant 0 : i32
    %dma_start3A_10 = tpu.memref_slice %arg10[%dma_start3A, %dma_start3A_9] : memref<40x128xi32, #tpu.memory_space<vmem>> -> memref<1x128xi32, #tpu.memory_space<vmem>>
    %dma_start3A_11 = tpu.memref_squeeze %dma_start3A_10 : memref<1x128xi32, #tpu.memory_space<vmem>> -> memref<128xi32, #tpu.memory_space<vmem>>
    %dma_start3A_12 = arith.constant 0 : i32
    %dma_start3A_13 = arith.constant 0 : i32
    %dma_start3A_14 = tpu.memref_slice %arg2[%dma_start3A_12, %dma_start3A_13] : memref<10112x128xf32, #tpu.memory_space<hbm>> -> memref<10112x128xf32, #tpu.memory_space<hbm>>
    tpu.enqueue_indirect_dma source(%dma_start3A_14 : memref<10112x128xf32, #tpu.memory_space<hbm>>) target(%arg8 : memref<128x128xf32, #tpu.memory_space<vmem>>) offsets(%dma_start3A_11 : memref<128xi32, #tpu.memory_space<vmem>>) semaphore(%arg12 : memref<!tpu.dma_semaphore, #tpu.memory_space<semaphore_mem>>)
    %scan3A = arith.constant 0 : i32
    %scan3A_15 = arith.constant 19 : i32
    %scan3A_16 = arith.addi %scan3A, %scan3A_15 : i32
    %scan3A_17 = arith.constant 1 : i32
    scf.for %scan3A_84 = %scan3A to %scan3A_16 step %scan3A_17  : i32 {
      %mul3A_85 = arith.constant 1 : i32
      %mul3A_86 = arith.muli %scan3A_84, %mul3A_85 : i32
      %add3A_87 = arith.constant 0 : i32
      %add3A_88 = arith.addi %add3A_87, %mul3A_86 : i32
      %mul3A_89 = arith.constant 2 : i32
      %mul3A_90 = arith.muli %mul3A_89, %add3A_88 : i32
      %add3A_91 = arith.constant 1 : i32
      %add3A_92 = arith.addi %mul3A_90, %add3A_91 : i32
      %dma_start3A_93 = arith.constant 0 : i32
      %dma_start3A_94 = tpu.memref_slice %arg10[%add3A_92, %dma_start3A_93] : memref<40x128xi32, #tpu.memory_space<vmem>> -> memref<1x128xi32, #tpu.memory_space<vmem>>
      %dma_start3A_95 = tpu.memref_squeeze %dma_start3A_94 : memref<1x128xi32, #tpu.memory_space<vmem>> -> memref<128xi32, #tpu.memory_space<vmem>>
      %dma_start3A_96 = arith.constant 0 : i32
      %dma_start3A_97 = arith.constant 0 : i32
      %dma_start3A_98 = tpu.memref_slice %arg2[%dma_start3A_96, %dma_start3A_97] : memref<10112x128xf32, #tpu.memory_space<hbm>> -> memref<10112x128xf32, #tpu.memory_space<hbm>>
      tpu.enqueue_indirect_dma source(%dma_start3A_98 : memref<10112x128xf32, #tpu.memory_space<hbm>>) target(%arg9 : memref<128x128xf32, #tpu.memory_space<vmem>>) offsets(%dma_start3A_95 : memref<128xi32, #tpu.memory_space<vmem>>) semaphore(%arg13 : memref<!tpu.dma_semaphore, #tpu.memory_space<semaphore_mem>>)
      %dma_wait3A_99 = arith.constant 0 : i32
      %dma_wait3A_100 = tpu.memref_slice %arg10[%mul3A_90, %dma_wait3A_99] : memref<40x128xi32, #tpu.memory_space<vmem>> -> memref<1x128xi32, #tpu.memory_space<vmem>>
      %dma_wait3A_101 = tpu.memref_squeeze %dma_wait3A_100 : memref<1x128xi32, #tpu.memory_space<vmem>> -> memref<128xi32, #tpu.memory_space<vmem>>
      %dma_wait3A_102 = arith.constant 0 : i32
      %dma_wait3A_103 = arith.constant 0 : i32
      %dma_wait3A_104 = tpu.memref_slice %arg2[%dma_wait3A_102, %dma_wait3A_103] : memref<10112x128xf32, #tpu.memory_space<hbm>> -> memref<10112x128xf32, #tpu.memory_space<hbm>>
      tpu.wait_indirect_dma semaphore(%arg12 : memref<!tpu.dma_semaphore, #tpu.memory_space<semaphore_mem>>) src(%dma_wait3A_104 : memref<10112x128xf32, #tpu.memory_space<hbm>>) dst(%arg8 : memref<128x128xf32, #tpu.memory_space<vmem>>)
      "tpu.region"() ({
        %run_scoped3A_121 = tpu.sem_alloc : memref<!tpu.dma_semaphore, #tpu.memory_space<semaphore_mem>>
        %dma_start3A_122 = arith.constant 0 : i32
        %dma_start3A_123 = tpu.memref_slice %arg11[%mul3A_90, %dma_start3A_122] : memref<40x128xi32, #tpu.memory_space<vmem>> -> memref<1x128xi32, #tpu.memory_space<vmem>>
        %dma_start3A_124 = tpu.memref_squeeze %dma_start3A_123 : memref<1x128xi32, #tpu.memory_space<vmem>> -> memref<128xi32, #tpu.memory_space<vmem>>
        %dma_start3A_125 = arith.constant 0 : i32
        %dma_start3A_126 = arith.constant 0 : i32
        %dma_start3A_127 = tpu.memref_slice %arg7[%dma_start3A_125, %dma_start3A_126] : memref<10112x128xf32, #tpu.memory_space<vmem_shared>> -> memref<10112x128xf32, #tpu.memory_space<vmem_shared>>
        tpu.enqueue_indirect_dma source(%arg8 : memref<128x128xf32, #tpu.memory_space<vmem>>) target(%dma_start3A_127 : memref<10112x128xf32, #tpu.memory_space<vmem_shared>>) offsets(%dma_start3A_124 : memref<128xi32, #tpu.memory_space<vmem>>) semaphore(%run_scoped3A_121 : memref<!tpu.dma_semaphore, #tpu.memory_space<semaphore_mem>>) {add = true}
        %dma_wait3A_128 = arith.constant 0 : i32
        %dma_wait3A_129 = tpu.memref_slice %arg11[%mul3A_90, %dma_wait3A_128] : memref<40x128xi32, #tpu.memory_space<vmem>> -> memref<1x128xi32, #tpu.memory_space<vmem>>
        %dma_wait3A_130 = tpu.memref_squeeze %dma_wait3A_129 : memref<1x128xi32, #tpu.memory_space<vmem>> -> memref<128xi32, #tpu.memory_space<vmem>>
        %dma_wait3A_131 = arith.constant 0 : i32
        %dma_wait3A_132 = arith.constant 0 : i32
        %dma_wait3A_133 = tpu.memref_slice %arg7[%dma_wait3A_131, %dma_wait3A_132] : memref<10112x128xf32, #tpu.memory_space<vmem_shared>> -> memref<10112x128xf32, #tpu.memory_space<vmem_shared>>
        tpu.wait_indirect_dma semaphore(%run_scoped3A_121 : memref<!tpu.dma_semaphore, #tpu.memory_space<semaphore_mem>>) src(%arg8 : memref<128x128xf32, #tpu.memory_space<vmem>>) dst(%dma_wait3A_133 : memref<10112x128xf32, #tpu.memory_space<vmem_shared>>)
        tpu.yield
      }) : () -> ()
      %add3A_105 = arith.constant 2 : i32
      %add3A_106 = arith.addi %mul3A_90, %add3A_105 : i32
      %dma_start3A_107 = arith.constant 0 : i32
      %dma_start3A_108 = tpu.memref_slice %arg10[%add3A_106, %dma_start3A_107] : memref<40x128xi32, #tpu.memory_space<vmem>> -> memref<1x128xi32, #tpu.memory_space<vmem>>
      %dma_start3A_109 = tpu.memref_squeeze %dma_start3A_108 : memref<1x128xi32, #tpu.memory_space<vmem>> -> memref<128xi32, #tpu.memory_space<vmem>>
      %dma_start3A_110 = arith.constant 0 : i32
      %dma_start3A_111 = arith.constant 0 : i32
      %dma_start3A_112 = tpu.memref_slice %arg2[%dma_start3A_110, %dma_start3A_111] : memref<10112x128xf32, #tpu.memory_space<hbm>> -> memref<10112x128xf32, #tpu.memory_space<hbm>>
      tpu.enqueue_indirect_dma source(%dma_start3A_112 : memref<10112x128xf32, #tpu.memory_space<hbm>>) target(%arg8 : memref<128x128xf32, #tpu.memory_space<vmem>>) offsets(%dma_start3A_109 : memref<128xi32, #tpu.memory_space<vmem>>) semaphore(%arg12 : memref<!tpu.dma_semaphore, #tpu.memory_space<semaphore_mem>>)
      %add3A_113 = arith.constant 1 : i32
      %add3A_114 = arith.addi %mul3A_90, %add3A_113 : i32
      %dma_wait3A_115 = arith.constant 0 : i32
      %dma_wait3A_116 = tpu.memref_slice %arg10[%add3A_114, %dma_wait3A_115] : memref<40x128xi32, #tpu.memory_space<vmem>> -> memref<1x128xi32, #tpu.memory_space<vmem>>
      %dma_wait3A_117 = tpu.memref_squeeze %dma_wait3A_116 : memref<1x128xi32, #tpu.memory_space<vmem>> -> memref<128xi32, #tpu.memory_space<vmem>>
      %dma_wait3A_118 = arith.constant 0 : i32
      %dma_wait3A_119 = arith.constant 0 : i32
      %dma_wait3A_120 = tpu.memref_slice %arg2[%dma_wait3A_118, %dma_wait3A_119] : memref<10112x128xf32, #tpu.memory_space<hbm>> -> memref<10112x128xf32, #tpu.memory_space<hbm>>
      tpu.wait_indirect_dma semaphore(%arg13 : memref<!tpu.dma_semaphore, #tpu.memory_space<semaphore_mem>>) src(%dma_wait3A_120 : memref<10112x128xf32, #tpu.memory_space<hbm>>) dst(%arg9 : memref<128x128xf32, #tpu.memory_space<vmem>>)
      "tpu.region"() ({
        %run_scoped3A_121 = tpu.sem_alloc : memref<!tpu.dma_semaphore, #tpu.memory_space<semaphore_mem>>
        %dma_start3A_122 = arith.constant 0 : i32
        %dma_start3A_123 = tpu.memref_slice %arg11[%add3A_114, %dma_start3A_122] : memref<40x128xi32, #tpu.memory_space<vmem>> -> memref<1x128xi32, #tpu.memory_space<vmem>>
        %dma_start3A_124 = tpu.memref_squeeze %dma_start3A_123 : memref<1x128xi32, #tpu.memory_space<vmem>> -> memref<128xi32, #tpu.memory_space<vmem>>
        %dma_start3A_125 = arith.constant 0 : i32
        %dma_start3A_126 = arith.constant 0 : i32
        %dma_start3A_127 = tpu.memref_slice %arg7[%dma_start3A_125, %dma_start3A_126] : memref<10112x128xf32, #tpu.memory_space<vmem_shared>> -> memref<10112x128xf32, #tpu.memory_space<vmem_shared>>
        tpu.enqueue_indirect_dma source(%arg9 : memref<128x128xf32, #tpu.memory_space<vmem>>) target(%dma_start3A_127 : memref<10112x128xf32, #tpu.memory_space<vmem_shared>>) offsets(%dma_start3A_124 : memref<128xi32, #tpu.memory_space<vmem>>) semaphore(%run_scoped3A_121 : memref<!tpu.dma_semaphore, #tpu.memory_space<semaphore_mem>>) {add = true}
        %dma_wait3A_128 = arith.constant 0 : i32
        %dma_wait3A_129 = tpu.memref_slice %arg11[%add3A_114, %dma_wait3A_128] : memref<40x128xi32, #tpu.memory_space<vmem>> -> memref<1x128xi32, #tpu.memory_space<vmem>>
        %dma_wait3A_130 = tpu.memref_squeeze %dma_wait3A_129 : memref<1x128xi32, #tpu.memory_space<vmem>> -> memref<128xi32, #tpu.memory_space<vmem>>
        %dma_wait3A_131 = arith.constant 0 : i32
        %dma_wait3A_132 = arith.constant 0 : i32
        %dma_wait3A_133 = tpu.memref_slice %arg7[%dma_wait3A_131, %dma_wait3A_132] : memref<10112x128xf32, #tpu.memory_space<vmem_shared>> -> memref<10112x128xf32, #tpu.memory_space<vmem_shared>>
        tpu.wait_indirect_dma semaphore(%run_scoped3A_121 : memref<!tpu.dma_semaphore, #tpu.memory_space<semaphore_mem>>) src(%arg9 : memref<128x128xf32, #tpu.memory_space<vmem>>) dst(%dma_wait3A_133 : memref<10112x128xf32, #tpu.memory_space<vmem_shared>>)
        tpu.yield
      }) : () -> ()
    }
    %scan3A_18 = arith.constant 19 : i32
    %dma_start3A_19 = arith.constant 39 : i32
    %dma_start3A_20 = arith.constant 0 : i32
    %dma_start3A_21 = tpu.memref_slice %arg10[%dma_start3A_19, %dma_start3A_20] : memref<40x128xi32, #tpu.memory_space<vmem>> -> memref<1x128xi32, #tpu.memory_space<vmem>>
    %dma_start3A_22 = tpu.memref_squeeze %dma_start3A_21 : memref<1x128xi32, #tpu.memory_space<vmem>> -> memref<128xi32, #tpu.memory_space<vmem>>
    %dma_start3A_23 = arith.constant 0 : i32
    %dma_start3A_24 = arith.constant 0 : i32
    %dma_start3A_25 = tpu.memref_slice %arg2[%dma_start3A_23, %dma_start3A_24] : memref<10112x128xf32, #tpu.memory_space<hbm>> -> memref<10112x128xf32, #tpu.memory_space<hbm>>
    tpu.enqueue_indirect_dma source(%dma_start3A_25 : memref<10112x128xf32, #tpu.memory_space<hbm>>) target(%arg9 : memref<128x128xf32, #tpu.memory_space<vmem>>) offsets(%dma_start3A_22 : memref<128xi32, #tpu.memory_space<vmem>>) semaphore(%arg13 : memref<!tpu.dma_semaphore, #tpu.memory_space<semaphore_mem>>)
    %dma_wait3A = arith.constant 38 : i32
    %dma_wait3A_26 = arith.constant 0 : i32
    %dma_wait3A_27 = tpu.memref_slice %arg10[%dma_wait3A, %dma_wait3A_26] : memref<40x128xi32, #tpu.memory_space<vmem>> -> memref<1x128xi32, #tpu.memory_space<vmem>>
    %dma_wait3A_28 = tpu.memref_squeeze %dma_wait3A_27 : memref<1x128xi32, #tpu.memory_space<vmem>> -> memref<128xi32, #tpu.memory_space<vmem>>
    %dma_wait3A_29 = arith.constant 0 : i32
    %dma_wait3A_30 = arith.constant 0 : i32
    %dma_wait3A_31 = tpu.memref_slice %arg2[%dma_wait3A_29, %dma_wait3A_30] : memref<10112x128xf32, #tpu.memory_space<hbm>> -> memref<10112x128xf32, #tpu.memory_space<hbm>>
    tpu.wait_indirect_dma semaphore(%arg12 : memref<!tpu.dma_semaphore, #tpu.memory_space<semaphore_mem>>) src(%dma_wait3A_31 : memref<10112x128xf32, #tpu.memory_space<hbm>>) dst(%arg8 : memref<128x128xf32, #tpu.memory_space<vmem>>)
    %run_scoped3A = arith.constant 38 : i32
    "tpu.region"() ({
      %run_scoped3A_84 = tpu.sem_alloc : memref<!tpu.dma_semaphore, #tpu.memory_space<semaphore_mem>>
      %dma_start3A_85 = arith.constant 0 : i32
      %dma_start3A_86 = tpu.memref_slice %arg11[%run_scoped3A, %dma_start3A_85] : memref<40x128xi32, #tpu.memory_space<vmem>> -> memref<1x128xi32, #tpu.memory_space<vmem>>
      %dma_start3A_87 = tpu.memref_squeeze %dma_start3A_86 : memref<1x128xi32, #tpu.memory_space<vmem>> -> memref<128xi32, #tpu.memory_space<vmem>>
      %dma_start3A_88 = arith.constant 0 : i32
      %dma_start3A_89 = arith.constant 0 : i32
      %dma_start3A_90 = tpu.memref_slice %arg7[%dma_start3A_88, %dma_start3A_89] : memref<10112x128xf32, #tpu.memory_space<vmem_shared>> -> memref<10112x128xf32, #tpu.memory_space<vmem_shared>>
      tpu.enqueue_indirect_dma source(%arg8 : memref<128x128xf32, #tpu.memory_space<vmem>>) target(%dma_start3A_90 : memref<10112x128xf32, #tpu.memory_space<vmem_shared>>) offsets(%dma_start3A_87 : memref<128xi32, #tpu.memory_space<vmem>>) semaphore(%run_scoped3A_84 : memref<!tpu.dma_semaphore, #tpu.memory_space<semaphore_mem>>) {add = true}
      %dma_wait3A_91 = arith.constant 0 : i32
      %dma_wait3A_92 = tpu.memref_slice %arg11[%run_scoped3A, %dma_wait3A_91] : memref<40x128xi32, #tpu.memory_space<vmem>> -> memref<1x128xi32, #tpu.memory_space<vmem>>
      %dma_wait3A_93 = tpu.memref_squeeze %dma_wait3A_92 : memref<1x128xi32, #tpu.memory_space<vmem>> -> memref<128xi32, #tpu.memory_space<vmem>>
      %dma_wait3A_94 = arith.constant 0 : i32
      %dma_wait3A_95 = arith.constant 0 : i32
      %dma_wait3A_96 = tpu.memref_slice %arg7[%dma_wait3A_94, %dma_wait3A_95] : memref<10112x128xf32, #tpu.memory_space<vmem_shared>> -> memref<10112x128xf32, #tpu.memory_space<vmem_shared>>
      tpu.wait_indirect_dma semaphore(%run_scoped3A_84 : memref<!tpu.dma_semaphore, #tpu.memory_space<semaphore_mem>>) src(%arg8 : memref<128x128xf32, #tpu.memory_space<vmem>>) dst(%dma_wait3A_96 : memref<10112x128xf32, #tpu.memory_space<vmem_shared>>)
      tpu.yield
    }) : () -> ()
    %dma_wait3A_32 = arith.constant 39 : i32
    %dma_wait3A_33 = arith.constant 0 : i32
    %dma_wait3A_34 = tpu.memref_slice %arg10[%dma_wait3A_32, %dma_wait3A_33] : memref<40x128xi32, #tpu.memory_space<vmem>> -> memref<1x128xi32, #tpu.memory_space<vmem>>
    %dma_wait3A_35 = tpu.memref_squeeze %dma_wait3A_34 : memref<1x128xi32, #tpu.memory_space<vmem>> -> memref<128xi32, #tpu.memory_space<vmem>>
    %dma_wait3A_36 = arith.constant 0 : i32
    %dma_wait3A_37 = arith.constant 0 : i32
    %dma_wait3A_38 = tpu.memref_slice %arg2[%dma_wait3A_36, %dma_wait3A_37] : memref<10112x128xf32, #tpu.memory_space<hbm>> -> memref<10112x128xf32, #tpu.memory_space<hbm>>
    tpu.wait_indirect_dma semaphore(%arg13 : memref<!tpu.dma_semaphore, #tpu.memory_space<semaphore_mem>>) src(%dma_wait3A_38 : memref<10112x128xf32, #tpu.memory_space<hbm>>) dst(%arg9 : memref<128x128xf32, #tpu.memory_space<vmem>>)
    %run_scoped3A_39 = arith.constant 39 : i32
    "tpu.region"() ({
      %run_scoped3A_84 = tpu.sem_alloc : memref<!tpu.dma_semaphore, #tpu.memory_space<semaphore_mem>>
      %dma_start3A_85 = arith.constant 0 : i32
      %dma_start3A_86 = tpu.memref_slice %arg11[%run_scoped3A_39, %dma_start3A_85] : memref<40x128xi32, #tpu.memory_space<vmem>> -> memref<1x128xi32, #tpu.memory_space<vmem>>
      %dma_start3A_87 = tpu.memref_squeeze %dma_start3A_86 : memref<1x128xi32, #tpu.memory_space<vmem>> -> memref<128xi32, #tpu.memory_space<vmem>>
      %dma_start3A_88 = arith.constant 0 : i32
      %dma_start3A_89 = arith.constant 0 : i32
      %dma_start3A_90 = tpu.memref_slice %arg7[%dma_start3A_88, %dma_start3A_89] : memref<10112x128xf32, #tpu.memory_space<vmem_shared>> -> memref<10112x128xf32, #tpu.memory_space<vmem_shared>>
      tpu.enqueue_indirect_dma source(%arg9 : memref<128x128xf32, #tpu.memory_space<vmem>>) target(%dma_start3A_90 : memref<10112x128xf32, #tpu.memory_space<vmem_shared>>) offsets(%dma_start3A_87 : memref<128xi32, #tpu.memory_space<vmem>>) semaphore(%run_scoped3A_84 : memref<!tpu.dma_semaphore, #tpu.memory_space<semaphore_mem>>) {add = true}
      %dma_wait3A_91 = arith.constant 0 : i32
      %dma_wait3A_92 = tpu.memref_slice %arg11[%run_scoped3A_39, %dma_wait3A_91] : memref<40x128xi32, #tpu.memory_space<vmem>> -> memref<1x128xi32, #tpu.memory_space<vmem>>
      %dma_wait3A_93 = tpu.memref_squeeze %dma_wait3A_92 : memref<1x128xi32, #tpu.memory_space<vmem>> -> memref<128xi32, #tpu.memory_space<vmem>>
      %dma_wait3A_94 = arith.constant 0 : i32
      %dma_wait3A_95 = arith.constant 0 : i32
      %dma_wait3A_96 = tpu.memref_slice %arg7[%dma_wait3A_94, %dma_wait3A_95] : memref<10112x128xf32, #tpu.memory_space<vmem_shared>> -> memref<10112x128xf32, #tpu.memory_space<vmem_shared>>
      tpu.wait_indirect_dma semaphore(%run_scoped3A_84 : memref<!tpu.dma_semaphore, #tpu.memory_space<semaphore_mem>>) src(%arg9 : memref<128x128xf32, #tpu.memory_space<vmem>>) dst(%dma_wait3A_96 : memref<10112x128xf32, #tpu.memory_space<vmem_shared>>)
      tpu.yield
    }) : () -> ()
    %add3A_40 = arith.constant 40 : i32
    %add3A_41 = arith.addi %mul3A_2, %add3A_40 : i32
    "tpu.region"() ({
      %run_scoped3A_84 = tpu.sem_alloc : memref<!tpu.dma_semaphore, #tpu.memory_space<semaphore_mem>>
      %dma_start3A_85 = arith.constant 0 : i32
      %dma_start3A_86 = tpu.memref_slice %arg3[%add3A_41, %dma_start3A_85] : memref<2560x128xi32, #tpu.memory_space<hbm>> -> memref<40x128xi32, #tpu.memory_space<hbm>>
      %dma_start3A_87 = arith.constant 0 : i32
      %dma_start3A_88 = tpu.memref_slice %arg3[%add3A_41, %dma_start3A_87] : memref<2560x128xi32, #tpu.memory_space<hbm>> -> memref<40x128xi32, #tpu.memory_space<hbm>>
      tpu.enqueue_dma source(%dma_start3A_88 : memref<40x128xi32, #tpu.memory_space<hbm>>) target(%arg10 : memref<40x128xi32, #tpu.memory_space<vmem>>) target_semaphore(%run_scoped3A_84 : memref<!tpu.dma_semaphore, #tpu.memory_space<semaphore_mem>>)
      %dma_wait3A_89 = arith.constant 0 : i32
      %dma_wait3A_90 = tpu.memref_slice %arg3[%add3A_41, %dma_wait3A_89] : memref<2560x128xi32, #tpu.memory_space<hbm>> -> memref<40x128xi32, #tpu.memory_space<hbm>>
      %dma_wait3A_91 = arith.constant 0 : i32
      %dma_wait3A_92 = tpu.memref_slice %arg3[%add3A_41, %dma_wait3A_91] : memref<2560x128xi32, #tpu.memory_space<hbm>> -> memref<40x128xi32, #tpu.memory_space<hbm>>
      tpu.wait_dma2 semaphore(%run_scoped3A_84 : memref<!tpu.dma_semaphore, #tpu.memory_space<semaphore_mem>>) src(%dma_wait3A_92 : memref<40x128xi32, #tpu.memory_space<hbm>>) dst(%arg10 : memref<40x128xi32, #tpu.memory_space<vmem>>)
      tpu.yield
    }) : () -> ()
    %add3A_42 = arith.constant 40 : i32
    %add3A_43 = arith.addi %mul3A_2, %add3A_42 : i32
    "tpu.region"() ({
      %run_scoped3A_84 = tpu.sem_alloc : memref<!tpu.dma_semaphore, #tpu.memory_space<semaphore_mem>>
      %dma_start3A_85 = arith.constant 0 : i32
      %dma_start3A_86 = tpu.memref_slice %arg4[%add3A_43, %dma_start3A_85] : memref<2560x128xi32, #tpu.memory_space<hbm>> -> memref<40x128xi32, #tpu.memory_space<hbm>>
      %dma_start3A_87 = arith.constant 0 : i32
      %dma_start3A_88 = tpu.memref_slice %arg4[%add3A_43, %dma_start3A_87] : memref<2560x128xi32, #tpu.memory_space<hbm>> -> memref<40x128xi32, #tpu.memory_space<hbm>>
      tpu.enqueue_dma source(%dma_start3A_88 : memref<40x128xi32, #tpu.memory_space<hbm>>) target(%arg11 : memref<40x128xi32, #tpu.memory_space<vmem>>) target_semaphore(%run_scoped3A_84 : memref<!tpu.dma_semaphore, #tpu.memory_space<semaphore_mem>>)
      %dma_wait3A_89 = arith.constant 0 : i32
      %dma_wait3A_90 = tpu.memref_slice %arg4[%add3A_43, %dma_wait3A_89] : memref<2560x128xi32, #tpu.memory_space<hbm>> -> memref<40x128xi32, #tpu.memory_space<hbm>>
      %dma_wait3A_91 = arith.constant 0 : i32
      %dma_wait3A_92 = tpu.memref_slice %arg4[%add3A_43, %dma_wait3A_91] : memref<2560x128xi32, #tpu.memory_space<hbm>> -> memref<40x128xi32, #tpu.memory_space<hbm>>
      tpu.wait_dma2 semaphore(%run_scoped3A_84 : memref<!tpu.dma_semaphore, #tpu.memory_space<semaphore_mem>>) src(%dma_wait3A_92 : memref<40x128xi32, #tpu.memory_space<hbm>>) dst(%arg11 : memref<40x128xi32, #tpu.memory_space<vmem>>)
      tpu.yield
    }) : () -> ()
    %dma_start3A_44 = arith.constant 0 : i32
    %dma_start3A_45 = arith.constant 0 : i32
    %dma_start3A_46 = tpu.memref_slice %arg10[%dma_start3A_44, %dma_start3A_45] : memref<40x128xi32, #tpu.memory_space<vmem>> -> memref<1x128xi32, #tpu.memory_space<vmem>>
    %dma_start3A_47 = tpu.memref_squeeze %dma_start3A_46 : memref<1x128xi32, #tpu.memory_space<vmem>> -> memref<128xi32, #tpu.memory_space<vmem>>
    %dma_start3A_48 = arith.constant 0 : i32
    %dma_start3A_49 = arith.constant 0 : i32
    %dma_start3A_50 = tpu.memref_slice %arg2[%dma_start3A_48, %dma_start3A_49] : memref<10112x128xf32, #tpu.memory_space<hbm>> -> memref<10112x128xf32, #tpu.memory_space<hbm>>
    tpu.enqueue_indirect_dma source(%dma_start3A_50 : memref<10112x128xf32, #tpu.memory_space<hbm>>) target(%arg8 : memref<128x128xf32, #tpu.memory_space<vmem>>) offsets(%dma_start3A_47 : memref<128xi32, #tpu.memory_space<vmem>>) semaphore(%arg12 : memref<!tpu.dma_semaphore, #tpu.memory_space<semaphore_mem>>)
    %scan3A_51 = arith.constant 0 : i32
    %scan3A_52 = arith.constant 19 : i32
    %scan3A_53 = arith.addi %scan3A_51, %scan3A_52 : i32
    %scan3A_54 = arith.constant 1 : i32
    scf.for %scan3A_84 = %scan3A_51 to %scan3A_53 step %scan3A_54  : i32 {
      %mul3A_85 = arith.constant 1 : i32
      %mul3A_86 = arith.muli %scan3A_84, %mul3A_85 : i32
      %add3A_87 = arith.constant 0 : i32
      %add3A_88 = arith.addi %add3A_87, %mul3A_86 : i32
      %mul3A_89 = arith.constant 2 : i32
      %mul3A_90 = arith.muli %mul3A_89, %add3A_88 : i32
      %add3A_91 = arith.constant 1 : i32
      %add3A_92 = arith.addi %mul3A_90, %add3A_91 : i32
      %dma_start3A_93 = arith.constant 0 : i32
      %dma_start3A_94 = tpu.memref_slice %arg10[%add3A_92, %dma_start3A_93] : memref<40x128xi32, #tpu.memory_space<vmem>> -> memref<1x128xi32, #tpu.memory_space<vmem>>
      %dma_start3A_95 = tpu.memref_squeeze %dma_start3A_94 : memref<1x128xi32, #tpu.memory_space<vmem>> -> memref<128xi32, #tpu.memory_space<vmem>>
      %dma_start3A_96 = arith.constant 0 : i32
      %dma_start3A_97 = arith.constant 0 : i32
      %dma_start3A_98 = tpu.memref_slice %arg2[%dma_start3A_96, %dma_start3A_97] : memref<10112x128xf32, #tpu.memory_space<hbm>> -> memref<10112x128xf32, #tpu.memory_space<hbm>>
      tpu.enqueue_indirect_dma source(%dma_start3A_98 : memref<10112x128xf32, #tpu.memory_space<hbm>>) target(%arg9 : memref<128x128xf32, #tpu.memory_space<vmem>>) offsets(%dma_start3A_95 : memref<128xi32, #tpu.memory_space<vmem>>) semaphore(%arg13 : memref<!tpu.dma_semaphore, #tpu.memory_space<semaphore_mem>>)
      %dma_wait3A_99 = arith.constant 0 : i32
      %dma_wait3A_100 = tpu.memref_slice %arg10[%mul3A_90, %dma_wait3A_99] : memref<40x128xi32, #tpu.memory_space<vmem>> -> memref<1x128xi32, #tpu.memory_space<vmem>>
      %dma_wait3A_101 = tpu.memref_squeeze %dma_wait3A_100 : memref<1x128xi32, #tpu.memory_space<vmem>> -> memref<128xi32, #tpu.memory_space<vmem>>
      %dma_wait3A_102 = arith.constant 0 : i32
      %dma_wait3A_103 = arith.constant 0 : i32
      %dma_wait3A_104 = tpu.memref_slice %arg2[%dma_wait3A_102, %dma_wait3A_103] : memref<10112x128xf32, #tpu.memory_space<hbm>> -> memref<10112x128xf32, #tpu.memory_space<hbm>>
      tpu.wait_indirect_dma semaphore(%arg12 : memref<!tpu.dma_semaphore, #tpu.memory_space<semaphore_mem>>) src(%dma_wait3A_104 : memref<10112x128xf32, #tpu.memory_space<hbm>>) dst(%arg8 : memref<128x128xf32, #tpu.memory_space<vmem>>)
      "tpu.region"() ({
        %run_scoped3A_121 = tpu.sem_alloc : memref<!tpu.dma_semaphore, #tpu.memory_space<semaphore_mem>>
        %dma_start3A_122 = arith.constant 0 : i32
        %dma_start3A_123 = tpu.memref_slice %arg11[%mul3A_90, %dma_start3A_122] : memref<40x128xi32, #tpu.memory_space<vmem>> -> memref<1x128xi32, #tpu.memory_space<vmem>>
        %dma_start3A_124 = tpu.memref_squeeze %dma_start3A_123 : memref<1x128xi32, #tpu.memory_space<vmem>> -> memref<128xi32, #tpu.memory_space<vmem>>
        %dma_start3A_125 = arith.constant 0 : i32
        %dma_start3A_126 = arith.constant 0 : i32
        %dma_start3A_127 = tpu.memref_slice %arg7[%dma_start3A_125, %dma_start3A_126] : memref<10112x128xf32, #tpu.memory_space<vmem_shared>> -> memref<10112x128xf32, #tpu.memory_space<vmem_shared>>
        tpu.enqueue_indirect_dma source(%arg8 : memref<128x128xf32, #tpu.memory_space<vmem>>) target(%dma_start3A_127 : memref<10112x128xf32, #tpu.memory_space<vmem_shared>>) offsets(%dma_start3A_124 : memref<128xi32, #tpu.memory_space<vmem>>) semaphore(%run_scoped3A_121 : memref<!tpu.dma_semaphore, #tpu.memory_space<semaphore_mem>>) {add = true}
        %dma_wait3A_128 = arith.constant 0 : i32
        %dma_wait3A_129 = tpu.memref_slice %arg11[%mul3A_90, %dma_wait3A_128] : memref<40x128xi32, #tpu.memory_space<vmem>> -> memref<1x128xi32, #tpu.memory_space<vmem>>
        %dma_wait3A_130 = tpu.memref_squeeze %dma_wait3A_129 : memref<1x128xi32, #tpu.memory_space<vmem>> -> memref<128xi32, #tpu.memory_space<vmem>>
        %dma_wait3A_131 = arith.constant 0 : i32
        %dma_wait3A_132 = arith.constant 0 : i32
        %dma_wait3A_133 = tpu.memref_slice %arg7[%dma_wait3A_131, %dma_wait3A_132] : memref<10112x128xf32, #tpu.memory_space<vmem_shared>> -> memref<10112x128xf32, #tpu.memory_space<vmem_shared>>
        tpu.wait_indirect_dma semaphore(%run_scoped3A_121 : memref<!tpu.dma_semaphore, #tpu.memory_space<semaphore_mem>>) src(%arg8 : memref<128x128xf32, #tpu.memory_space<vmem>>) dst(%dma_wait3A_133 : memref<10112x128xf32, #tpu.memory_space<vmem_shared>>)
        tpu.yield
      }) : () -> ()
      %add3A_105 = arith.constant 2 : i32
      %add3A_106 = arith.addi %mul3A_90, %add3A_105 : i32
      %dma_start3A_107 = arith.constant 0 : i32
      %dma_start3A_108 = tpu.memref_slice %arg10[%add3A_106, %dma_start3A_107] : memref<40x128xi32, #tpu.memory_space<vmem>> -> memref<1x128xi32, #tpu.memory_space<vmem>>
      %dma_start3A_109 = tpu.memref_squeeze %dma_start3A_108 : memref<1x128xi32, #tpu.memory_space<vmem>> -> memref<128xi32, #tpu.memory_space<vmem>>
      %dma_start3A_110 = arith.constant 0 : i32
      %dma_start3A_111 = arith.constant 0 : i32
      %dma_start3A_112 = tpu.memref_slice %arg2[%dma_start3A_110, %dma_start3A_111] : memref<10112x128xf32, #tpu.memory_space<hbm>> -> memref<10112x128xf32, #tpu.memory_space<hbm>>
      tpu.enqueue_indirect_dma source(%dma_start3A_112 : memref<10112x128xf32, #tpu.memory_space<hbm>>) target(%arg8 : memref<128x128xf32, #tpu.memory_space<vmem>>) offsets(%dma_start3A_109 : memref<128xi32, #tpu.memory_space<vmem>>) semaphore(%arg12 : memref<!tpu.dma_semaphore, #tpu.memory_space<semaphore_mem>>)
      %add3A_113 = arith.constant 1 : i32
      %add3A_114 = arith.addi %mul3A_90, %add3A_113 : i32
      %dma_wait3A_115 = arith.constant 0 : i32
      %dma_wait3A_116 = tpu.memref_slice %arg10[%add3A_114, %dma_wait3A_115] : memref<40x128xi32, #tpu.memory_space<vmem>> -> memref<1x128xi32, #tpu.memory_space<vmem>>
      %dma_wait3A_117 = tpu.memref_squeeze %dma_wait3A_116 : memref<1x128xi32, #tpu.memory_space<vmem>> -> memref<128xi32, #tpu.memory_space<vmem>>
      %dma_wait3A_118 = arith.constant 0 : i32
      %dma_wait3A_119 = arith.constant 0 : i32
      %dma_wait3A_120 = tpu.memref_slice %arg2[%dma_wait3A_118, %dma_wait3A_119] : memref<10112x128xf32, #tpu.memory_space<hbm>> -> memref<10112x128xf32, #tpu.memory_space<hbm>>
      tpu.wait_indirect_dma semaphore(%arg13 : memref<!tpu.dma_semaphore, #tpu.memory_space<semaphore_mem>>) src(%dma_wait3A_120 : memref<10112x128xf32, #tpu.memory_space<hbm>>) dst(%arg9 : memref<128x128xf32, #tpu.memory_space<vmem>>)
      "tpu.region"() ({
        %run_scoped3A_121 = tpu.sem_alloc : memref<!tpu.dma_semaphore, #tpu.memory_space<semaphore_mem>>
        %dma_start3A_122 = arith.constant 0 : i32
        %dma_start3A_123 = tpu.memref_slice %arg11[%add3A_114, %dma_start3A_122] : memref<40x128xi32, #tpu.memory_space<vmem>> -> memref<1x128xi32, #tpu.memory_space<vmem>>
        %dma_start3A_124 = tpu.memref_squeeze %dma_start3A_123 : memref<1x128xi32, #tpu.memory_space<vmem>> -> memref<128xi32, #tpu.memory_space<vmem>>
        %dma_start3A_125 = arith.constant 0 : i32
        %dma_start3A_126 = arith.constant 0 : i32
        %dma_start3A_127 = tpu.memref_slice %arg7[%dma_start3A_125, %dma_start3A_126] : memref<10112x128xf32, #tpu.memory_space<vmem_shared>> -> memref<10112x128xf32, #tpu.memory_space<vmem_shared>>
        tpu.enqueue_indirect_dma source(%arg9 : memref<128x128xf32, #tpu.memory_space<vmem>>) target(%dma_start3A_127 : memref<10112x128xf32, #tpu.memory_space<vmem_shared>>) offsets(%dma_start3A_124 : memref<128xi32, #tpu.memory_space<vmem>>) semaphore(%run_scoped3A_121 : memref<!tpu.dma_semaphore, #tpu.memory_space<semaphore_mem>>) {add = true}
        %dma_wait3A_128 = arith.constant 0 : i32
        %dma_wait3A_129 = tpu.memref_slice %arg11[%add3A_114, %dma_wait3A_128] : memref<40x128xi32, #tpu.memory_space<vmem>> -> memref<1x128xi32, #tpu.memory_space<vmem>>
        %dma_wait3A_130 = tpu.memref_squeeze %dma_wait3A_129 : memref<1x128xi32, #tpu.memory_space<vmem>> -> memref<128xi32, #tpu.memory_space<vmem>>
        %dma_wait3A_131 = arith.constant 0 : i32
        %dma_wait3A_132 = arith.constant 0 : i32
        %dma_wait3A_133 = tpu.memref_slice %arg7[%dma_wait3A_131, %dma_wait3A_132] : memref<10112x128xf32, #tpu.memory_space<vmem_shared>> -> memref<10112x128xf32, #tpu.memory_space<vmem_shared>>
        tpu.wait_indirect_dma semaphore(%run_scoped3A_121 : memref<!tpu.dma_semaphore, #tpu.memory_space<semaphore_mem>>) src(%arg9 : memref<128x128xf32, #tpu.memory_space<vmem>>) dst(%dma_wait3A_133 : memref<10112x128xf32, #tpu.memory_space<vmem_shared>>)
        tpu.yield
      }) : () -> ()
    }
    %scan3A_55 = arith.constant 19 : i32
    %dma_start3A_56 = arith.constant 39 : i32
    %dma_start3A_57 = arith.constant 0 : i32
    %dma_start3A_58 = tpu.memref_slice %arg10[%dma_start3A_56, %dma_start3A_57] : memref<40x128xi32, #tpu.memory_space<vmem>> -> memref<1x128xi32, #tpu.memory_space<vmem>>
    %dma_start3A_59 = tpu.memref_squeeze %dma_start3A_58 : memref<1x128xi32, #tpu.memory_space<vmem>> -> memref<128xi32, #tpu.memory_space<vmem>>
    %dma_start3A_60 = arith.constant 0 : i32
    %dma_start3A_61 = arith.constant 0 : i32
    %dma_start3A_62 = tpu.memref_slice %arg2[%dma_start3A_60, %dma_start3A_61] : memref<10112x128xf32, #tpu.memory_space<hbm>> -> memref<10112x128xf32, #tpu.memory_space<hbm>>
    tpu.enqueue_indirect_dma source(%dma_start3A_62 : memref<10112x128xf32, #tpu.memory_space<hbm>>) target(%arg9 : memref<128x128xf32, #tpu.memory_space<vmem>>) offsets(%dma_start3A_59 : memref<128xi32, #tpu.memory_space<vmem>>) semaphore(%arg13 : memref<!tpu.dma_semaphore, #tpu.memory_space<semaphore_mem>>)
    %dma_wait3A_63 = arith.constant 38 : i32
    %dma_wait3A_64 = arith.constant 0 : i32
    %dma_wait3A_65 = tpu.memref_slice %arg10[%dma_wait3A_63, %dma_wait3A_64] : memref<40x128xi32, #tpu.memory_space<vmem>> -> memref<1x128xi32, #tpu.memory_space<vmem>>
    %dma_wait3A_66 = tpu.memref_squeeze %dma_wait3A_65 : memref<1x128xi32, #tpu.memory_space<vmem>> -> memref<128xi32, #tpu.memory_space<vmem>>
    %dma_wait3A_67 = arith.constant 0 : i32
    %dma_wait3A_68 = arith.constant 0 : i32
    %dma_wait3A_69 = tpu.memref_slice %arg2[%dma_wait3A_67, %dma_wait3A_68] : memref<10112x128xf32, #tpu.memory_space<hbm>> -> memref<10112x128xf32, #tpu.memory_space<hbm>>
    tpu.wait_indirect_dma semaphore(%arg12 : memref<!tpu.dma_semaphore, #tpu.memory_space<semaphore_mem>>) src(%dma_wait3A_69 : memref<10112x128xf32, #tpu.memory_space<hbm>>) dst(%arg8 : memref<128x128xf32, #tpu.memory_space<vmem>>)
    %run_scoped3A_70 = arith.constant 38 : i32
    "tpu.region"() ({
      %run_scoped3A_84 = tpu.sem_alloc : memref<!tpu.dma_semaphore, #tpu.memory_space<semaphore_mem>>
      %dma_start3A_85 = arith.constant 0 : i32
      %dma_start3A_86 = tpu.memref_slice %arg11[%run_scoped3A_70, %dma_start3A_85] : memref<40x128xi32, #tpu.memory_space<vmem>> -> memref<1x128xi32, #tpu.memory_space<vmem>>
      %dma_start3A_87 = tpu.memref_squeeze %dma_start3A_86 : memref<1x128xi32, #tpu.memory_space<vmem>> -> memref<128xi32, #tpu.memory_space<vmem>>
      %dma_start3A_88 = arith.constant 0 : i32
      %dma_start3A_89 = arith.constant 0 : i32
      %dma_start3A_90 = tpu.memref_slice %arg7[%dma_start3A_88, %dma_start3A_89] : memref<10112x128xf32, #tpu.memory_space<vmem_shared>> -> memref<10112x128xf32, #tpu.memory_space<vmem_shared>>
      tpu.enqueue_indirect_dma source(%arg8 : memref<128x128xf32, #tpu.memory_space<vmem>>) target(%dma_start3A_90 : memref<10112x128xf32, #tpu.memory_space<vmem_shared>>) offsets(%dma_start3A_87 : memref<128xi32, #tpu.memory_space<vmem>>) semaphore(%run_scoped3A_84 : memref<!tpu.dma_semaphore, #tpu.memory_space<semaphore_mem>>) {add = true}
      %dma_wait3A_91 = arith.constant 0 : i32
      %dma_wait3A_92 = tpu.memref_slice %arg11[%run_scoped3A_70, %dma_wait3A_91] : memref<40x128xi32, #tpu.memory_space<vmem>> -> memref<1x128xi32, #tpu.memory_space<vmem>>
      %dma_wait3A_93 = tpu.memref_squeeze %dma_wait3A_92 : memref<1x128xi32, #tpu.memory_space<vmem>> -> memref<128xi32, #tpu.memory_space<vmem>>
      %dma_wait3A_94 = arith.constant 0 : i32
      %dma_wait3A_95 = arith.constant 0 : i32
      %dma_wait3A_96 = tpu.memref_slice %arg7[%dma_wait3A_94, %dma_wait3A_95] : memref<10112x128xf32, #tpu.memory_space<vmem_shared>> -> memref<10112x128xf32, #tpu.memory_space<vmem_shared>>
      tpu.wait_indirect_dma semaphore(%run_scoped3A_84 : memref<!tpu.dma_semaphore, #tpu.memory_space<semaphore_mem>>) src(%arg8 : memref<128x128xf32, #tpu.memory_space<vmem>>) dst(%dma_wait3A_96 : memref<10112x128xf32, #tpu.memory_space<vmem_shared>>)
      tpu.yield
    }) : () -> ()
    %dma_wait3A_71 = arith.constant 39 : i32
    %dma_wait3A_72 = arith.constant 0 : i32
    %dma_wait3A_73 = tpu.memref_slice %arg10[%dma_wait3A_71, %dma_wait3A_72] : memref<40x128xi32, #tpu.memory_space<vmem>> -> memref<1x128xi32, #tpu.memory_space<vmem>>
    %dma_wait3A_74 = tpu.memref_squeeze %dma_wait3A_73 : memref<1x128xi32, #tpu.memory_space<vmem>> -> memref<128xi32, #tpu.memory_space<vmem>>
    %dma_wait3A_75 = arith.constant 0 : i32
    %dma_wait3A_76 = arith.constant 0 : i32
    %dma_wait3A_77 = tpu.memref_slice %arg2[%dma_wait3A_75, %dma_wait3A_76] : memref<10112x128xf32, #tpu.memory_space<hbm>> -> memref<10112x128xf32, #tpu.memory_space<hbm>>
    tpu.wait_indirect_dma semaphore(%arg13 : memref<!tpu.dma_semaphore, #tpu.memory_space<semaphore_mem>>) src(%dma_wait3A_77 : memref<10112x128xf32, #tpu.memory_space<hbm>>) dst(%arg9 : memref<128x128xf32, #tpu.memory_space<vmem>>)
    %run_scoped3A_78 = arith.constant 39 : i32
    "tpu.region"() ({
      %run_scoped3A_84 = tpu.sem_alloc : memref<!tpu.dma_semaphore, #tpu.memory_space<semaphore_mem>>
      %dma_start3A_85 = arith.constant 0 : i32
      %dma_start3A_86 = tpu.memref_slice %arg11[%run_scoped3A_78, %dma_start3A_85] : memref<40x128xi32, #tpu.memory_space<vmem>> -> memref<1x128xi32, #tpu.memory_space<vmem>>
      %dma_start3A_87 = tpu.memref_squeeze %dma_start3A_86 : memref<1x128xi32, #tpu.memory_space<vmem>> -> memref<128xi32, #tpu.memory_space<vmem>>
      %dma_start3A_88 = arith.constant 0 : i32
      %dma_start3A_89 = arith.constant 0 : i32
      %dma_start3A_90 = tpu.memref_slice %arg7[%dma_start3A_88, %dma_start3A_89] : memref<10112x128xf32, #tpu.memory_space<vmem_shared>> -> memref<10112x128xf32, #tpu.memory_space<vmem_shared>>
      tpu.enqueue_indirect_dma source(%arg9 : memref<128x128xf32, #tpu.memory_space<vmem>>) target(%dma_start3A_90 : memref<10112x128xf32, #tpu.memory_space<vmem_shared>>) offsets(%dma_start3A_87 : memref<128xi32, #tpu.memory_space<vmem>>) semaphore(%run_scoped3A_84 : memref<!tpu.dma_semaphore, #tpu.memory_space<semaphore_mem>>) {add = true}
      %dma_wait3A_91 = arith.constant 0 : i32
      %dma_wait3A_92 = tpu.memref_slice %arg11[%run_scoped3A_78, %dma_wait3A_91] : memref<40x128xi32, #tpu.memory_space<vmem>> -> memref<1x128xi32, #tpu.memory_space<vmem>>
      %dma_wait3A_93 = tpu.memref_squeeze %dma_wait3A_92 : memref<1x128xi32, #tpu.memory_space<vmem>> -> memref<128xi32, #tpu.memory_space<vmem>>
      %dma_wait3A_94 = arith.constant 0 : i32
      %dma_wait3A_95 = arith.constant 0 : i32
      %dma_wait3A_96 = tpu.memref_slice %arg7[%dma_wait3A_94, %dma_wait3A_95] : memref<10112x128xf32, #tpu.memory_space<vmem_shared>> -> memref<10112x128xf32, #tpu.memory_space<vmem_shared>>
      tpu.wait_indirect_dma semaphore(%run_scoped3A_84 : memref<!tpu.dma_semaphore, #tpu.memory_space<semaphore_mem>>) src(%arg9 : memref<128x128xf32, #tpu.memory_space<vmem>>) dst(%dma_wait3A_96 : memref<10112x128xf32, #tpu.memory_space<vmem_shared>>)
      tpu.yield
    }) : () -> ()
    %barrier3A_79 = arith.constant 0 : index
    tpu.barrier barrier_id(%barrier3A_79)
    %mul3A_80 = arith.constant 632 : i32
    %mul3A_81 = arith.muli %arg1, %mul3A_80 : i32
    %mul3A_82 = arith.constant 632 : i32
    %mul3A_83 = arith.muli %arg1, %mul3A_82 : i32
    "tpu.region"() ({
      %run_scoped3A_84 = tpu.sem_alloc : memref<!tpu.dma_semaphore, #tpu.memory_space<semaphore_mem>>
      %dma_start3A_85 = arith.constant 0 : i32
      %dma_start3A_86 = arith.constant 0 : i32
      %dma_start3A_87 = tpu.memref_slice %arg6[%arg0, %dma_start3A_85, %dma_start3A_86] : memref<2x10112x128xf32, #tpu.memory_space<hbm>> -> memref<1x10112x128xf32, #tpu.memory_space<hbm>>
      %dma_start3A_88 = tpu.memref_squeeze %dma_start3A_87 : memref<1x10112x128xf32, #tpu.memory_space<hbm>> -> memref<10112x128xf32, #tpu.memory_space<hbm>>
      %dma_start3A_89 = arith.constant 0 : i32
      %dma_start3A_90 = tpu.memref_slice %dma_start3A_88[%mul3A_83, %dma_start3A_89] : memref<10112x128xf32, #tpu.memory_space<hbm>> -> memref<632x128xf32, #tpu.memory_space<hbm>>
      %dma_start3A_91 = arith.constant 0 : i32
      %dma_start3A_92 = tpu.memref_slice %arg7[%mul3A_81, %dma_start3A_91] : memref<10112x128xf32, #tpu.memory_space<vmem_shared>> -> memref<632x128xf32, #tpu.memory_space<vmem_shared>>
      tpu.enqueue_dma source(%dma_start3A_92 : memref<632x128xf32, #tpu.memory_space<vmem_shared>>) target(%dma_start3A_90 : memref<632x128xf32, #tpu.memory_space<hbm>>) target_semaphore(%run_scoped3A_84 : memref<!tpu.dma_semaphore, #tpu.memory_space<semaphore_mem>>)
      %dma_wait3A_93 = arith.constant 0 : i32
      %dma_wait3A_94 = arith.constant 0 : i32
      %dma_wait3A_95 = tpu.memref_slice %arg6[%arg0, %dma_wait3A_93, %dma_wait3A_94] : memref<2x10112x128xf32, #tpu.memory_space<hbm>> -> memref<1x10112x128xf32, #tpu.memory_space<hbm>>
      %dma_wait3A_96 = tpu.memref_squeeze %dma_wait3A_95 : memref<1x10112x128xf32, #tpu.memory_space<hbm>> -> memref<10112x128xf32, #tpu.memory_space<hbm>>
      %dma_wait3A_97 = arith.constant 0 : i32
      %dma_wait3A_98 = tpu.memref_slice %dma_wait3A_96[%mul3A_83, %dma_wait3A_97] : memref<10112x128xf32, #tpu.memory_space<hbm>> -> memref<632x128xf32, #tpu.memory_space<hbm>>
      %dma_wait3A_99 = arith.constant 0 : i32
      %dma_wait3A_100 = tpu.memref_slice %arg7[%mul3A_81, %dma_wait3A_99] : memref<10112x128xf32, #tpu.memory_space<vmem_shared>> -> memref<632x128xf32, #tpu.memory_space<vmem_shared>>
      tpu.wait_dma2 semaphore(%run_scoped3A_84 : memref<!tpu.dma_semaphore, #tpu.memory_space<semaphore_mem>>) src(%dma_wait3A_100 : memref<632x128xf32, #tpu.memory_space<vmem_shared>>) dst(%dma_wait3A_98 : memref<632x128xf32, #tpu.memory_space<hbm>>)
      tpu.yield
    }) : () -> ()
    return
  }
}

#map = affine_map<(d0, d1) -> (0, 0)>
#map1 = affine_map<(d0, d1) -> (0, 0, 0)>
module attributes {stable_mosaic.version = 14 : i64} {
  func.func @_deg_sc(%arg0: i32, %arg1: i32, %arg2: memref<2560x128xi32, #tpu.memory_space<hbm>>, %arg3: memref<128x16xf32, #tpu.memory_space<hbm>>, %arg4: memref<632x16xf32, #tpu.memory_space<hbm>>, %arg5: memref<2x10112x16xf32, #tpu.memory_space<hbm>>, %arg6: memref<10112x16xf32, #tpu.memory_space<vmem_shared>>, %arg7: memref<128x16xf32, #tpu.memory_space<vmem>>, %arg8: memref<80x128xi32, #tpu.memory_space<vmem>>) attributes {dimension_semantics = [#tpu.dimension_semantics<core_parallel>, #tpu.dimension_semantics<subcore_parallel>], iteration_bounds = array<i64: 2, 16>, scalar_prefetch = 0 : i64, scratch_operands = 3 : i64, tpu.core_type = #tpu.core_type<sc_vector_subcore>, window_params = [{transform_indices = #map}, {transform_indices = #map}, {transform_indices = #map}, {transform_indices = #map1}]} {
    %mul3A = arith.constant 16 : i32
    %mul3A_0 = arith.muli %arg0, %mul3A : i32
    %add3A = arith.addi %mul3A_0, %arg1 : i32
    %mul3A_1 = arith.constant 80 : i32
    %mul3A_2 = arith.muli %add3A, %mul3A_1 : i32
    "tpu.region"() ({
      %run_scoped3A = tpu.sem_alloc : memref<!tpu.dma_semaphore, #tpu.memory_space<semaphore_mem>>
      %dma_start3A = arith.constant 0 : i32
      %dma_start3A_14 = tpu.memref_slice %arg2[%mul3A_2, %dma_start3A] : memref<2560x128xi32, #tpu.memory_space<hbm>> -> memref<80x128xi32, #tpu.memory_space<hbm>>
      %dma_start3A_15 = arith.constant 0 : i32
      %dma_start3A_16 = tpu.memref_slice %arg2[%mul3A_2, %dma_start3A_15] : memref<2560x128xi32, #tpu.memory_space<hbm>> -> memref<80x128xi32, #tpu.memory_space<hbm>>
      tpu.enqueue_dma source(%dma_start3A_16 : memref<80x128xi32, #tpu.memory_space<hbm>>) target(%arg8 : memref<80x128xi32, #tpu.memory_space<vmem>>) target_semaphore(%run_scoped3A : memref<!tpu.dma_semaphore, #tpu.memory_space<semaphore_mem>>)
      %dma_wait3A = arith.constant 0 : i32
      %dma_wait3A_17 = tpu.memref_slice %arg2[%mul3A_2, %dma_wait3A] : memref<2560x128xi32, #tpu.memory_space<hbm>> -> memref<80x128xi32, #tpu.memory_space<hbm>>
      %dma_wait3A_18 = arith.constant 0 : i32
      %dma_wait3A_19 = tpu.memref_slice %arg2[%mul3A_2, %dma_wait3A_18] : memref<2560x128xi32, #tpu.memory_space<hbm>> -> memref<80x128xi32, #tpu.memory_space<hbm>>
      tpu.wait_dma2 semaphore(%run_scoped3A : memref<!tpu.dma_semaphore, #tpu.memory_space<semaphore_mem>>) src(%dma_wait3A_19 : memref<80x128xi32, #tpu.memory_space<hbm>>) dst(%arg8 : memref<80x128xi32, #tpu.memory_space<vmem>>)
      tpu.yield
    }) : () -> ()
    "tpu.region"() ({
      %run_scoped3A = tpu.sem_alloc : memref<!tpu.dma_semaphore, #tpu.memory_space<semaphore_mem>>
      tpu.enqueue_dma source(%arg3 : memref<128x16xf32, #tpu.memory_space<hbm>>) target(%arg7 : memref<128x16xf32, #tpu.memory_space<vmem>>) target_semaphore(%run_scoped3A : memref<!tpu.dma_semaphore, #tpu.memory_space<semaphore_mem>>)
      tpu.wait_dma2 semaphore(%run_scoped3A : memref<!tpu.dma_semaphore, #tpu.memory_space<semaphore_mem>>) src(%arg3 : memref<128x16xf32, #tpu.memory_space<hbm>>) dst(%arg7 : memref<128x16xf32, #tpu.memory_space<vmem>>)
      tpu.yield
    }) : () -> ()
    %mul3A_3 = arith.constant 632 : i32
    %mul3A_4 = arith.muli %arg1, %mul3A_3 : i32
    "tpu.region"() ({
      %run_scoped3A = tpu.sem_alloc : memref<!tpu.dma_semaphore, #tpu.memory_space<semaphore_mem>>
      %dma_start3A = arith.constant 0 : i32
      %dma_start3A_14 = tpu.memref_slice %arg6[%mul3A_4, %dma_start3A] : memref<10112x16xf32, #tpu.memory_space<vmem_shared>> -> memref<632x16xf32, #tpu.memory_space<vmem_shared>>
      tpu.enqueue_dma source(%arg4 : memref<632x16xf32, #tpu.memory_space<hbm>>) target(%dma_start3A_14 : memref<632x16xf32, #tpu.memory_space<vmem_shared>>) target_semaphore(%run_scoped3A : memref<!tpu.dma_semaphore, #tpu.memory_space<semaphore_mem>>)
      %dma_wait3A = arith.constant 0 : i32
      %dma_wait3A_15 = tpu.memref_slice %arg6[%mul3A_4, %dma_wait3A] : memref<10112x16xf32, #tpu.memory_space<vmem_shared>> -> memref<632x16xf32, #tpu.memory_space<vmem_shared>>
      tpu.wait_dma2 semaphore(%run_scoped3A : memref<!tpu.dma_semaphore, #tpu.memory_space<semaphore_mem>>) src(%arg4 : memref<632x16xf32, #tpu.memory_space<hbm>>) dst(%dma_wait3A_15 : memref<632x16xf32, #tpu.memory_space<vmem_shared>>)
      tpu.yield
    }) : () -> ()
    %barrier3A = arith.constant 0 : index
    tpu.barrier barrier_id(%barrier3A)
    %scan3A = arith.constant 0 : i32
    %scan3A_5 = arith.constant 80 : i32
    %scan3A_6 = arith.addi %scan3A, %scan3A_5 : i32
    %scan3A_7 = arith.constant 1 : i32
    scf.for %scan3A_14 = %scan3A to %scan3A_6 step %scan3A_7  : i32 {
      %mul3A_15 = arith.constant 1 : i32
      %mul3A_16 = arith.muli %scan3A_14, %mul3A_15 : i32
      %add3A_17 = arith.constant 0 : i32
      %add3A_18 = arith.addi %add3A_17, %mul3A_16 : i32
      "tpu.region"() ({
        %run_scoped3A = tpu.sem_alloc : memref<!tpu.dma_semaphore, #tpu.memory_space<semaphore_mem>>
        %dma_start3A = arith.constant 0 : i32
        %dma_start3A_19 = tpu.memref_slice %arg8[%add3A_18, %dma_start3A] : memref<80x128xi32, #tpu.memory_space<vmem>> -> memref<1x128xi32, #tpu.memory_space<vmem>>
        %dma_start3A_20 = tpu.memref_squeeze %dma_start3A_19 : memref<1x128xi32, #tpu.memory_space<vmem>> -> memref<128xi32, #tpu.memory_space<vmem>>
        %dma_start3A_21 = arith.constant 0 : i32
        %dma_start3A_22 = arith.constant 0 : i32
        %dma_start3A_23 = tpu.memref_slice %arg6[%dma_start3A_21, %dma_start3A_22] : memref<10112x16xf32, #tpu.memory_space<vmem_shared>> -> memref<10112x16xf32, #tpu.memory_space<vmem_shared>>
        tpu.enqueue_indirect_dma source(%arg7 : memref<128x16xf32, #tpu.memory_space<vmem>>) target(%dma_start3A_23 : memref<10112x16xf32, #tpu.memory_space<vmem_shared>>) offsets(%dma_start3A_20 : memref<128xi32, #tpu.memory_space<vmem>>) semaphore(%run_scoped3A : memref<!tpu.dma_semaphore, #tpu.memory_space<semaphore_mem>>) {add = true}
        %dma_wait3A = arith.constant 0 : i32
        %dma_wait3A_24 = tpu.memref_slice %arg8[%add3A_18, %dma_wait3A] : memref<80x128xi32, #tpu.memory_space<vmem>> -> memref<1x128xi32, #tpu.memory_space<vmem>>
        %dma_wait3A_25 = tpu.memref_squeeze %dma_wait3A_24 : memref<1x128xi32, #tpu.memory_space<vmem>> -> memref<128xi32, #tpu.memory_space<vmem>>
        %dma_wait3A_26 = arith.constant 0 : i32
        %dma_wait3A_27 = arith.constant 0 : i32
        %dma_wait3A_28 = tpu.memref_slice %arg6[%dma_wait3A_26, %dma_wait3A_27] : memref<10112x16xf32, #tpu.memory_space<vmem_shared>> -> memref<10112x16xf32, #tpu.memory_space<vmem_shared>>
        tpu.wait_indirect_dma semaphore(%run_scoped3A : memref<!tpu.dma_semaphore, #tpu.memory_space<semaphore_mem>>) src(%arg7 : memref<128x16xf32, #tpu.memory_space<vmem>>) dst(%dma_wait3A_28 : memref<10112x16xf32, #tpu.memory_space<vmem_shared>>)
        tpu.yield
      }) : () -> ()
    }
    %scan3A_8 = arith.constant 80 : i32
    %barrier3A_9 = arith.constant 0 : index
    tpu.barrier barrier_id(%barrier3A_9)
    %mul3A_10 = arith.constant 632 : i32
    %mul3A_11 = arith.muli %arg1, %mul3A_10 : i32
    %mul3A_12 = arith.constant 632 : i32
    %mul3A_13 = arith.muli %arg1, %mul3A_12 : i32
    "tpu.region"() ({
      %run_scoped3A = tpu.sem_alloc : memref<!tpu.dma_semaphore, #tpu.memory_space<semaphore_mem>>
      %dma_start3A = arith.constant 0 : i32
      %dma_start3A_14 = arith.constant 0 : i32
      %dma_start3A_15 = tpu.memref_slice %arg5[%arg0, %dma_start3A, %dma_start3A_14] : memref<2x10112x16xf32, #tpu.memory_space<hbm>> -> memref<1x10112x16xf32, #tpu.memory_space<hbm>>
      %dma_start3A_16 = tpu.memref_squeeze %dma_start3A_15 : memref<1x10112x16xf32, #tpu.memory_space<hbm>> -> memref<10112x16xf32, #tpu.memory_space<hbm>>
      %dma_start3A_17 = arith.constant 0 : i32
      %dma_start3A_18 = tpu.memref_slice %dma_start3A_16[%mul3A_13, %dma_start3A_17] : memref<10112x16xf32, #tpu.memory_space<hbm>> -> memref<632x16xf32, #tpu.memory_space<hbm>>
      %dma_start3A_19 = arith.constant 0 : i32
      %dma_start3A_20 = tpu.memref_slice %arg6[%mul3A_11, %dma_start3A_19] : memref<10112x16xf32, #tpu.memory_space<vmem_shared>> -> memref<632x16xf32, #tpu.memory_space<vmem_shared>>
      tpu.enqueue_dma source(%dma_start3A_20 : memref<632x16xf32, #tpu.memory_space<vmem_shared>>) target(%dma_start3A_18 : memref<632x16xf32, #tpu.memory_space<hbm>>) target_semaphore(%run_scoped3A : memref<!tpu.dma_semaphore, #tpu.memory_space<semaphore_mem>>)
      %dma_wait3A = arith.constant 0 : i32
      %dma_wait3A_21 = arith.constant 0 : i32
      %dma_wait3A_22 = tpu.memref_slice %arg5[%arg0, %dma_wait3A, %dma_wait3A_21] : memref<2x10112x16xf32, #tpu.memory_space<hbm>> -> memref<1x10112x16xf32, #tpu.memory_space<hbm>>
      %dma_wait3A_23 = tpu.memref_squeeze %dma_wait3A_22 : memref<1x10112x16xf32, #tpu.memory_space<hbm>> -> memref<10112x16xf32, #tpu.memory_space<hbm>>
      %dma_wait3A_24 = arith.constant 0 : i32
      %dma_wait3A_25 = tpu.memref_slice %dma_wait3A_23[%mul3A_13, %dma_wait3A_24] : memref<10112x16xf32, #tpu.memory_space<hbm>> -> memref<632x16xf32, #tpu.memory_space<hbm>>
      %dma_wait3A_26 = arith.constant 0 : i32
      %dma_wait3A_27 = tpu.memref_slice %arg6[%mul3A_11, %dma_wait3A_26] : memref<10112x16xf32, #tpu.memory_space<vmem_shared>> -> memref<632x16xf32, #tpu.memory_space<vmem_shared>>
      tpu.wait_dma2 semaphore(%run_scoped3A : memref<!tpu.dma_semaphore, #tpu.memory_space<semaphore_mem>>) src(%dma_wait3A_27 : memref<632x16xf32, #tpu.memory_space<vmem_shared>>) dst(%dma_wait3A_25 : memref<632x16xf32, #tpu.memory_space<hbm>>)
      tpu.yield
    }) : () -> ()
    return
  }
}

module attributes {stable_mosaic.version = 14 : i64} {
  func.func @_k1_body(%arg0: memref<10000x128xf32, #tpu.memory_space<vmem>>, %arg1: memref<128x128xf32, #tpu.memory_space<vmem>>, %arg2: memref<2x10112x16xf32, #tpu.memory_space<vmem>>, %arg3: memref<10112x128xf32, #tpu.memory_space<vmem>>) attributes {dimension_semantics = [], scalar_prefetch = 0 : i64, scratch_operands = 0 : i64, tpu.core_type = #tpu.core_type<tc>} {
    %get3A = arith.constant 0 : index
    %get3A_0 = arith.constant 0 : index
    %get3A_1 = arith.constant 0 : index
    %get3A_2 = vector.load %arg2[%get3A, %get3A_0, %get3A_1] : memref<2x10112x16xf32, #tpu.memory_space<vmem>>, vector<2x10112x16xf32>
    %slice3A = vector.extract_strided_slice %get3A_2 {offsets = [0, 0, 0], sizes = [1, 10000, 1], strides = [1, 1, 1]} : vector<2x10112x16xf32> to vector<1x10000x1xf32>
    %squeeze3A = vector.shape_cast %slice3A : vector<1x10000x1xf32> to vector<10000x1xf32>
    %slice3A_3 = vector.extract_strided_slice %get3A_2 {offsets = [1, 0, 0], sizes = [1, 10000, 1], strides = [1, 1, 1]} : vector<2x10112x16xf32> to vector<1x10000x1xf32>
    %squeeze3A_4 = vector.shape_cast %slice3A_3 : vector<1x10000x1xf32> to vector<10000x1xf32>
    %add3A = arith.addf %squeeze3A, %squeeze3A_4 : vector<10000x1xf32>
    %add3A_5 = arith.constant 1.000000e+00 : f32
    %add3A_6 = vector.broadcast %add3A_5 : f32 to vector<10000x1xf32>
    %add3A_7 = arith.addf %add3A, %add3A_6 : vector<10000x1xf32>
    %rsqrt3A = math.rsqrt %add3A_7 : vector<10000x1xf32>
    %get3A_8 = arith.constant 0 : index
    %get3A_9 = arith.constant 0 : index
    %get3A_10 = vector.load %arg0[%get3A_8, %get3A_9] : memref<10000x128xf32, #tpu.memory_space<vmem>>, vector<10000x128xf32>
    %get3A_11 = arith.constant 0 : index
    %get3A_12 = arith.constant 0 : index
    %get3A_13 = vector.load %arg1[%get3A_11, %get3A_12] : memref<128x128xf32, #tpu.memory_space<vmem>>, vector<128x128xf32>
    %dot_general3A = arith.constant dense<0.000000e+00> : vector<10000x128xf32>
    %dot_general3A_14 = tpu.matmul %get3A_10, %get3A_13, %dot_general3A {dimension_numbers = #tpu.dot_dimension_numbers<[1], [0], [0], [1], [0, 0, 1, 1], [], []>, transpose_lhs_hint = false} : vector<10000x128xf32>, vector<128x128xf32>, vector<10000x128xf32> -> vector<10000x128xf32>
    %mul3A = vector.broadcast %rsqrt3A : vector<10000x1xf32> to vector<10000x128xf32>
    %mul3A_15 = arith.mulf %dot_general3A_14, %mul3A : vector<10000x128xf32>
    %swap3A = arith.constant 0 : index
    %swap3A_16 = arith.constant 0 : index
    %swap3A_17 = vector.load %arg3[%swap3A, %swap3A_16] : memref<10112x128xf32, #tpu.memory_space<vmem>>, vector<10000x128xf32>
    tpu.vector_store %arg3[%swap3A, %swap3A_16], %mul3A_15 {strides = array<i32>} : memref<10112x128xf32, #tpu.memory_space<vmem>>, vector<10000x128xf32>,
    %broadcast_in_dim3A = arith.constant 0.000000e+00 : f32
    %broadcast_in_dim3A_18 = vector.broadcast %broadcast_in_dim3A : f32 to vector<112x128xf32>
    %swap3A_19 = arith.constant 10000 : index
    %swap3A_20 = arith.constant 0 : index
    %swap3A_21 = vector.load %arg3[%swap3A_19, %swap3A_20] : memref<10112x128xf32, #tpu.memory_space<vmem>>, vector<112x128xf32>
    tpu.vector_store %arg3[%swap3A_19, %swap3A_20], %broadcast_in_dim3A_18 {strides = array<i32>} : memref<10112x128xf32, #tpu.memory_space<vmem>>, vector<112x128xf32>,
    return
  }
}

module attributes {stable_mosaic.version = 14 : i64} {
  func.func @_k2_body(%arg0: memref<2x10112x128xf32, #tpu.memory_space<vmem>>, %arg1: memref<10112x128xf32, #tpu.memory_space<vmem>>, %arg2: memref<2x10112x16xf32, #tpu.memory_space<vmem>>, %arg3: memref<1x128xf32, #tpu.memory_space<vmem>>, %arg4: memref<128x128xf32, #tpu.memory_space<vmem>>, %arg5: memref<10112x128xf32, #tpu.memory_space<vmem>>) attributes {dimension_semantics = [], scalar_prefetch = 0 : i64, scratch_operands = 0 : i64, tpu.core_type = #tpu.core_type<tc>} {
    %get3A = arith.constant 0 : index
    %get3A_0 = arith.constant 0 : index
    %get3A_1 = arith.constant 0 : index
    %get3A_2 = vector.load %arg2[%get3A, %get3A_0, %get3A_1] : memref<2x10112x16xf32, #tpu.memory_space<vmem>>, vector<2x10112x16xf32>
    %slice3A = vector.extract_strided_slice %get3A_2 {offsets = [0, 0, 0], sizes = [1, 10000, 1], strides = [1, 1, 1]} : vector<2x10112x16xf32> to vector<1x10000x1xf32>
    %squeeze3A = vector.shape_cast %slice3A : vector<1x10000x1xf32> to vector<10000x1xf32>
    %slice3A_3 = vector.extract_strided_slice %get3A_2 {offsets = [1, 0, 0], sizes = [1, 10000, 1], strides = [1, 1, 1]} : vector<2x10112x16xf32> to vector<1x10000x1xf32>
    %squeeze3A_4 = vector.shape_cast %slice3A_3 : vector<1x10000x1xf32> to vector<10000x1xf32>
    %add3A = arith.addf %squeeze3A, %squeeze3A_4 : vector<10000x1xf32>
    %add3A_5 = arith.constant 1.000000e+00 : f32
    %add3A_6 = vector.broadcast %add3A_5 : f32 to vector<10000x1xf32>
    %add3A_7 = arith.addf %add3A, %add3A_6 : vector<10000x1xf32>
    %rsqrt3A = math.rsqrt %add3A_7 : vector<10000x1xf32>
    %get3A_8 = arith.constant 0 : index
    %get3A_9 = arith.constant 0 : index
    %get3A_10 = arith.constant 0 : index
    %get3A_11 = vector.load %arg0[%get3A_8, %get3A_9, %get3A_10] : memref<2x10112x128xf32, #tpu.memory_space<vmem>>, vector<1x10000x128xf32>
    %get3A_12 = vector.shape_cast %get3A_11 : vector<1x10000x128xf32> to vector<10000x128xf32>
    %get3A_13 = arith.constant 1 : index
    %get3A_14 = arith.constant 0 : index
    %get3A_15 = arith.constant 0 : index
    %get3A_16 = vector.load %arg0[%get3A_13, %get3A_14, %get3A_15] : memref<2x10112x128xf32, #tpu.memory_space<vmem>>, vector<1x10000x128xf32>
    %get3A_17 = vector.shape_cast %get3A_16 : vector<1x10000x128xf32> to vector<10000x128xf32>
    %add3A_18 = arith.addf %get3A_12, %get3A_17 : vector<10000x128xf32>
    %get3A_19 = arith.constant 0 : index
    %get3A_20 = arith.constant 0 : index
    %get3A_21 = vector.load %arg1[%get3A_19, %get3A_20] : memref<10112x128xf32, #tpu.memory_space<vmem>>, vector<10000x128xf32>
    %add3A_22 = arith.addf %add3A_18, %get3A_21 : vector<10000x128xf32>
    %mul3A = vector.broadcast %rsqrt3A : vector<10000x1xf32> to vector<10000x128xf32>
    %mul3A_23 = arith.mulf %add3A_22, %mul3A : vector<10000x128xf32>
    %get3A_24 = arith.constant 0 : index
    %get3A_25 = arith.constant 0 : index
    %get3A_26 = vector.load %arg3[%get3A_24, %get3A_25] : memref<1x128xf32, #tpu.memory_space<vmem>>, vector<1x128xf32>
    %add3A_27 = vector.broadcast %get3A_26 : vector<1x128xf32> to vector<10000x128xf32>
    %add3A_28 = arith.addf %mul3A_23, %add3A_27 : vector<10000x128xf32>
    %max3A = arith.constant 0.000000e+00 : f32
    %max3A_29 = vector.broadcast %max3A : f32 to vector<10000x128xf32>
    %max3A_30 = arith.maximumf %add3A_28, %max3A_29 : vector<10000x128xf32>
    %get3A_31 = arith.constant 0 : index
    %get3A_32 = arith.constant 0 : index
    %get3A_33 = vector.load %arg4[%get3A_31, %get3A_32] : memref<128x128xf32, #tpu.memory_space<vmem>>, vector<128x128xf32>
    %dot_general3A = arith.constant dense<0.000000e+00> : vector<10000x128xf32>
    %dot_general3A_34 = tpu.matmul %max3A_30, %get3A_33, %dot_general3A {dimension_numbers = #tpu.dot_dimension_numbers<[1], [0], [0], [1], [0, 0, 1, 1], [], []>, transpose_lhs_hint = false} : vector<10000x128xf32>, vector<128x128xf32>, vector<10000x128xf32> -> vector<10000x128xf32>
    %mul3A_35 = vector.broadcast %rsqrt3A : vector<10000x1xf32> to vector<10000x128xf32>
    %mul3A_36 = arith.mulf %dot_general3A_34, %mul3A_35 : vector<10000x128xf32>
    %swap3A = arith.constant 0 : index
    %swap3A_37 = arith.constant 0 : index
    %swap3A_38 = vector.load %arg5[%swap3A, %swap3A_37] : memref<10112x128xf32, #tpu.memory_space<vmem>>, vector<10000x128xf32>
    tpu.vector_store %arg5[%swap3A, %swap3A_37], %mul3A_36 {strides = array<i32>} : memref<10112x128xf32, #tpu.memory_space<vmem>>, vector<10000x128xf32>,
    %broadcast_in_dim3A = arith.constant 0.000000e+00 : f32
    %broadcast_in_dim3A_39 = vector.broadcast %broadcast_in_dim3A : f32 to vector<112x128xf32>
    %swap3A_40 = arith.constant 10000 : index
    %swap3A_41 = arith.constant 0 : index
    %swap3A_42 = vector.load %arg5[%swap3A_40, %swap3A_41] : memref<10112x128xf32, #tpu.memory_space<vmem>>, vector<112x128xf32>
    tpu.vector_store %arg5[%swap3A_40, %swap3A_41], %broadcast_in_dim3A_39 {strides = array<i32>} : memref<10112x128xf32, #tpu.memory_space<vmem>>, vector<112x128xf32>,
    return
  }
}

module attributes {stable_mosaic.version = 14 : i64} {
  func.func @_k3_body(%arg0: memref<2x10112x128xf32, #tpu.memory_space<vmem>>, %arg1: memref<10112x128xf32, #tpu.memory_space<vmem>>, %arg2: memref<2x10112x16xf32, #tpu.memory_space<vmem>>, %arg3: memref<1x128xf32, #tpu.memory_space<vmem>>, %arg4: memref<8x10000xi32, #tpu.memory_space<vmem>>, %arg5: memref<512x256xf32, #tpu.memory_space<vmem>>, %arg6: memref<512x128xf32, #tpu.memory_space<vmem>>, %arg7: memref<1x512xf32, #tpu.memory_space<vmem>>, %arg8: memref<1x512xf32, #tpu.memory_space<vmem>>, %arg9: memref<64x256xf32, #tpu.memory_space<vmem>>) attributes {dimension_semantics = [], scalar_prefetch = 0 : i64, scratch_operands = 0 : i64, tpu.core_type = #tpu.core_type<tc>} {
    %get3A = arith.constant 0 : index
    %get3A_0 = arith.constant 0 : index
    %get3A_1 = arith.constant 0 : index
    %get3A_2 = vector.load %arg2[%get3A, %get3A_0, %get3A_1] : memref<2x10112x16xf32, #tpu.memory_space<vmem>>, vector<2x10112x16xf32>
    %slice3A = vector.extract_strided_slice %get3A_2 {offsets = [0, 0, 0], sizes = [1, 10000, 1], strides = [1, 1, 1]} : vector<2x10112x16xf32> to vector<1x10000x1xf32>
    %squeeze3A = vector.shape_cast %slice3A : vector<1x10000x1xf32> to vector<10000x1xf32>
    %slice3A_3 = vector.extract_strided_slice %get3A_2 {offsets = [1, 0, 0], sizes = [1, 10000, 1], strides = [1, 1, 1]} : vector<2x10112x16xf32> to vector<1x10000x1xf32>
    %squeeze3A_4 = vector.shape_cast %slice3A_3 : vector<1x10000x1xf32> to vector<10000x1xf32>
    %add3A = arith.addf %squeeze3A, %squeeze3A_4 : vector<10000x1xf32>
    %add3A_5 = arith.constant 1.000000e+00 : f32
    %add3A_6 = vector.broadcast %add3A_5 : f32 to vector<10000x1xf32>
    %add3A_7 = arith.addf %add3A, %add3A_6 : vector<10000x1xf32>
    %rsqrt3A = math.rsqrt %add3A_7 : vector<10000x1xf32>
    %get3A_8 = arith.constant 0 : index
    %get3A_9 = arith.constant 0 : index
    %get3A_10 = arith.constant 0 : index
    %get3A_11 = vector.load %arg0[%get3A_8, %get3A_9, %get3A_10] : memref<2x10112x128xf32, #tpu.memory_space<vmem>>, vector<1x10000x128xf32>
    %get3A_12 = vector.shape_cast %get3A_11 : vector<1x10000x128xf32> to vector<10000x128xf32>
    %get3A_13 = arith.constant 1 : index
    %get3A_14 = arith.constant 0 : index
    %get3A_15 = arith.constant 0 : index
    %get3A_16 = vector.load %arg0[%get3A_13, %get3A_14, %get3A_15] : memref<2x10112x128xf32, #tpu.memory_space<vmem>>, vector<1x10000x128xf32>
    %get3A_17 = vector.shape_cast %get3A_16 : vector<1x10000x128xf32> to vector<10000x128xf32>
    %add3A_18 = arith.addf %get3A_12, %get3A_17 : vector<10000x128xf32>
    %get3A_19 = arith.constant 0 : index
    %get3A_20 = arith.constant 0 : index
    %get3A_21 = vector.load %arg1[%get3A_19, %get3A_20] : memref<10112x128xf32, #tpu.memory_space<vmem>>, vector<10000x128xf32>
    %add3A_22 = arith.addf %add3A_18, %get3A_21 : vector<10000x128xf32>
    %mul3A = vector.broadcast %rsqrt3A : vector<10000x1xf32> to vector<10000x128xf32>
    %mul3A_23 = arith.mulf %add3A_22, %mul3A : vector<10000x128xf32>
    %get3A_24 = arith.constant 0 : index
    %get3A_25 = arith.constant 0 : index
    %get3A_26 = vector.load %arg3[%get3A_24, %get3A_25] : memref<1x128xf32, #tpu.memory_space<vmem>>, vector<1x128xf32>
    %add3A_27 = vector.broadcast %get3A_26 : vector<1x128xf32> to vector<10000x128xf32>
    %add3A_28 = arith.addf %mul3A_23, %add3A_27 : vector<10000x128xf32>
    %get3A_29 = arith.constant 0 : index
    %get3A_30 = arith.constant 0 : index
    %get3A_31 = vector.load %arg4[%get3A_29, %get3A_30] : memref<8x10000xi32, #tpu.memory_space<vmem>>, vector<1x10000xi32>
    %iota3A = tpu.iota {dimensions = array<i32: 0>} : vector<64x10000xi32>
    %eq3A = vector.broadcast %get3A_31 : vector<1x10000xi32> to vector<64x10000xi32>
    %eq3A_32 = arith.cmpi eq, %iota3A, %eq3A : vector<64x10000xi32>
    %broadcast_in_dim3A = arith.constant 0.000000e+00 : f32
    %broadcast_in_dim3A_33 = vector.broadcast %broadcast_in_dim3A : f32 to vector<64x256xf32>
    %broadcast_in_dim3A_34 = arith.constant 0.000000e+00 : f32
    %broadcast_in_dim3A_35 = vector.broadcast %broadcast_in_dim3A_34 : f32 to vector<64x128xf32>
    %broadcast_in_dim3A_36 = arith.constant 0.000000e+00 : f32
    %broadcast_in_dim3A_37 = vector.broadcast %broadcast_in_dim3A_36 : f32 to vector<64x128xf32>
    %get3A_38 = arith.constant 0 : index
    %get3A_39 = arith.constant 0 : index
    %get3A_40 = vector.load %arg5[%get3A_38, %get3A_39] : memref<512x256xf32, #tpu.memory_space<vmem>>, vector<512x256xf32>
    %get3A_41 = arith.constant 0 : index
    %get3A_42 = arith.constant 0 : index
    %get3A_43 = vector.load %arg6[%get3A_41, %get3A_42] : memref<512x128xf32, #tpu.memory_space<vmem>>, vector<512x128xf32>
    %get3A_44 = arith.constant 0 : index
    %get3A_45 = arith.constant 0 : index
    %get3A_46 = vector.load %arg7[%get3A_44, %get3A_45] : memref<1x512xf32, #tpu.memory_space<vmem>>, vector<1x512xf32>
    %get3A_47 = arith.constant 0 : index
    %get3A_48 = arith.constant 0 : index
    %get3A_49 = vector.load %arg8[%get3A_47, %get3A_48] : memref<1x512xf32, #tpu.memory_space<vmem>>, vector<1x512xf32>
    %add3A_50 = arith.addf %get3A_46, %get3A_49 : vector<1x512xf32>
    %dot_general3A = arith.constant dense<0.000000e+00> : vector<64x512xf32>
    %dot_general3A_51 = tpu.matmul %broadcast_in_dim3A_33, %get3A_40, %dot_general3A {dimension_numbers = #tpu.dot_dimension_numbers<[1], [1], [0], [0], [0, 0, 1, 0], [], []>, transpose_lhs_hint = false} : vector<64x256xf32>, vector<512x256xf32>, vector<64x512xf32> -> vector<64x512xf32>
    %dot_general3A_52 = arith.constant dense<0.000000e+00> : vector<64x512xf32>
    %dot_general3A_53 = tpu.matmul %broadcast_in_dim3A_35, %get3A_43, %dot_general3A_52 {dimension_numbers = #tpu.dot_dimension_numbers<[1], [1], [0], [0], [0, 0, 1, 0], [], []>, transpose_lhs_hint = false} : vector<64x128xf32>, vector<512x128xf32>, vector<64x512xf32> -> vector<64x512xf32>
    %add3A_54 = arith.addf %dot_general3A_51, %dot_general3A_53 : vector<64x512xf32>
    %add3A_55 = vector.broadcast %add3A_50 : vector<1x512xf32> to vector<64x512xf32>
    %add3A_56 = arith.addf %add3A_54, %add3A_55 : vector<64x512xf32>
    %slice3A_57 = vector.extract_strided_slice %add3A_56 {offsets = [0, 0], sizes = [64, 128], strides = [1, 1]} : vector<64x512xf32> to vector<64x128xf32>
    %logistic3A = arith.negf %slice3A_57 : vector<64x128xf32>
    %logistic3A_58 = math.exp %logistic3A : vector<64x128xf32>
    %logistic3A_59 = arith.constant 1.000000e+00 : f32
    %logistic3A_60 = vector.broadcast %logistic3A_59 : f32 to vector<64x128xf32>
    %logistic3A_61 = arith.addf %logistic3A_60, %logistic3A_58 : vector<64x128xf32>
    %logistic3A_62 = arith.divf %logistic3A_60, %logistic3A_61 : vector<64x128xf32>
    %slice3A_63 = vector.extract_strided_slice %add3A_56 {offsets = [0, 128], sizes = [64, 128], strides = [1, 1]} : vector<64x512xf32> to vector<64x128xf32>
    %logistic3A_64 = arith.negf %slice3A_63 : vector<64x128xf32>
    %logistic3A_65 = math.exp %logistic3A_64 : vector<64x128xf32>
    %logistic3A_66 = arith.constant 1.000000e+00 : f32
    %logistic3A_67 = vector.broadcast %logistic3A_66 : f32 to vector<64x128xf32>
    %logistic3A_68 = arith.addf %logistic3A_67, %logistic3A_65 : vector<64x128xf32>
    %logistic3A_69 = arith.divf %logistic3A_67, %logistic3A_68 : vector<64x128xf32>
    %slice3A_70 = vector.extract_strided_slice %add3A_56 {offsets = [0, 256], sizes = [64, 128], strides = [1, 1]} : vector<64x512xf32> to vector<64x128xf32>
    %tanh3A = math.tanh %slice3A_70 : vector<64x128xf32>
    %slice3A_71 = vector.extract_strided_slice %add3A_56 {offsets = [0, 384], sizes = [64, 128], strides = [1, 1]} : vector<64x512xf32> to vector<64x128xf32>
    %logistic3A_72 = arith.negf %slice3A_71 : vector<64x128xf32>
    %logistic3A_73 = math.exp %logistic3A_72 : vector<64x128xf32>
    %logistic3A_74 = arith.constant 1.000000e+00 : f32
    %logistic3A_75 = vector.broadcast %logistic3A_74 : f32 to vector<64x128xf32>
    %logistic3A_76 = arith.addf %logistic3A_75, %logistic3A_73 : vector<64x128xf32>
    %logistic3A_77 = arith.divf %logistic3A_75, %logistic3A_76 : vector<64x128xf32>
    %mul3A_78 = arith.mulf %logistic3A_69, %broadcast_in_dim3A_37 : vector<64x128xf32>
    %mul3A_79 = arith.mulf %logistic3A_62, %tanh3A : vector<64x128xf32>
    %add3A_80 = arith.addf %mul3A_78, %mul3A_79 : vector<64x128xf32>
    %tanh3A_81 = math.tanh %add3A_80 : vector<64x128xf32>
    %mul3A_82 = arith.mulf %logistic3A_77, %tanh3A_81 : vector<64x128xf32>
    %dot_general3A_83 = arith.constant dense<0.000000e+00> : vector<64x10000xf32>
    %dot_general3A_84 = tpu.matmul %mul3A_82, %add3A_28, %dot_general3A_83 {dimension_numbers = #tpu.dot_dimension_numbers<[1], [1], [0], [0], [0, 0, 1, 0], [], []>, transpose_lhs_hint = false} : vector<64x128xf32>, vector<10000x128xf32>, vector<64x10000xf32> -> vector<64x10000xf32>
    %jit3A = arith.constant 0xFF800000 : f32
    %broadcast_in_dim3A_85 = vector.broadcast %jit3A : f32 to vector<64x10000xf32>
    %select_n3A = arith.select %eq3A_32, %dot_general3A_84, %broadcast_in_dim3A_85 : vector<64x10000xi1>, vector<64x10000xf32>
    %reduce_max3A = arith.constant dense<0xFF800000> : vector<64xf32>
    %reduce_max3A_86 = vector.multi_reduction <maximumf>, %select_n3A, %reduce_max3A [1] : vector<64x10000xf32> to vector<64xf32>
    %broadcast_in_dim3A_87 = vector.shape_cast %reduce_max3A_86 : vector<64xf32> to vector<64x1xf32>
    %lt3A = arith.constant -3.000000e+38 : f32
    %lt3A_88 = vector.broadcast %lt3A : f32 to vector<64x1xf32>
    %lt3A_89 = arith.cmpf olt, %broadcast_in_dim3A_87, %lt3A_88 : vector<64x1xf32>
    %jit3A_90 = arith.constant 0.000000e+00 : f32
    %broadcast_in_dim3A_91 = vector.broadcast %jit3A_90 : f32 to vector<64x1xf32>
    %select_n3A_92 = arith.select %lt3A_89, %broadcast_in_dim3A_91, %broadcast_in_dim3A_87 : vector<64x1xi1>, vector<64x1xf32>
    %sub3A = vector.broadcast %select_n3A_92 : vector<64x1xf32> to vector<64x10000xf32>
    %sub3A_93 = arith.subf %select_n3A, %sub3A : vector<64x10000xf32>
    %exp3A = math.exp %sub3A_93 : vector<64x10000xf32>
    %reduce_sum3A = arith.constant dense<0.000000e+00> : vector<64xf32>
    %reduce_sum3A_94 = vector.multi_reduction <add>, %exp3A, %reduce_sum3A [1] : vector<64x10000xf32> to vector<64xf32>
    %broadcast_in_dim3A_95 = vector.shape_cast %reduce_sum3A_94 : vector<64xf32> to vector<64x1xf32>
    %dot_general3A_96 = arith.constant dense<0.000000e+00> : vector<64x128xf32>
    %dot_general3A_97 = tpu.matmul %exp3A, %add3A_28, %dot_general3A_96 {dimension_numbers = #tpu.dot_dimension_numbers<[1], [0], [0], [1], [0, 0, 1, 1], [], []>, transpose_lhs_hint = false} : vector<64x10000xf32>, vector<10000x128xf32>, vector<64x128xf32> -> vector<64x128xf32>
    %add3A_98 = arith.constant 1.000000e-16 : f32
    %add3A_99 = vector.broadcast %add3A_98 : f32 to vector<64x1xf32>
    %add3A_100 = arith.addf %broadcast_in_dim3A_95, %add3A_99 : vector<64x1xf32>
    %div3A = vector.broadcast %add3A_100 : vector<64x1xf32> to vector<64x128xf32>
    %div3A_101 = arith.divf %dot_general3A_97, %div3A : vector<64x128xf32>
    %concatenate3A = tpu.concatenate %mul3A_82, %div3A_101 in 1 : vector<64x128xf32>, vector<64x128xf32> -> vector<64x256xf32>
    %dot_general3A_102 = arith.constant dense<0.000000e+00> : vector<64x512xf32>
    %dot_general3A_103 = tpu.matmul %concatenate3A, %get3A_40, %dot_general3A_102 {dimension_numbers = #tpu.dot_dimension_numbers<[1], [1], [0], [0], [0, 0, 1, 0], [], []>, transpose_lhs_hint = false} : vector<64x256xf32>, vector<512x256xf32>, vector<64x512xf32> -> vector<64x512xf32>
    %dot_general3A_104 = arith.constant dense<0.000000e+00> : vector<64x512xf32>
    %dot_general3A_105 = tpu.matmul %mul3A_82, %get3A_43, %dot_general3A_104 {dimension_numbers = #tpu.dot_dimension_numbers<[1], [1], [0], [0], [0, 0, 1, 0], [], []>, transpose_lhs_hint = false} : vector<64x128xf32>, vector<512x128xf32>, vector<64x512xf32> -> vector<64x512xf32>
    %add3A_106 = arith.addf %dot_general3A_103, %dot_general3A_105 : vector<64x512xf32>
    %add3A_107 = vector.broadcast %add3A_50 : vector<1x512xf32> to vector<64x512xf32>
    %add3A_108 = arith.addf %add3A_106, %add3A_107 : vector<64x512xf32>
    %slice3A_109 = vector.extract_strided_slice %add3A_108 {offsets = [0, 0], sizes = [64, 128], strides = [1, 1]} : vector<64x512xf32> to vector<64x128xf32>
    %logistic3A_110 = arith.negf %slice3A_109 : vector<64x128xf32>
    %logistic3A_111 = math.exp %logistic3A_110 : vector<64x128xf32>
    %logistic3A_112 = arith.constant 1.000000e+00 : f32
    %logistic3A_113 = vector.broadcast %logistic3A_112 : f32 to vector<64x128xf32>
    %logistic3A_114 = arith.addf %logistic3A_113, %logistic3A_111 : vector<64x128xf32>
    %logistic3A_115 = arith.divf %logistic3A_113, %logistic3A_114 : vector<64x128xf32>
    %slice3A_116 = vector.extract_strided_slice %add3A_108 {offsets = [0, 128], sizes = [64, 128], strides = [1, 1]} : vector<64x512xf32> to vector<64x128xf32>
    %logistic3A_117 = arith.negf %slice3A_116 : vector<64x128xf32>
    %logistic3A_118 = math.exp %logistic3A_117 : vector<64x128xf32>
    %logistic3A_119 = arith.constant 1.000000e+00 : f32
    %logistic3A_120 = vector.broadcast %logistic3A_119 : f32 to vector<64x128xf32>
    %logistic3A_121 = arith.addf %logistic3A_120, %logistic3A_118 : vector<64x128xf32>
    %logistic3A_122 = arith.divf %logistic3A_120, %logistic3A_121 : vector<64x128xf32>
    %slice3A_123 = vector.extract_strided_slice %add3A_108 {offsets = [0, 256], sizes = [64, 128], strides = [1, 1]} : vector<64x512xf32> to vector<64x128xf32>
    %tanh3A_124 = math.tanh %slice3A_123 : vector<64x128xf32>
    %slice3A_125 = vector.extract_strided_slice %add3A_108 {offsets = [0, 384], sizes = [64, 128], strides = [1, 1]} : vector<64x512xf32> to vector<64x128xf32>
    %logistic3A_126 = arith.negf %slice3A_125 : vector<64x128xf32>
    %logistic3A_127 = math.exp %logistic3A_126 : vector<64x128xf32>
    %logistic3A_128 = arith.constant 1.000000e+00 : f32
    %logistic3A_129 = vector.broadcast %logistic3A_128 : f32 to vector<64x128xf32>
    %logistic3A_130 = arith.addf %logistic3A_129, %logistic3A_127 : vector<64x128xf32>
    %logistic3A_131 = arith.divf %logistic3A_129, %logistic3A_130 : vector<64x128xf32>
    %mul3A_132 = arith.mulf %logistic3A_122, %add3A_80 : vector<64x128xf32>
    %mul3A_133 = arith.mulf %logistic3A_115, %tanh3A_124 : vector<64x128xf32>
    %add3A_134 = arith.addf %mul3A_132, %mul3A_133 : vector<64x128xf32>
    %tanh3A_135 = math.tanh %add3A_134 : vector<64x128xf32>
    %mul3A_136 = arith.mulf %logistic3A_131, %tanh3A_135 : vector<64x128xf32>
    %dot_general3A_137 = arith.constant dense<0.000000e+00> : vector<64x10000xf32>
    %dot_general3A_138 = tpu.matmul %mul3A_136, %add3A_28, %dot_general3A_137 {dimension_numbers = #tpu.dot_dimension_numbers<[1], [1], [0], [0], [0, 0, 1, 0], [], []>, transpose_lhs_hint = false} : vector<64x128xf32>, vector<10000x128xf32>, vector<64x10000xf32> -> vector<64x10000xf32>
    %jit3A_139 = arith.constant 0xFF800000 : f32
    %broadcast_in_dim3A_140 = vector.broadcast %jit3A_139 : f32 to vector<64x10000xf32>
    %select_n3A_141 = arith.select %eq3A_32, %dot_general3A_138, %broadcast_in_dim3A_140 : vector<64x10000xi1>, vector<64x10000xf32>
    %reduce_max3A_142 = arith.constant dense<0xFF800000> : vector<64xf32>
    %reduce_max3A_143 = vector.multi_reduction <maximumf>, %select_n3A_141, %reduce_max3A_142 [1] : vector<64x10000xf32> to vector<64xf32>
    %broadcast_in_dim3A_144 = vector.shape_cast %reduce_max3A_143 : vector<64xf32> to vector<64x1xf32>
    %lt3A_145 = arith.constant -3.000000e+38 : f32
    %lt3A_146 = vector.broadcast %lt3A_145 : f32 to vector<64x1xf32>
    %lt3A_147 = arith.cmpf olt, %broadcast_in_dim3A_144, %lt3A_146 : vector<64x1xf32>
    %jit3A_148 = arith.constant 0.000000e+00 : f32
    %broadcast_in_dim3A_149 = vector.broadcast %jit3A_148 : f32 to vector<64x1xf32>
    %select_n3A_150 = arith.select %lt3A_147, %broadcast_in_dim3A_149, %broadcast_in_dim3A_144 : vector<64x1xi1>, vector<64x1xf32>
    %sub3A_151 = vector.broadcast %select_n3A_150 : vector<64x1xf32> to vector<64x10000xf32>
    %sub3A_152 = arith.subf %select_n3A_141, %sub3A_151 : vector<64x10000xf32>
    %exp3A_153 = math.exp %sub3A_152 : vector<64x10000xf32>
    %reduce_sum3A_154 = arith.constant dense<0.000000e+00> : vector<64xf32>
    %reduce_sum3A_155 = vector.multi_reduction <add>, %exp3A_153, %reduce_sum3A_154 [1] : vector<64x10000xf32> to vector<64xf32>
    %broadcast_in_dim3A_156 = vector.shape_cast %reduce_sum3A_155 : vector<64xf32> to vector<64x1xf32>
    %dot_general3A_157 = arith.constant dense<0.000000e+00> : vector<64x128xf32>
    %dot_general3A_158 = tpu.matmul %exp3A_153, %add3A_28, %dot_general3A_157 {dimension_numbers = #tpu.dot_dimension_numbers<[1], [0], [0], [1], [0, 0, 1, 1], [], []>, transpose_lhs_hint = false} : vector<64x10000xf32>, vector<10000x128xf32>, vector<64x128xf32> -> vector<64x128xf32>
    %add3A_159 = arith.constant 1.000000e-16 : f32
    %add3A_160 = vector.broadcast %add3A_159 : f32 to vector<64x1xf32>
    %add3A_161 = arith.addf %broadcast_in_dim3A_156, %add3A_160 : vector<64x1xf32>
    %div3A_162 = vector.broadcast %add3A_161 : vector<64x1xf32> to vector<64x128xf32>
    %div3A_163 = arith.divf %dot_general3A_158, %div3A_162 : vector<64x128xf32>
    %concatenate3A_164 = tpu.concatenate %mul3A_136, %div3A_163 in 1 : vector<64x128xf32>, vector<64x128xf32> -> vector<64x256xf32>
    %dot_general3A_165 = arith.constant dense<0.000000e+00> : vector<64x512xf32>
    %dot_general3A_166 = tpu.matmul %concatenate3A_164, %get3A_40, %dot_general3A_165 {dimension_numbers = #tpu.dot_dimension_numbers<[1], [1], [0], [0], [0, 0, 1, 0], [], []>, transpose_lhs_hint = false} : vector<64x256xf32>, vector<512x256xf32>, vector<64x512xf32> -> vector<64x512xf32>
    %dot_general3A_167 = arith.constant dense<0.000000e+00> : vector<64x512xf32>
    %dot_general3A_168 = tpu.matmul %mul3A_136, %get3A_43, %dot_general3A_167 {dimension_numbers = #tpu.dot_dimension_numbers<[1], [1], [0], [0], [0, 0, 1, 0], [], []>, transpose_lhs_hint = false} : vector<64x128xf32>, vector<512x128xf32>, vector<64x512xf32> -> vector<64x512xf32>
    %add3A_169 = arith.addf %dot_general3A_166, %dot_general3A_168 : vector<64x512xf32>
    %add3A_170 = vector.broadcast %add3A_50 : vector<1x512xf32> to vector<64x512xf32>
    %add3A_171 = arith.addf %add3A_169, %add3A_170 : vector<64x512xf32>
    %slice3A_172 = vector.extract_strided_slice %add3A_171 {offsets = [0, 0], sizes = [64, 128], strides = [1, 1]} : vector<64x512xf32> to vector<64x128xf32>
    %logistic3A_173 = arith.negf %slice3A_172 : vector<64x128xf32>
    %logistic3A_174 = math.exp %logistic3A_173 : vector<64x128xf32>
    %logistic3A_175 = arith.constant 1.000000e+00 : f32
    %logistic3A_176 = vector.broadcast %logistic3A_175 : f32 to vector<64x128xf32>
    %logistic3A_177 = arith.addf %logistic3A_176, %logistic3A_174 : vector<64x128xf32>
    %logistic3A_178 = arith.divf %logistic3A_176, %logistic3A_177 : vector<64x128xf32>
    %slice3A_179 = vector.extract_strided_slice %add3A_171 {offsets = [0, 128], sizes = [64, 128], strides = [1, 1]} : vector<64x512xf32> to vector<64x128xf32>
    %logistic3A_180 = arith.negf %slice3A_179 : vector<64x128xf32>
    %logistic3A_181 = math.exp %logistic3A_180 : vector<64x128xf32>
    %logistic3A_182 = arith.constant 1.000000e+00 : f32
    %logistic3A_183 = vector.broadcast %logistic3A_182 : f32 to vector<64x128xf32>
    %logistic3A_184 = arith.addf %logistic3A_183, %logistic3A_181 : vector<64x128xf32>
    %logistic3A_185 = arith.divf %logistic3A_183, %logistic3A_184 : vector<64x128xf32>
    %slice3A_186 = vector.extract_strided_slice %add3A_171 {offsets = [0, 256], sizes = [64, 128], strides = [1, 1]} : vector<64x512xf32> to vector<64x128xf32>
    %tanh3A_187 = math.tanh %slice3A_186 : vector<64x128xf32>
    %slice3A_188 = vector.extract_strided_slice %add3A_171 {offsets = [0, 384], sizes = [64, 128], strides = [1, 1]} : vector<64x512xf32> to vector<64x128xf32>
    %logistic3A_189 = arith.negf %slice3A_188 : vector<64x128xf32>
    %logistic3A_190 = math.exp %logistic3A_189 : vector<64x128xf32>
    %logistic3A_191 = arith.constant 1.000000e+00 : f32
    %logistic3A_192 = vector.broadcast %logistic3A_191 : f32 to vector<64x128xf32>
    %logistic3A_193 = arith.addf %logistic3A_192, %logistic3A_190 : vector<64x128xf32>
    %logistic3A_194 = arith.divf %logistic3A_192, %logistic3A_193 : vector<64x128xf32>
    %mul3A_195 = arith.mulf %logistic3A_185, %add3A_134 : vector<64x128xf32>
    %mul3A_196 = arith.mulf %logistic3A_178, %tanh3A_187 : vector<64x128xf32>
    %add3A_197 = arith.addf %mul3A_195, %mul3A_196 : vector<64x128xf32>
    %tanh3A_198 = math.tanh %add3A_197 : vector<64x128xf32>
    %mul3A_199 = arith.mulf %logistic3A_194, %tanh3A_198 : vector<64x128xf32>
    %dot_general3A_200 = arith.constant dense<0.000000e+00> : vector<64x10000xf32>
    %dot_general3A_201 = tpu.matmul %mul3A_199, %add3A_28, %dot_general3A_200 {dimension_numbers = #tpu.dot_dimension_numbers<[1], [1], [0], [0], [0, 0, 1, 0], [], []>, transpose_lhs_hint = false} : vector<64x128xf32>, vector<10000x128xf32>, vector<64x10000xf32> -> vector<64x10000xf32>
    %jit3A_202 = arith.constant 0xFF800000 : f32
    %broadcast_in_dim3A_203 = vector.broadcast %jit3A_202 : f32 to vector<64x10000xf32>
    %select_n3A_204 = arith.select %eq3A_32, %dot_general3A_201, %broadcast_in_dim3A_203 : vector<64x10000xi1>, vector<64x10000xf32>
    %reduce_max3A_205 = arith.constant dense<0xFF800000> : vector<64xf32>
    %reduce_max3A_206 = vector.multi_reduction <maximumf>, %select_n3A_204, %reduce_max3A_205 [1] : vector<64x10000xf32> to vector<64xf32>
    %broadcast_in_dim3A_207 = vector.shape_cast %reduce_max3A_206 : vector<64xf32> to vector<64x1xf32>
    %lt3A_208 = arith.constant -3.000000e+38 : f32
    %lt3A_209 = vector.broadcast %lt3A_208 : f32 to vector<64x1xf32>
    %lt3A_210 = arith.cmpf olt, %broadcast_in_dim3A_207, %lt3A_209 : vector<64x1xf32>
    %jit3A_211 = arith.constant 0.000000e+00 : f32
    %broadcast_in_dim3A_212 = vector.broadcast %jit3A_211 : f32 to vector<64x1xf32>
    %select_n3A_213 = arith.select %lt3A_210, %broadcast_in_dim3A_212, %broadcast_in_dim3A_207 : vector<64x1xi1>, vector<64x1xf32>
    %sub3A_214 = vector.broadcast %select_n3A_213 : vector<64x1xf32> to vector<64x10000xf32>
    %sub3A_215 = arith.subf %select_n3A_204, %sub3A_214 : vector<64x10000xf32>
    %exp3A_216 = math.exp %sub3A_215 : vector<64x10000xf32>
    %reduce_sum3A_217 = arith.constant dense<0.000000e+00> : vector<64xf32>
    %reduce_sum3A_218 = vector.multi_reduction <add>, %exp3A_216, %reduce_sum3A_217 [1] : vector<64x10000xf32> to vector<64xf32>
    %broadcast_in_dim3A_219 = vector.shape_cast %reduce_sum3A_218 : vector<64xf32> to vector<64x1xf32>
    %dot_general3A_220 = arith.constant dense<0.000000e+00> : vector<64x128xf32>
    %dot_general3A_221 = tpu.matmul %exp3A_216, %add3A_28, %dot_general3A_220 {dimension_numbers = #tpu.dot_dimension_numbers<[1], [0], [0], [1], [0, 0, 1, 1], [], []>, transpose_lhs_hint = false} : vector<64x10000xf32>, vector<10000x128xf32>, vector<64x128xf32> -> vector<64x128xf32>
    %add3A_222 = arith.constant 1.000000e-16 : f32
    %add3A_223 = vector.broadcast %add3A_222 : f32 to vector<64x1xf32>
    %add3A_224 = arith.addf %broadcast_in_dim3A_219, %add3A_223 : vector<64x1xf32>
    %div3A_225 = vector.broadcast %add3A_224 : vector<64x1xf32> to vector<64x128xf32>
    %div3A_226 = arith.divf %dot_general3A_221, %div3A_225 : vector<64x128xf32>
    %concatenate3A_227 = tpu.concatenate %mul3A_199, %div3A_226 in 1 : vector<64x128xf32>, vector<64x128xf32> -> vector<64x256xf32>
    %swap3A = arith.constant 0 : index
    %swap3A_228 = arith.constant 0 : index
    %swap3A_229 = vector.load %arg9[%swap3A, %swap3A_228] : memref<64x256xf32, #tpu.memory_space<vmem>>, vector<64x256xf32>
    tpu.vector_store %arg9[%swap3A, %swap3A_228], %concatenate3A_227 {strides = array<i32>} : memref<64x256xf32, #tpu.memory_space<vmem>>, vector<64x256xf32>,
    return
  }
}

</mosaic_0001>

<sc_bundles>
// kernel: kernel.11.cloned.1.call-start
scs
__scs_entry_jumppad:
0x0: {  	(pc) =	sbr.rel $0x88, $3  }
0x1: {  	(tag) =	ssettag $0x0;
	lr =	simm.s32 $0x1  }
0x2: {  	[smem:$0x3F96] =	sst lr;
	_ =	strace $0xD0000000  }
0x3: {  	_ = 	snop  }
0x4: {  	_ = 	snop  }
0x5: {  	_ = 	snop  }
0x6: {  	_ = 	snop  }
0x7: {  	_ = 	snop  }
__scs_overlays_trampoline_lowered:
0x8: {  	[smem:$0x3FA5] =	sst s0  }
0x9: {  	[smem:$0x3FA6] =	sst s1  }
0xa: {  	[smem:$0x3FA7] =	sst s2  }
0xb: {  	[smem:$0x3FA8] =	sst s3  }
0xc: {  	[smem:$0x3FA9] =	sst s4  }
0xd: {  	[smem:$0x3FAA] =	sst s5  }
0xe: {  	[smem:$0x3FAB] =	sst s6  }
0xf: {  	[smem:$0x3FAC] =	sst s7  }
0x10: {  	[smem:$0x3FAD] =	sst s8  }
0x11: {  	[smem:$0x3FAE] =	sst s9;
	s0 =	simm.s32 @!p0 $0x0  }
0x12: {  	s1 =	sld [smem:$0x3F94];
	s0 =	simm.s32 @p0 $0x1  }
0x13: {  	[smem:$0x3FAF] =	sst s0;
	s0 =	simm.s32 @!p1 $0x0  }
0x14: {  	s2 =	sld [smem:$0x3F93];
	s0 =	simm.s32 @p1 $0x1  }
0x15: {  	[smem:$0x3FB0] =	sst s0;
	s0 =	simm.s32 @!p2 $0x0  }
0x16: {  	s3 =	sld [smem:$0x3FDB];
	s0 =	simm.s32 @p2 $0x1  }
0x17: {  	s4 =	simm.s32 $0x1BF5;
	[smem:$0x3FB2] =	sst s0  }
0x18: {  	s0 =	sld [smem:$0x3F95];
	_ =	swait.ge [sflag:s4], $0x0  }
0x19: {  	s7 =	sld [smem:$0x3F96]  }
0x1a: {  	s8 =	sadd.s32 $0xFFFFE003, lr  }
0x1b: {  	s9 =	sadd.s32 $0xFFFFFEF7, lr;
	s5 =	simm.s32 $0xFFFFFFFF;
	p2 =	slt.u32 s8, $0xFFFFF086  }
0x1c: {  	p1 =	slt.u32 s9, $0xF7A;
	s5 =	simm.s32 @!p2 $0x0  }
0x1d: {  	s5 =	simm.s32 @p1 $0x1;
	p0 =	seq.s32 s7, s2  }
0x1e: {  	s7 =	smul.u32 @!p0 $0xF7A, s2;
	p2 =	seq.s32 @!p0 s5, $0x0  }
0x1f: {  	s9 =	smul.u32 $0xF7A, s1;
	s8 =	simm.s32 @!p0 $0x1BF5;
	p2 =	por !p2, p0  }
0x20: {  	[sflag:s8] =	ssyncset.s32 @!p0 $0xFFFFF086;
	s6 =	sadd.s32 @!p0 s3, s7;
	s7 =	simm.s32 @!p0 $0x108  }
0x21: {  	s3 =	sadd.s32 s3, s9;
	s6 =	sadd.s32 @!p0 $0x88, s6;
	s7 =	simm.s32 @p2 $0x1082  }
0x22: {  	[simem:s7], [sflag:s8] =	dma.local @!p0 [hbm:s6], $0xF7A  }
0x23: {  	s9 =	sor.u32 $0xD0000000, s2;
	s6 =	simm.s32 $0x108;
	_ =	swait.ge @!p0 [sflag:s8], $0x0  }
0x24: {  	s3 =	sadd.s32 $0x88, s3;
	s6 =	simm.s32 @!p1 $0x1082;
	[sflag:s4] =	ssyncset.s32 $0xFFFFF086  }
0x25: {  	[simem:s6], [sflag:s4] =	dma.local [hbm:s3], $0xF7A  }
0x26: {  	[smem:$0x3F96] =	sst s1;
	(tag) =	ssettag s2;
	_ =	strace s9  }
0x27: {  	s1 =	sld [smem:$0x3FA6]  }
0x28: {  	s2 =	sld [smem:$0x3FA7]  }
0x29: {  	s4 =	sld [smem:$0x3FA9]  }
0x2a: {  	p0 =	seq.s32 s5, $0x0;
	s5 =	sld [smem:$0x3FAA]  }
0x2b: {  	s6 =	sld [smem:$0x3FAB]  }
0x2c: {  	s7 =	sld [smem:$0x3FAC]  }
0x2d: {  	s3 =	simm.s32 $0x108;
	s8 =	sld [smem:$0x3FAD]  }
0x2e: {  	s3 =	simm.s32 @!p0 $0x1082;
	s9 =	sld [smem:$0x3FAE]  }
0x2f: {  	lr =	sadd.s32 s0, s3;
	s0 =	sld [smem:$0x3FA5]  }
0x30: {  	s3 =	sld [smem:$0x3FA8]  }
0x31: {  	[smem:$0x3FB1] =	sst s10  }
0x32: {  	s10 =	sld [smem:$0x3FAF];
	_ =	sdelay $0x3  }
0x33: {  	p0 =	seq.s32 s10, $0x1;
	s10 =	sld [smem:$0x3FB1];
	_ =	sdelay $0x3  }
0x34: {  	[smem:$0x3FB1] =	sst s10  }
0x35: {  	s10 =	sld [smem:$0x3FB0];
	_ =	sdelay $0x3  }
0x36: {  	p1 =	seq.s32 s10, $0x1;
	s10 =	sld [smem:$0x3FB1];
	_ =	sdelay $0x3  }
0x37: {  	[smem:$0x3FB1] =	sst s10  }
0x38: {  	s10 =	sld [smem:$0x3FB2]  }
0x39: {  	_ = 	snop;
	(pc) =	sbr.ind lr, $3  }
0x3a: {  	_ = 	snop  }
0x3b: {  	_ = 	snop  }
0x3c: {  	p2 =	seq.s32 s10, $0x1;
	s10 =	sld [smem:$0x3FB1]  }
0x3d: {  	_ =	shalt  }
0x3e: {  	_ =	shalt  }
0x3f: {  	_ =	shalt  }
0x40: {  	_ =	shalt  }
0x41: {  	_ =	shalt  }
0x42: {  	_ =	shalt  }
0x43: {  	_ =	shalt  }
0x44: {  	_ =	shalt  }
0x45: {  	_ =	shalt  }
0x46: {  	_ =	shalt  }
0x47: {  	_ =	shalt  }
0x48: {  	_ =	shalt  }
0x49: {  	_ =	shalt  }
0x4a: {  	_ =	shalt  }
0x4b: {  	_ =	shalt  }
0x4c: {  	_ =	shalt  }
0x4d: {  	_ =	shalt  }
0x4e: {  	_ =	shalt  }
0x4f: {  	_ =	shalt  }
0x50: {  	_ =	shalt  }
0x51: {  	_ =	shalt  }
0x52: {  	_ =	shalt  }
0x53: {  	_ =	shalt  }
0x54: {  	_ =	shalt  }
0x55: {  	_ =	shalt  }
0x56: {  	_ =	shalt  }
0x57: {  	_ =	shalt  }
0x58: {  	_ =	shalt  }
0x59: {  	_ =	shalt  }
0x5a: {  	_ =	shalt  }
0x5b: {  	_ =	shalt  }
0x5c: {  	_ =	shalt  }
0x5d: {  	_ =	shalt  }
0x5e: {  	_ =	shalt  }
0x5f: {  	_ =	shalt  }
0x60: {  	_ =	shalt  }
0x61: {  	_ =	shalt  }
0x62: {  	_ =	shalt  }
0x63: {  	_ =	shalt  }
0x64: {  	_ =	shalt  }
0x65: {  	_ =	shalt  }
0x66: {  	_ =	shalt  }
0x67: {  	_ =	shalt  }
0x68: {  	_ =	shalt  }
0x69: {  	_ =	shalt  }
0x6a: {  	_ =	shalt  }
0x6b: {  	_ =	shalt  }
0x6c: {  	_ =	shalt  }
0x6d: {  	_ =	shalt  }
0x6e: {  	_ =	shalt  }
0x6f: {  	_ =	shalt  }
0x70: {  	_ =	shalt  }
0x71: {  	_ =	shalt  }
0x72: {  	_ =	shalt  }
0x73: {  	_ =	shalt  }
0x74: {  	_ =	shalt  }
0x75: {  	_ =	shalt  }
0x76: {  	_ =	shalt  }
0x77: {  	_ =	shalt  }
0x78: {  	_ =	shalt  }
0x79: {  	_ =	shalt  }
0x7a: {  	_ =	shalt  }
0x7b: {  	_ =	shalt  }
0x7c: {  	_ =	shalt  }
0x7d: {  	_ =	shalt  }
0x7e: {  	_ =	shalt  }
0x7f: {  	_ =	shalt  }
0x80: {  	_ =	shalt  }
0x81: {  	_ =	shalt  }
0x82: {  	_ =	shalt  }
0x83: {  	_ =	shalt  }
0x84: {  	_ =	shalt  }
0x85: {  	_ =	shalt  }
0x86: {  	_ =	shalt  }
0x87: {  	_ =	shalt  }
.Lfunc_end0:
.L_simem_size_0:
called_computation.1_lowered:
.L_overlay_start_0:
0x88: {  	s2 =	sld [smem:$0x3FD9]  }
0x89: {  	s3 =	sld [smem:$0x3FFE];
	_ =	sdelay $0x1  }
0x8a: {  	s1 =	srdreg.scid  }
0x8b: {  	s0 =	sand.u32 $0x1, s1  }
0x8c: {  	s16 =	sshll.u32 s0, $0xA;
	s2 =	sadd.s32 s3, s2  }
0x8d: {  	s2 =	sadd.s32 s2, s16  }
0x8e: {  	[smem:$0x3FBD] =	sst s2  }
0x8f: {  	_ = 	snop  }
0x90: {  	(tm) =	ssettm $0x1  }
0x91: {  	s17 =	sld [smem:$0x3FFB];
	_ =	sdelay $0x3  }
0x92: {  	_ =	strace s17  }
0x93: {  	s2 =	sld [smem:$0x3FFC];
	_ =	sdelay $0x3  }
0x94: {  	_ =	strace s2  }
0x95: {  	s2 =	sld [smem:$0x3FFD];
	_ =	sdelay $0x3  }
0x96: {  	_ =	strace s2  }
0x97: {  	_ =	strace $0x8FFFFFFF  }
0x98: {  	s18 =	sld [smem:$0x3FDB];
	_ =	sdelay $0x1  }
0x99: {  	s19 =	simm.s32 $_scs_section_size  }
0x9a: {  	s4 =	simm.s32 $_size__tile_overlayer_lowered;
	s5 =	simm.s32 $_tile_overlayer_lowered  }
0x9b: {  	s22 =	simm.s32 $0x1BFF;
	s21 =	sshll.u32 s5, $0x1;
	s2 =	sadd.s32 s19, s18  }
0x9c: {  	s6 =	simm.s32 $0x0;
	s20 =	sshll.u32 s4, $0x1;
	s4 =	sadd.s32 s21, s2  }
0x9d: {  	[timem:s6], [sflag:s22] =	dma.local [hbm:s4], s20  }
0x9e: {  	_ =	swait.ge [sflag:s22], s20  }
0x9f: {  	s3 =	ssub.s32 $0x0, s20;
	[sflag:s22] =	ssyncset.done $0x0  }
0xa0: {  	[sflag:s22] =	ssyncadd.s32 s3;
	_ =	sdelay $0x1  }
0xa1: {  	s23 =	simm.s32 $0x1B8B  }
0xa2: {  	_ =	swait.ge [sflag:s23], $0x1  }
0xa3: {  	[sflag:s23] =	ssyncset.done $0x0  }
0xa4: {  	s25 =	simm.s32 $0x1B8E;
	s24 =	sld [smem:$0x3FFE];
	[sflag:s23] =	ssyncadd.s32 $0xFFFFFFFF  }
0xa5: {  	s26 =	simm.s32 $execute0_lowered;
	[smem:$0x3FD2] =	sst s25  }
0xa6: {  	s4 =	sshll.u32 s26, $0x1;
	_ =	strace $0x80000049;
	[dreg:$0x1] =	wrdreg $0xFFFFFFFF  }
0xa7: {  	s28 =	simm.s32 $_size_execute0_lowered;
	s2 =	sadd.s32 s2, s4;
	[dreg:$0x0] =	wrdreg $0x0  }
0xa8: {  	s4 =	sshll.u32 s28, $0x1;
	[dreg:$0x2] =	wrdreg s2  }
0xa9: {  	[dreg:$0x3] =	wrdreg s4  }
0xaa: {  	[dreg:$0x4] =	wrdreg $0xC0  }
0xab: {  	_ =	task [dreg:s6], $0x5FFFF  }
0xac: {  	[dreg:$0x1] =	wrdreg $0xFFFFFFFF  }
0xad: {  	[dreg:$0x0] =	wrdreg $0x60  }
0xae: {  	[dreg:$0x2] =	wrdreg s24  }
0xaf: {  	[dreg:$0x3] =	wrdreg $0x0  }
0xb0: {  	[dreg:$0x4] =	wrdreg $0x9  }
0xb1: {  	_ =	task.clear_ibuf [dreg:s6], $0x5FFFF;
	_ =	strace $0x90000049  }
0xb2: {  	s29 =	simm.s32 $0x9;
	_ =	strace $0x8000004B  }
0xb3: {  	_ =	swait.ge [sflag:s29], $0x1  }
0xb4: {  	[sflag:s29] =	ssyncadd.s32 $0xFFFFFFFF  }
0xb5: {  	_ =	strace $0x9000004B  }
0xb6: {  	_ =	sfence  }
0xb7: {  	s30 =	sld [smem:$0x0];
	_ =	sdelay $0x2  }
0xb8: {  	s31 =	sshll.u32 s1, $0xD;
	s1 =	sshrl.u32 s1, $0x2  }
0xb9: {  	s3 =	sand.u32 $0x4000, s31;
	s1 =	sadd.s32 s1, s30  }
0xba: {  	s0 =	sor.u32 s3, s0;
	s1 =	sshll.u32 s1, $0x11  }
0xbb: {  	s0 =	sor.u32 s1, s0  }
0xbc: {  	s0 =	sadd.s32 $0x8F2B, s0  }
0xbd: {  	[sflag:s0] =	ssyncadd.remote.s32 $0x1  }
0xbe: {  	_ =	sfence.sel $0xFFFF  }
0xbf: {  	[dreg:$0x0] =	wrdreg $0xFFFFFFFF;
	(pc) =	sbr.abs _section_cstart, $3  }
0xc0: {  	[dreg:$0x1] =	wrdreg $0xFFFFFFFF  }
0xc1: {  	_ =	task.clear_ibuf [dreg:s6], $0x2FFFF;
	_ =	strace $0x9FFFFFFF  }
0xc2: {  	(tm) =	ssettm $0x7FFFFFFF  }
0xc3: {  	_ =	shalt  }
tec
execute0_lowered:
.L_overlay_start_1:
0x0: {  	(tag) =	ssettag $0x1  }
0x1: {  	s6 =	rddreg [dreg:$0x0]  }
0x2: {  	s1 =	rddreg [dreg:$0x1]  }
0x3: {  	s0 =	rddreg [dreg:$0x2];
	s2 =	simm.s32 $0x0;
	s4 =	srdreg.scid  }
0x4: {  	s16 =	simm.s32 $0x80;
	s17 =	simm.s32 $0x13C00;
	s18 =	simm.s32 $0x17C00  }
0x5: {  	s19 =	simm.s32 $0x1;
	s20 =	simm.s32 $0x2;
	s21 =	simm.s32 $0x1CF80  }
0x6: {  	s22 =	simm.s32 $0x1E300;
	s23 =	simm.s32 $0x1E380;
	[smem:$0x7FF] =	sst s2  }
0x7: {  	s3 =	sadd.s32 $0x66000, s6;
	s9 =	sadd.s32 $0x3000, s6;
	s10 =	sadd.s32 $0xD000, s6  }
0x8: {  	s5 =	sand.u32 $0x1, s4;
	s4 =	stileid.u32;
	_ =	strace $0x8000004A  }
0x9: {  	s7 =	smul.u32 $0x27800, s5;
	s8 =	sshll.u32 s5, $0x4;
	s11 =	ssub.s32 $0x2, s5  }
0xa: {  	s12 =	smul.u32 $0x4F000, s4;
	s5 =	sadd.s32 $0x8D800, s6;
	s29 =	sshll.u32 s4, $0x6  }
0xb: {  	s25 =	smul.u32 $0x2780, s4;
	s8 =	sor.u32 s4, s8;
	s13 =	sshrl.u32 s11, $0x1  }
0xc: {  	s14 =	smul.u32 $0x2800, s8;
	s15 =	sadd.s32 s7, s6;
	s11 =	ssub.s32 s11, s13  }
0xd: {  	s28 =	sshrl.u32 s12, $0x2;
	s8 =	smul.u32 $0x500, s8;
	s6 =	sor.u32 $0x1C03, s29  }
0xe: {  	s13 =	simm.s32 $0x3;
	s31 =	sadd.s32 s28, s1;
	s24 =	sadd.s32 $0x90000, s15  }
0xf: {  	s11 =	smax.u32 s11, $0x1;
	s15 =	simm.s32 $0x1D000;
	s30 =	sshrl.u32 s14, $0x3  }
0x10: {  	s7 =	sadd.s32 s9, s8;
	s8 =	sadd.s32 s10, s8;
	s14 =	simm.s32 $0x1BC00  }
0x11: {  	s24 =	sadd.s32 s25, s24;
	s25 =	simm.s32 $0x0;
	s12 =	sadd.s32 $0x280, s30  }
0x12: {  	s9 =	sadd.s32 s9, s12;
	s10 =	sadd.s32 s10, s12;
	s12 =	sshrl.u32 s31, $0x3  }
.LBB2_1:
0x13: {  	[spmem:s12], [sflag:s6] =	dma.local [hbm:s5], $0x2780  }
0x14: {  	_ =	swait.ge [sflag:s13], $0x2780  }
0x15: {  	[sflag:s13] =	ssyncset.done $0x0  }
0x16: {  	[sflag:s13] =	ssyncadd.s32 $0xFFFFD880  }
0x17: {  	[bflag:$0x0] =	sbarrier.arrive $0xFFFF  }
0x18: {  	[tilespmem:s14], [sflag:$0x3] =	stream.linear.gather [hbm4b:s7+s2], $0x1400, $0x38;
	[tilespmem:$0x1E400] =	vst v63  }
0x19: {  	_ =	swait.ge [sflag:s13], $0x1400  }
0x1a: {  	[sflag:s13] =	ssyncset.done $0x0  }
0x1b: {  	[sflag:s13] =	ssyncadd.s32 $0xFFFFEC00  }
0x1c: {  	[tilespmem:s15], [sflag:$0x3] =	stream.linear.gather [hbm4b:s8+s2], $0x1400, $0x38;
	[tilespmem:$0x1E400] =	vst v63  }
0x1d: {  	_ =	swait.ge [sflag:s13], $0x1400  }
0x1e: {  	[sflag:s13] =	ssyncset.done $0x0  }
0x1f: {  	[sflag:s13] =	ssyncadd.s32 $0xFFFFEC00  }
0x20: {  	[tilespmem:s17], [sflag:$0x1] =	stream.indirect.gather [hbm4b:s3+s16], $0x80, s14, s16, $0xb8;
	[tilespmem:$0x1E400] =	vst v63  }
0x21: {  	s26 =	simm.s32 $0x1BC80  }
0x22: {  	[tilespmem:s18], [sflag:$0x2] =	stream.indirect.gather [hbm4b:s3+s16], $0x80, s26, s16, $0xb8;
	[tilespmem:$0x1E400] =	vst v63  }
0x23: {  	_ =	swait.ge [sflag:s19], $0x4000  }
0x24: {  	[sflag:s19] =	ssyncset.done $0x0  }
0x25: {  	s29 =	simm.s32 $0x1D000;
	[sflag:s19] =	ssyncadd.s32 $0xFFFFC000  }
0x26: {  	[spmem:s1] =	stream.indirect.scatter.add.f32 [tilespmem:s17], [sflag:$0x3], $0x80, s29, s16, $0xb8;
	[tilespmem:$0x1E400] =	vst v63  }
0x27: {  	_ =	swait.ge [sflag:s13], $0x4000  }
0x28: {  	[sflag:s13] =	ssyncset.done $0x0  }
0x29: {  	s30 =	simm.s32 $0x1BD00;
	[sflag:s13] =	ssyncadd.s32 $0xFFFFC000  }
0x2a: {  	[tilespmem:s17], [sflag:$0x1] =	stream.indirect.gather [hbm4b:s3+s16], $0x80, s30, s16, $0xb8;
	[tilespmem:$0x1E400] =	vst v63  }
0x2b: {  	_ =	swait.ge [sflag:s20], $0x4000  }
0x2c: {  	[sflag:s20] =	ssyncset.done $0x0  }
0x2d: {  	s31 =	simm.s32 $0x1D080;
	[sflag:s20] =	ssyncadd.s32 $0xFFFFC000  }
0x2e: {  	[spmem:s1] =	stream.indirect.scatter.add.f32 [tilespmem:s18], [sflag:$0x3], $0x80, s31, s16, $0xb8;
	[tilespmem:$0x1E400] =	vst v63  }
0x2f: {  	_ =	swait.ge [sflag:s13], $0x4000  }
0x30: {  	s28 =	simm.s32 $0x800;
	s26 =	simm.s32 $0x100;
	[sflag:s13] =	ssyncset.done $0x0  }
.LBB2_2:
0x31: {  	s29 =	sadd.s32 $0x1BC80, s26  }
0x32: {  	[sflag:s13] =	ssyncadd.s32 $0xFFFFC000;
	s30 =	smov.u32 s28;
	s31 =	sadd.s32 $0x400, s28  }
0x33: {  	[tilespmem:s18], [sflag:$0x2] =	stream.indirect.gather [hbm4b:s3+s16], $0x80, s29, s16, $0xb8;
	[tilespmem:$0x1E400] =	vst v63  }
0x34: {  	p0 =	sne.s32 s28, $0x4800;
	_ =	swait.ge [sflag:s19], $0x4000  }
0x35: {  	[sflag:s19] =	ssyncset.done $0x0  }
0x36: {  	s28 =	sadd.s32 $0x1D000, s26;
	[sflag:s19] =	ssyncadd.s32 $0xFFFFC000  }
0x37: {  	[spmem:s1] =	stream.indirect.scatter.add.f32 [tilespmem:s17], [sflag:$0x3], $0x80, s28, s16, $0xb8;
	[tilespmem:$0x1E400] =	vst v63  }
0x38: {  	_ =	swait.ge [sflag:s13], $0x4000  }
0x39: {  	[sflag:s13] =	ssyncset.done $0x0  }
0x3a: {  	s28 =	sadd.s32 $0x1BD00, s26;
	[sflag:s13] =	ssyncadd.s32 $0xFFFFC000  }
0x3b: {  	[tilespmem:s17], [sflag:$0x1] =	stream.indirect.gather [hbm4b:s3+s16], $0x80, s28, s16, $0xb8;
	[tilespmem:$0x1E400] =	vst v63  }
0x3c: {  	_ =	swait.ge [sflag:s20], $0x4000  }
.Ltmp0:
0x3d: {  	[sflag:s20] =	ssyncset.done $0x0;
	(pc) =	sbr.rel @p0 .LBB2_2-.Ltmp0, $4  }
0x3e: {  	s26 =	sadd.s32 $0x1D080, s26;
	[sflag:s20] =	ssyncadd.s32 $0xFFFFC000  }
0x3f: {  	[spmem:s1] =	stream.indirect.scatter.add.f32 [tilespmem:s18], [sflag:$0x3], $0x80, s26, s16, $0xb8;
	[tilespmem:$0x1E400] =	vst v63  }
0x40: {  	_ =	swait.ge [sflag:s13], $0x4000  }
0x41: {  	s28 =	smov.u32 s31;
	s26 =	sshra.s32 s30, $0x2;
	[sflag:s13] =	ssyncset.done $0x0  }
0x42: {  	s28 =	sadd.s32 $0x1BC80, s26;
	[sflag:s13] =	ssyncadd.s32 $0xFFFFC000  }
0x43: {  	[tilespmem:s18], [sflag:$0x2] =	stream.indirect.gather [hbm4b:s3+s16], $0x80, s28, s16, $0xb8;
	[tilespmem:$0x1E400] =	vst v63  }
0x44: {  	_ =	swait.ge [sflag:s19], $0x4000  }
0x45: {  	[sflag:s19] =	ssyncset.done $0x0  }
0x46: {  	s28 =	sadd.s32 $0x1D000, s26;
	[sflag:s19] =	ssyncadd.s32 $0xFFFFC000  }
0x47: {  	[spmem:s1] =	stream.indirect.scatter.add.f32 [tilespmem:s17], [sflag:$0x3], $0x80, s28, s16, $0xb8;
	[tilespmem:$0x1E400] =	vst v63  }
0x48: {  	_ =	swait.ge [sflag:s13], $0x4000  }
0x49: {  	[sflag:s13] =	ssyncset.done $0x0  }
0x4a: {  	s28 =	sadd.s32 $0x1BD00, s26;
	[sflag:s13] =	ssyncadd.s32 $0xFFFFC000  }
0x4b: {  	[tilespmem:s17], [sflag:$0x1] =	stream.indirect.gather [hbm4b:s3+s16], $0x80, s28, s16, $0xb8;
	[tilespmem:$0x1E400] =	vst v63  }
0x4c: {  	_ =	swait.ge [sflag:s20], $0x4000  }
0x4d: {  	[sflag:s20] =	ssyncset.done $0x0  }
0x4e: {  	s29 =	sadd.s32 $0x1D080, s26;
	[sflag:s20] =	ssyncadd.s32 $0xFFFFC000  }
0x4f: {  	[spmem:s1] =	stream.indirect.scatter.add.f32 [tilespmem:s18], [sflag:$0x3], $0x80, s29, s16, $0xb8;
	[tilespmem:$0x1E400] =	vst v63  }
0x50: {  	_ =	swait.ge [sflag:s13], $0x4000  }
0x51: {  	[sflag:s13] =	ssyncset.done $0x0  }
0x52: {  	[sflag:s13] =	ssyncadd.s32 $0xFFFFC000  }
0x53: {  	[tilespmem:s18], [sflag:$0x2] =	stream.indirect.gather [hbm4b:s3+s16], $0x80, s21, s16, $0xb8;
	[tilespmem:$0x1E400] =	vst v63  }
0x54: {  	_ =	swait.ge [sflag:s19], $0x4000  }
0x55: {  	[sflag:s19] =	ssyncset.done $0x0  }
0x56: {  	[sflag:s19] =	ssyncadd.s32 $0xFFFFC000  }
0x57: {  	[spmem:s1] =	stream.indirect.scatter.add.f32 [tilespmem:s17], [sflag:$0x3], $0x80, s22, s16, $0xb8;
	[tilespmem:$0x1E400] =	vst v63  }
0x58: {  	_ =	swait.ge [sflag:s13], $0x4000  }
0x59: {  	[sflag:s13] =	ssyncset.done $0x0  }
0x5a: {  	[sflag:s13] =	ssyncadd.s32 $0xFFFFC000  }
0x5b: {  	_ =	swait.ge [sflag:s20], $0x4000  }
0x5c: {  	[sflag:s20] =	ssyncset.done $0x0  }
0x5d: {  	[sflag:s20] =	ssyncadd.s32 $0xFFFFC000  }
0x5e: {  	[spmem:s1] =	stream.indirect.scatter.add.f32 [tilespmem:s18], [sflag:$0x3], $0x80, s23, s16, $0xb8;
	[tilespmem:$0x1E400] =	vst v63  }
0x5f: {  	_ =	swait.ge [sflag:s13], $0x4000  }
0x60: {  	[sflag:s13] =	ssyncset.done $0x0  }
0x61: {  	s30 =	simm.s32 $0x0;
	[sflag:s13] =	ssyncadd.s32 $0xFFFFC000  }
0x62: {  	[tilespmem:s14], [sflag:$0x3] =	stream.linear.gather [hbm4b:s9+s30], $0x1400, $0x38;
	[tilespmem:$0x1E400] =	vst v63  }
0x63: {  	_ =	swait.ge [sflag:s13], $0x1400  }
0x64: {  	[sflag:s13] =	ssyncset.done $0x0  }
0x65: {  	[sflag:s13] =	ssyncadd.s32 $0xFFFFEC00  }
0x66: {  	[tilespmem:s15], [sflag:$0x3] =	stream.linear.gather [hbm4b:s10+s30], $0x1400, $0x38;
	[tilespmem:$0x1E400] =	vst v63  }
0x67: {  	_ =	swait.ge [sflag:s13], $0x1400  }
0x68: {  	[sflag:s13] =	ssyncset.done $0x0  }
0x69: {  	[sflag:s13] =	ssyncadd.s32 $0xFFFFEC00  }
0x6a: {  	[tilespmem:s17], [sflag:$0x1] =	stream.indirect.gather [hbm4b:s3+s16], $0x80, s14, s16, $0xb8;
	[tilespmem:$0x1E400] =	vst v63  }
0x6b: {  	s31 =	simm.s32 $0x1BC80  }
0x6c: {  	[tilespmem:s18], [sflag:$0x2] =	stream.indirect.gather [hbm4b:s3+s16], $0x80, s31, s16, $0xb8;
	[tilespmem:$0x1E400] =	vst v63  }
0x6d: {  	_ =	swait.ge [sflag:s19], $0x4000  }
0x6e: {  	[sflag:s19] =	ssyncset.done $0x0  }
0x6f: {  	s29 =	simm.s32 $0x1D000;
	[sflag:s19] =	ssyncadd.s32 $0xFFFFC000  }
0x70: {  	[spmem:s1] =	stream.indirect.scatter.add.f32 [tilespmem:s17], [sflag:$0x3], $0x80, s29, s16, $0xb8;
	[tilespmem:$0x1E400] =	vst v63  }
0x71: {  	_ =	swait.ge [sflag:s13], $0x4000  }
0x72: {  	[sflag:s13] =	ssyncset.done $0x0  }
0x73: {  	s30 =	simm.s32 $0x1BD00;
	[sflag:s13] =	ssyncadd.s32 $0xFFFFC000  }
0x74: {  	[tilespmem:s17], [sflag:$0x1] =	stream.indirect.gather [hbm4b:s3+s16], $0x80, s30, s16, $0xb8;
	[tilespmem:$0x1E400] =	vst v63  }
0x75: {  	_ =	swait.ge [sflag:s20], $0x4000  }
0x76: {  	[sflag:s20] =	ssyncset.done $0x0  }
0x77: {  	s31 =	simm.s32 $0x1D080;
	[sflag:s20] =	ssyncadd.s32 $0xFFFFC000  }
0x78: {  	[spmem:s1] =	stream.indirect.scatter.add.f32 [tilespmem:s18], [sflag:$0x3], $0x80, s31, s16, $0xb8;
	[tilespmem:$0x1E400] =	vst v63  }
0x79: {  	_ =	swait.ge [sflag:s13], $0x4000  }
0x7a: {  	s26 =	simm.s32 $0x100;
	s28 =	simm.s32 $0x800;
	[sflag:s13] =	ssyncset.done $0x0  }
.LBB2_4:
0x7b: {  	s29 =	sadd.s32 $0x1BC80, s26  }
0x7c: {  	[sflag:s13] =	ssyncadd.s32 $0xFFFFC000;
	s30 =	smov.u32 s28;
	s31 =	sadd.s32 $0x400, s28  }
0x7d: {  	[tilespmem:s18], [sflag:$0x2] =	stream.indirect.gather [hbm4b:s3+s16], $0x80, s29, s16, $0xb8;
	[tilespmem:$0x1E400] =	vst v63  }
0x7e: {  	p0 =	sne.s32 s28, $0x4800;
	_ =	swait.ge [sflag:s19], $0x4000  }
0x7f: {  	[sflag:s19] =	ssyncset.done $0x0  }
0x80: {  	s28 =	sadd.s32 $0x1D000, s26;
	[sflag:s19] =	ssyncadd.s32 $0xFFFFC000  }
0x81: {  	[spmem:s1] =	stream.indirect.scatter.add.f32 [tilespmem:s17], [sflag:$0x3], $0x80, s28, s16, $0xb8;
	[tilespmem:$0x1E400] =	vst v63  }
0x82: {  	_ =	swait.ge [sflag:s13], $0x4000  }
0x83: {  	[sflag:s13] =	ssyncset.done $0x0  }
0x84: {  	s28 =	sadd.s32 $0x1BD00, s26;
	[sflag:s13] =	ssyncadd.s32 $0xFFFFC000  }
0x85: {  	[tilespmem:s17], [sflag:$0x1] =	stream.indirect.gather [hbm4b:s3+s16], $0x80, s28, s16, $0xb8;
	[tilespmem:$0x1E400] =	vst v63  }
0x86: {  	_ =	swait.ge [sflag:s20], $0x4000  }
.Ltmp1:
0x87: {  	[sflag:s20] =	ssyncset.done $0x0;
	(pc) =	sbr.rel @p0 .LBB2_4-.Ltmp1, $4  }
0x88: {  	s26 =	sadd.s32 $0x1D080, s26;
	[sflag:s20] =	ssyncadd.s32 $0xFFFFC000  }
0x89: {  	[spmem:s1] =	stream.indirect.scatter.add.f32 [tilespmem:s18], [sflag:$0x3], $0x80, s26, s16, $0xb8;
	[tilespmem:$0x1E400] =	vst v63  }
0x8a: {  	_ =	swait.ge [sflag:s13], $0x4000  }
0x8b: {  	s28 =	smov.u32 s31;
	s26 =	sshra.s32 s30, $0x2;
	[sflag:s13] =	ssyncset.done $0x0  }
0x8c: {  	s28 =	sadd.s32 $0x1BC80, s26;
	[sflag:s13] =	ssyncadd.s32 $0xFFFFC000  }
0x8d: {  	[tilespmem:s18], [sflag:$0x2] =	stream.indirect.gather [hbm4b:s3+s16], $0x80, s28, s16, $0xb8;
	[tilespmem:$0x1E400] =	vst v63  }
0x8e: {  	_ =	swait.ge [sflag:s19], $0x4000  }
0x8f: {  	[sflag:s19] =	ssyncset.done $0x0  }
0x90: {  	s29 =	sadd.s32 $0x1D000, s26;
	[sflag:s19] =	ssyncadd.s32 $0xFFFFC000  }
0x91: {  	[spmem:s1] =	stream.indirect.scatter.add.f32 [tilespmem:s17], [sflag:$0x3], $0x80, s29, s16, $0xb8;
	[tilespmem:$0x1E400] =	vst v63  }
0x92: {  	_ =	swait.ge [sflag:s13], $0x4000  }
0x93: {  	[sflag:s13] =	ssyncset.done $0x0  }
0x94: {  	s30 =	sadd.s32 $0x1BD00, s26;
	[sflag:s13] =	ssyncadd.s32 $0xFFFFC000  }
0x95: {  	[tilespmem:s17], [sflag:$0x1] =	stream.indirect.gather [hbm4b:s3+s16], $0x80, s30, s16, $0xb8;
	[tilespmem:$0x1E400] =	vst v63  }
0x96: {  	_ =	swait.ge [sflag:s20], $0x4000  }
0x97: {  	[sflag:s20] =	ssyncset.done $0x0  }
0x98: {  	s31 =	sadd.s32 $0x1D080, s26;
	[sflag:s20] =	ssyncadd.s32 $0xFFFFC000  }
0x99: {  	[spmem:s1] =	stream.indirect.scatter.add.f32 [tilespmem:s18], [sflag:$0x3], $0x80, s31, s16, $0xb8;
	[tilespmem:$0x1E400] =	vst v63  }
0x9a: {  	_ =	swait.ge [sflag:s13], $0x4000  }
0x9b: {  	[sflag:s13] =	ssyncset.done $0x0  }
0x9c: {  	[sflag:s13] =	ssyncadd.s32 $0xFFFFC000  }
0x9d: {  	[tilespmem:s18], [sflag:$0x2] =	stream.indirect.gather [hbm4b:s3+s16], $0x80, s21, s16, $0xb8;
	[tilespmem:$0x1E400] =	vst v63  }
0x9e: {  	_ =	swait.ge [sflag:s19], $0x4000  }
0x9f: {  	[sflag:s19] =	ssyncset.done $0x0  }
0xa0: {  	[sflag:s19] =	ssyncadd.s32 $0xFFFFC000  }
0xa1: {  	[spmem:s1] =	stream.indirect.scatter.add.f32 [tilespmem:s17], [sflag:$0x3], $0x80, s22, s16, $0xb8;
	[tilespmem:$0x1E400] =	vst v63  }
0xa2: {  	_ =	swait.ge [sflag:s13], $0x4000  }
0xa3: {  	[sflag:s13] =	ssyncset.done $0x0  }
0xa4: {  	[sflag:s13] =	ssyncadd.s32 $0xFFFFC000  }
0xa5: {  	_ =	swait.ge [sflag:s20], $0x4000  }
0xa6: {  	[sflag:s20] =	ssyncset.done $0x0  }
0xa7: {  	[sflag:s20] =	ssyncadd.s32 $0xFFFFC000  }
0xa8: {  	[spmem:s1] =	stream.indirect.scatter.add.f32 [tilespmem:s18], [sflag:$0x3], $0x80, s23, s16, $0xb8;
	[tilespmem:$0x1E400] =	vst v63  }
0xa9: {  	_ =	swait.ge [sflag:s13], $0x4000  }
0xaa: {  	s25 =	sadd.s32 $0x1, s25;
	[sflag:s13] =	ssyncset.done $0x0  }
0xab: {  	p0 =	sne.s32 s25, s11;
	[sflag:s13] =	ssyncadd.s32 $0xFFFFC000  }
.Ltmp2:
0xac: {  	[bflag:$0x0] =	sbarrier.arrive $0xFFFF;
	(pc) =	sbr.rel @p0 .LBB2_1-.Ltmp2, $4  }
0xad: {  	[hbm:s24], [sflag:s6] =	dma.local [spmem:s12], $0x2780  }
0xae: {  	_ =	swait.ge [sflag:s13], $0x2780  }
0xaf: {  	[sflag:s13] =	ssyncset.done $0x0  }
0xb0: {  	[sflag:s13] =	ssyncadd.s32 $0xFFFFD880  }
0xb1: {  	_ =	sfence.sel $0x180000  }
0xb2: {  	[bflag:$0x0] =	sbarrier.arrive $0xFFFF  }
0xb3: {  	p0 =	sne.s32 s4, $0x0;
	_ =	strace $0x9000004A  }
0xb4: {  	s0 =	sadd.s32 @!p0 $0x100000, s0;
	[bflag:$0x2] =	sbarrier.arrive $0xFFFF  }
0xb5: {  	[sflag:s0] =	ssyncadd.tile.s32 @!p0 $0x1;
	_ =	shalt  }
.Lfunc_end2:
_tile_overlayer_lowered:
.L_overlay_start_2:
0xb6: {  	(tag) =	ssettag $0x2  }
0xb7: {  	s0 =	rddreg [dreg:$0x0];
	s2 =	stileid.u32  }
0xb8: {  	s1 =	rddreg [dreg:$0x1];
	p0 =	sne.s32 s2, $0x0  }
0xb9: {  	s3 =	rddreg [dreg:$0x2];
	[bflag:$0x3] =	sbarrier.arrive $0xFFFF;
	s2 =	simm.s32 @!p0 $0x1C03  }
0xba: {  	[timem:s3], [sflag:s2] =	dma.local @!p0 [hbm:s0], s1  }
0xbb: {  	s0 =	simm.s32 @!p0 $0x3  }
0xbc: {  	_ =	swait.ge @!p0 [sflag:s0], s1  }
0xbd: {  	s1 =	ssub.s32 @!p0 $0x0, s1;
	[sflag:s0] =	ssyncset.done @!p0 $0x0  }
0xbe: {  	[sflag:s0] =	ssyncadd.s32 @!p0 s1  }
0xbf: {  	[bflag:$0x3] =	sbarrier.arrive $0xFFFF  }
0xc0: {  	_ =	shalt  }

// kernel: kernel.14.cloned.1.call-start
scs
__scs_entry_jumppad:
0x0: {  	(pc) =	sbr.rel $0x88, $3  }
0x1: {  	(tag) =	ssettag $0x0;
	lr =	simm.s32 $0x1  }
0x2: {  	[smem:$0x3F96] =	sst lr;
	_ =	strace $0xD0000000  }
0x3: {  	_ = 	snop  }
0x4: {  	_ = 	snop  }
0x5: {  	_ = 	snop  }
0x6: {  	_ = 	snop  }
0x7: {  	_ = 	snop  }
__scs_overlays_trampoline_lowered:
0x8: {  	[smem:$0x3FA5] =	sst s0  }
0x9: {  	[smem:$0x3FA6] =	sst s1  }
0xa: {  	[smem:$0x3FA7] =	sst s2  }
0xb: {  	[smem:$0x3FA8] =	sst s3  }
0xc: {  	[smem:$0x3FA9] =	sst s4  }
0xd: {  	[smem:$0x3FAA] =	sst s5  }
0xe: {  	[smem:$0x3FAB] =	sst s6  }
0xf: {  	[smem:$0x3FAC] =	sst s7  }
0x10: {  	[smem:$0x3FAD] =	sst s8  }
0x11: {  	[smem:$0x3FAE] =	sst s9;
	s0 =	simm.s32 @!p0 $0x0  }
0x12: {  	s1 =	sld [smem:$0x3F94];
	s0 =	simm.s32 @p0 $0x1  }
0x13: {  	[smem:$0x3FAF] =	sst s0;
	s0 =	simm.s32 @!p1 $0x0  }
0x14: {  	s2 =	sld [smem:$0x3F93];
	s0 =	simm.s32 @p1 $0x1  }
0x15: {  	[smem:$0x3FB0] =	sst s0;
	s0 =	simm.s32 @!p2 $0x0  }
0x16: {  	s3 =	sld [smem:$0x3FDB];
	s0 =	simm.s32 @p2 $0x1  }
0x17: {  	s4 =	simm.s32 $0x1BF5;
	[smem:$0x3FB2] =	sst s0  }
0x18: {  	s0 =	sld [smem:$0x3F95];
	_ =	swait.ge [sflag:s4], $0x0  }
0x19: {  	s7 =	sld [smem:$0x3F96]  }
0x1a: {  	s8 =	sadd.s32 $0xFFFFE003, lr  }
0x1b: {  	s9 =	sadd.s32 $0xFFFFFEF7, lr;
	s5 =	simm.s32 $0xFFFFFFFF;
	p2 =	slt.u32 s8, $0xFFFFF086  }
0x1c: {  	p1 =	slt.u32 s9, $0xF7A;
	s5 =	simm.s32 @!p2 $0x0  }
0x1d: {  	s5 =	simm.s32 @p1 $0x1;
	p0 =	seq.s32 s7, s2  }
0x1e: {  	s7 =	smul.u32 @!p0 $0xF7A, s2;
	p2 =	seq.s32 @!p0 s5, $0x0  }
0x1f: {  	s9 =	smul.u32 $0xF7A, s1;
	s8 =	simm.s32 @!p0 $0x1BF5;
	p2 =	por !p2, p0  }
0x20: {  	[sflag:s8] =	ssyncset.s32 @!p0 $0xFFFFF086;
	s6 =	sadd.s32 @!p0 s3, s7;
	s7 =	simm.s32 @!p0 $0x108  }
0x21: {  	s3 =	sadd.s32 s3, s9;
	s6 =	sadd.s32 @!p0 $0x88, s6;
	s7 =	simm.s32 @p2 $0x1082  }
0x22: {  	[simem:s7], [sflag:s8] =	dma.local @!p0 [hbm:s6], $0xF7A  }
0x23: {  	s9 =	sor.u32 $0xD0000000, s2;
	s6 =	simm.s32 $0x108;
	_ =	swait.ge @!p0 [sflag:s8], $0x0  }
0x24: {  	s3 =	sadd.s32 $0x88, s3;
	s6 =	simm.s32 @!p1 $0x1082;
	[sflag:s4] =	ssyncset.s32 $0xFFFFF086  }
0x25: {  	[simem:s6], [sflag:s4] =	dma.local [hbm:s3], $0xF7A  }
0x26: {  	[smem:$0x3F96] =	sst s1;
	(tag) =	ssettag s2;
	_ =	strace s9  }
0x27: {  	s1 =	sld [smem:$0x3FA6]  }
0x28: {  	s2 =	sld [smem:$0x3FA7]  }
0x29: {  	s4 =	sld [smem:$0x3FA9]  }
0x2a: {  	p0 =	seq.s32 s5, $0x0;
	s5 =	sld [smem:$0x3FAA]  }
0x2b: {  	s6 =	sld [smem:$0x3FAB]  }
0x2c: {  	s7 =	sld [smem:$0x3FAC]  }
0x2d: {  	s3 =	simm.s32 $0x108;
	s8 =	sld [smem:$0x3FAD]  }
0x2e: {  	s3 =	simm.s32 @!p0 $0x1082;
	s9 =	sld [smem:$0x3FAE]  }
0x2f: {  	lr =	sadd.s32 s0, s3;
	s0 =	sld [smem:$0x3FA5]  }
0x30: {  	s3 =	sld [smem:$0x3FA8]  }
0x31: {  	[smem:$0x3FB1] =	sst s10  }
0x32: {  	s10 =	sld [smem:$0x3FAF];
	_ =	sdelay $0x3  }
0x33: {  	p0 =	seq.s32 s10, $0x1;
	s10 =	sld [smem:$0x3FB1];
	_ =	sdelay $0x3  }
0x34: {  	[smem:$0x3FB1] =	sst s10  }
0x35: {  	s10 =	sld [smem:$0x3FB0];
	_ =	sdelay $0x3  }
0x36: {  	p1 =	seq.s32 s10, $0x1;
	s10 =	sld [smem:$0x3FB1];
	_ =	sdelay $0x3  }
0x37: {  	[smem:$0x3FB1] =	sst s10  }
0x38: {  	s10 =	sld [smem:$0x3FB2]  }
0x39: {  	_ = 	snop;
	(pc) =	sbr.ind lr, $3  }
0x3a: {  	_ = 	snop  }
0x3b: {  	_ = 	snop  }
0x3c: {  	p2 =	seq.s32 s10, $0x1;
	s10 =	sld [smem:$0x3FB1]  }
0x3d: {  	_ =	shalt  }
0x3e: {  	_ =	shalt  }
0x3f: {  	_ =	shalt  }
0x40: {  	_ =	shalt  }
0x41: {  	_ =	shalt  }
0x42: {  	_ =	shalt  }
0x43: {  	_ =	shalt  }
0x44: {  	_ =	shalt  }
0x45: {  	_ =	shalt  }
0x46: {  	_ =	shalt  }
0x47: {  	_ =	shalt  }
0x48: {  	_ =	shalt  }
0x49: {  	_ =	shalt  }
0x4a: {  	_ =	shalt  }
0x4b: {  	_ =	shalt  }
0x4c: {  	_ =	shalt  }
0x4d: {  	_ =	shalt  }
0x4e: {  	_ =	shalt  }
0x4f: {  	_ =	shalt  }
0x50: {  	_ =	shalt  }
0x51: {  	_ =	shalt  }
0x52: {  	_ =	shalt  }
0x53: {  	_ =	shalt  }
0x54: {  	_ =	shalt  }
0x55: {  	_ =	shalt  }
0x56: {  	_ =	shalt  }
0x57: {  	_ =	shalt  }
0x58: {  	_ =	shalt  }
0x59: {  	_ =	shalt  }
0x5a: {  	_ =	shalt  }
0x5b: {  	_ =	shalt  }
0x5c: {  	_ =	shalt  }
0x5d: {  	_ =	shalt  }
0x5e: {  	_ =	shalt  }
0x5f: {  	_ =	shalt  }
0x60: {  	_ =	shalt  }
0x61: {  	_ =	shalt  }
0x62: {  	_ =	shalt  }
0x63: {  	_ =	shalt  }
0x64: {  	_ =	shalt  }
0x65: {  	_ =	shalt  }
0x66: {  	_ =	shalt  }
0x67: {  	_ =	shalt  }
0x68: {  	_ =	shalt  }
0x69: {  	_ =	shalt  }
0x6a: {  	_ =	shalt  }
0x6b: {  	_ =	shalt  }
0x6c: {  	_ =	shalt  }
0x6d: {  	_ =	shalt  }
0x6e: {  	_ =	shalt  }
0x6f: {  	_ =	shalt  }
0x70: {  	_ =	shalt  }
0x71: {  	_ =	shalt  }
0x72: {  	_ =	shalt  }
0x73: {  	_ =	shalt  }
0x74: {  	_ =	shalt  }
0x75: {  	_ =	shalt  }
0x76: {  	_ =	shalt  }
0x77: {  	_ =	shalt  }
0x78: {  	_ =	shalt  }
0x79: {  	_ =	shalt  }
0x7a: {  	_ =	shalt  }
0x7b: {  	_ =	shalt  }
0x7c: {  	_ =	shalt  }
0x7d: {  	_ =	shalt  }
0x7e: {  	_ =	shalt  }
0x7f: {  	_ =	shalt  }
0x80: {  	_ =	shalt  }
0x81: {  	_ =	shalt  }
0x82: {  	_ =	shalt  }
0x83: {  	_ =	shalt  }
0x84: {  	_ =	shalt  }
0x85: {  	_ =	shalt  }
0x86: {  	_ =	shalt  }
0x87: {  	_ =	shalt  }
.Lfunc_end0:
.L_simem_size_0:
called_computation.2_lowered:
.L_overlay_start_0:
0x88: {  	s2 =	sld [smem:$0x3FD9]  }
0x89: {  	s3 =	sld [smem:$0x3FFE];
	_ =	sdelay $0x1  }
0x8a: {  	s1 =	srdreg.scid  }
0x8b: {  	s0 =	sand.u32 $0x1, s1  }
0x8c: {  	s16 =	sshll.u32 s0, $0xA;
	s2 =	sadd.s32 s3, s2  }
0x8d: {  	s2 =	sadd.s32 s2, s16  }
0x8e: {  	[smem:$0x3FBD] =	sst s2  }
0x8f: {  	_ = 	snop  }
0x90: {  	(tm) =	ssettm $0x1  }
0x91: {  	s17 =	sld [smem:$0x3FFB];
	_ =	sdelay $0x3  }
0x92: {  	_ =	strace s17  }
0x93: {  	s2 =	sld [smem:$0x3FFC];
	_ =	sdelay $0x3  }
0x94: {  	_ =	strace s2  }
0x95: {  	s2 =	sld [smem:$0x3FFD];
	_ =	sdelay $0x3  }
0x96: {  	_ =	strace s2  }
0x97: {  	_ =	strace $0x8FFFFFFF  }
0x98: {  	s18 =	sld [smem:$0x3FDB];
	_ =	sdelay $0x1  }
0x99: {  	s19 =	simm.s32 $_scs_section_size  }
0x9a: {  	s4 =	simm.s32 $_size__tile_overlayer_lowered;
	s5 =	simm.s32 $_tile_overlayer_lowered  }
0x9b: {  	s22 =	simm.s32 $0x1BFF;
	s21 =	sshll.u32 s5, $0x1;
	s2 =	sadd.s32 s19, s18  }
0x9c: {  	s6 =	simm.s32 $0x0;
	s20 =	sshll.u32 s4, $0x1;
	s4 =	sadd.s32 s21, s2  }
0x9d: {  	[timem:s6], [sflag:s22] =	dma.local [hbm:s4], s20  }
0x9e: {  	_ =	swait.ge [sflag:s22], s20  }
0x9f: {  	s3 =	ssub.s32 $0x0, s20;
	[sflag:s22] =	ssyncset.done $0x0  }
0xa0: {  	[sflag:s22] =	ssyncadd.s32 s3;
	_ =	sdelay $0x1  }
0xa1: {  	s23 =	simm.s32 $0x1B8B  }
0xa2: {  	_ =	swait.ge [sflag:s23], $0x1  }
0xa3: {  	[sflag:s23] =	ssyncset.done $0x0  }
0xa4: {  	s25 =	simm.s32 $0x1B8E;
	s24 =	sld [smem:$0x3FFE];
	[sflag:s23] =	ssyncadd.s32 $0xFFFFFFFF  }
0xa5: {  	s26 =	simm.s32 $execute0_lowered;
	[smem:$0x3FD2] =	sst s25  }
0xa6: {  	s4 =	sshll.u32 s26, $0x1;
	_ =	strace $0x8000004C;
	[dreg:$0x1] =	wrdreg $0xFFFFFFFF  }
0xa7: {  	s28 =	simm.s32 $_size_execute0_lowered;
	s2 =	sadd.s32 s2, s4;
	[dreg:$0x0] =	wrdreg $0x0  }
0xa8: {  	s4 =	sshll.u32 s28, $0x1;
	[dreg:$0x2] =	wrdreg s2  }
0xa9: {  	[dreg:$0x3] =	wrdreg s4  }
0xaa: {  	[dreg:$0x4] =	wrdreg $0xC0  }
0xab: {  	_ =	task [dreg:s6], $0x5FFFF  }
0xac: {  	[dreg:$0x1] =	wrdreg $0xFFFFFFFF  }
0xad: {  	[dreg:$0x0] =	wrdreg $0x60  }
0xae: {  	[dreg:$0x2] =	wrdreg s24  }
0xaf: {  	[dreg:$0x3] =	wrdreg $0x0  }
0xb0: {  	[dreg:$0x4] =	wrdreg $0x9  }
0xb1: {  	_ =	task.clear_ibuf [dreg:s6], $0x5FFFF;
	_ =	strace $0x9000004C  }
0xb2: {  	s29 =	simm.s32 $0x9;
	_ =	strace $0x8000004E  }
0xb3: {  	_ =	swait.ge [sflag:s29], $0x1  }
0xb4: {  	[sflag:s29] =	ssyncadd.s32 $0xFFFFFFFF  }
0xb5: {  	_ =	strace $0x9000004E  }
0xb6: {  	_ =	sfence  }
0xb7: {  	s30 =	sld [smem:$0x0];
	_ =	sdelay $0x2  }
0xb8: {  	s31 =	sshll.u32 s1, $0xD;
	s1 =	sshrl.u32 s1, $0x2  }
0xb9: {  	s3 =	sand.u32 $0x4000, s31;
	s1 =	sadd.s32 s1, s30  }
0xba: {  	s0 =	sor.u32 s3, s0;
	s1 =	sshll.u32 s1, $0x11  }
0xbb: {  	s0 =	sor.u32 s1, s0  }
0xbc: {  	s0 =	sadd.s32 $0x8F2B, s0  }
0xbd: {  	[sflag:s0] =	ssyncadd.remote.s32 $0x1  }
0xbe: {  	_ =	sfence.sel $0xFFFF  }
0xbf: {  	[dreg:$0x0] =	wrdreg $0xFFFFFFFF;
	(pc) =	sbr.abs _section_cstart, $3  }
0xc0: {  	[dreg:$0x1] =	wrdreg $0xFFFFFFFF  }
0xc1: {  	_ =	task.clear_ibuf [dreg:s6], $0x2FFFF;
	_ =	strace $0x9FFFFFFF  }
0xc2: {  	(tm) =	ssettm $0x7FFFFFFF  }
0xc3: {  	_ =	shalt  }
tec
execute0_lowered:
.L_overlay_start_1:
0x0: {  	(tag) =	ssettag $0x1  }
0x1: {  	s6 =	rddreg [dreg:$0x0]  }
0x2: {  	s1 =	rddreg [dreg:$0x1]  }
0x3: {  	s0 =	rddreg [dreg:$0x2];
	s2 =	simm.s32 $0x0;
	s4 =	srdreg.scid  }
0x4: {  	s16 =	simm.s32 $0x80;
	s17 =	simm.s32 $0x13C00;
	s18 =	simm.s32 $0x17C00  }
0x5: {  	s19 =	simm.s32 $0x1;
	s20 =	simm.s32 $0x2;
	s21 =	simm.s32 $0x1CF80  }
0x6: {  	s22 =	simm.s32 $0x1E300;
	s23 =	simm.s32 $0x1E380;
	[smem:$0x7FF] =	sst s2  }
0x7: {  	s3 =	sadd.s32 $0x66000, s6;
	s9 =	sadd.s32 $0x3000, s6;
	s10 =	sadd.s32 $0xD000, s6  }
0x8: {  	s5 =	sand.u32 $0x1, s4;
	s4 =	stileid.u32;
	_ =	strace $0x8000004D  }
0x9: {  	s7 =	smul.u32 $0x27800, s5;
	s8 =	sshll.u32 s5, $0x4;
	s11 =	ssub.s32 $0x2, s5  }
0xa: {  	s12 =	smul.u32 $0x4F000, s4;
	s5 =	sadd.s32 $0x8D800, s6;
	s29 =	sshll.u32 s4, $0x6  }
0xb: {  	s25 =	smul.u32 $0x2780, s4;
	s8 =	sor.u32 s4, s8;
	s13 =	sshrl.u32 s11, $0x1  }
0xc: {  	s14 =	smul.u32 $0x2800, s8;
	s15 =	sadd.s32 s7, s6;
	s11 =	ssub.s32 s11, s13  }
0xd: {  	s28 =	sshrl.u32 s12, $0x2;
	s8 =	smul.u32 $0x500, s8;
	s6 =	sor.u32 $0x1C03, s29  }
0xe: {  	s13 =	simm.s32 $0x3;
	s31 =	sadd.s32 s28, s1;
	s24 =	sadd.s32 $0x90000, s15  }
0xf: {  	s11 =	smax.u32 s11, $0x1;
	s15 =	simm.s32 $0x1D000;
	s30 =	sshrl.u32 s14, $0x3  }
0x10: {  	s7 =	sadd.s32 s9, s8;
	s8 =	sadd.s32 s10, s8;
	s14 =	simm.s32 $0x1BC00  }
0x11: {  	s24 =	sadd.s32 s25, s24;
	s25 =	simm.s32 $0x0;
	s12 =	sadd.s32 $0x280, s30  }
0x12: {  	s9 =	sadd.s32 s9, s12;
	s10 =	sadd.s32 s10, s12;
	s12 =	sshrl.u32 s31, $0x3  }
.LBB2_1:
0x13: {  	[spmem:s12], [sflag:s6] =	dma.local [hbm:s5], $0x2780  }
0x14: {  	_ =	swait.ge [sflag:s13], $0x2780  }
0x15: {  	[sflag:s13] =	ssyncset.done $0x0  }
0x16: {  	[sflag:s13] =	ssyncadd.s32 $0xFFFFD880  }
0x17: {  	[bflag:$0x0] =	sbarrier.arrive $0xFFFF  }
0x18: {  	[tilespmem:s14], [sflag:$0x3] =	stream.linear.gather [hbm4b:s7+s2], $0x1400, $0x38;
	[tilespmem:$0x1E400] =	vst v63  }
0x19: {  	_ =	swait.ge [sflag:s13], $0x1400  }
0x1a: {  	[sflag:s13] =	ssyncset.done $0x0  }
0x1b: {  	[sflag:s13] =	ssyncadd.s32 $0xFFFFEC00  }
0x1c: {  	[tilespmem:s15], [sflag:$0x3] =	stream.linear.gather [hbm4b:s8+s2], $0x1400, $0x38;
	[tilespmem:$0x1E400] =	vst v63  }
0x1d: {  	_ =	swait.ge [sflag:s13], $0x1400  }
0x1e: {  	[sflag:s13] =	ssyncset.done $0x0  }
0x1f: {  	[sflag:s13] =	ssyncadd.s32 $0xFFFFEC00  }
0x20: {  	[tilespmem:s17], [sflag:$0x1] =	stream.indirect.gather [hbm4b:s3+s16], $0x80, s14, s16, $0xb8;
	[tilespmem:$0x1E400] =	vst v63  }
0x21: {  	s26 =	simm.s32 $0x1BC80  }
0x22: {  	[tilespmem:s18], [sflag:$0x2] =	stream.indirect.gather [hbm4b:s3+s16], $0x80, s26, s16, $0xb8;
	[tilespmem:$0x1E400] =	vst v63  }
0x23: {  	_ =	swait.ge [sflag:s19], $0x4000  }
0x24: {  	[sflag:s19] =	ssyncset.done $0x0  }
0x25: {  	s29 =	simm.s32 $0x1D000;
	[sflag:s19] =	ssyncadd.s32 $0xFFFFC000  }
0x26: {  	[spmem:s1] =	stream.indirect.scatter.add.f32 [tilespmem:s17], [sflag:$0x3], $0x80, s29, s16, $0xb8;
	[tilespmem:$0x1E400] =	vst v63  }
0x27: {  	_ =	swait.ge [sflag:s13], $0x4000  }
0x28: {  	[sflag:s13] =	ssyncset.done $0x0  }
0x29: {  	s30 =	simm.s32 $0x1BD00;
	[sflag:s13] =	ssyncadd.s32 $0xFFFFC000  }
0x2a: {  	[tilespmem:s17], [sflag:$0x1] =	stream.indirect.gather [hbm4b:s3+s16], $0x80, s30, s16, $0xb8;
	[tilespmem:$0x1E400] =	vst v63  }
0x2b: {  	_ =	swait.ge [sflag:s20], $0x4000  }
0x2c: {  	[sflag:s20] =	ssyncset.done $0x0  }
0x2d: {  	s31 =	simm.s32 $0x1D080;
	[sflag:s20] =	ssyncadd.s32 $0xFFFFC000  }
0x2e: {  	[spmem:s1] =	stream.indirect.scatter.add.f32 [tilespmem:s18], [sflag:$0x3], $0x80, s31, s16, $0xb8;
	[tilespmem:$0x1E400] =	vst v63  }
0x2f: {  	_ =	swait.ge [sflag:s13], $0x4000  }
0x30: {  	s28 =	simm.s32 $0x800;
	s26 =	simm.s32 $0x100;
	[sflag:s13] =	ssyncset.done $0x0  }
.LBB2_2:
0x31: {  	s29 =	sadd.s32 $0x1BC80, s26  }
0x32: {  	[sflag:s13] =	ssyncadd.s32 $0xFFFFC000;
	s30 =	smov.u32 s28;
	s31 =	sadd.s32 $0x400, s28  }
0x33: {  	[tilespmem:s18], [sflag:$0x2] =	stream.indirect.gather [hbm4b:s3+s16], $0x80, s29, s16, $0xb8;
	[tilespmem:$0x1E400] =	vst v63  }
0x34: {  	p0 =	sne.s32 s28, $0x4800;
	_ =	swait.ge [sflag:s19], $0x4000  }
0x35: {  	[sflag:s19] =	ssyncset.done $0x0  }
0x36: {  	s28 =	sadd.s32 $0x1D000, s26;
	[sflag:s19] =	ssyncadd.s32 $0xFFFFC000  }
0x37: {  	[spmem:s1] =	stream.indirect.scatter.add.f32 [tilespmem:s17], [sflag:$0x3], $0x80, s28, s16, $0xb8;
	[tilespmem:$0x1E400] =	vst v63  }
0x38: {  	_ =	swait.ge [sflag:s13], $0x4000  }
0x39: {  	[sflag:s13] =	ssyncset.done $0x0  }
0x3a: {  	s28 =	sadd.s32 $0x1BD00, s26;
	[sflag:s13] =	ssyncadd.s32 $0xFFFFC000  }
0x3b: {  	[tilespmem:s17], [sflag:$0x1] =	stream.indirect.gather [hbm4b:s3+s16], $0x80, s28, s16, $0xb8;
	[tilespmem:$0x1E400] =	vst v63  }
0x3c: {  	_ =	swait.ge [sflag:s20], $0x4000  }
.Ltmp0:
0x3d: {  	[sflag:s20] =	ssyncset.done $0x0;
	(pc) =	sbr.rel @p0 .LBB2_2-.Ltmp0, $4  }
0x3e: {  	s26 =	sadd.s32 $0x1D080, s26;
	[sflag:s20] =	ssyncadd.s32 $0xFFFFC000  }
0x3f: {  	[spmem:s1] =	stream.indirect.scatter.add.f32 [tilespmem:s18], [sflag:$0x3], $0x80, s26, s16, $0xb8;
	[tilespmem:$0x1E400] =	vst v63  }
0x40: {  	_ =	swait.ge [sflag:s13], $0x4000  }
0x41: {  	s28 =	smov.u32 s31;
	s26 =	sshra.s32 s30, $0x2;
	[sflag:s13] =	ssyncset.done $0x0  }
0x42: {  	s28 =	sadd.s32 $0x1BC80, s26;
	[sflag:s13] =	ssyncadd.s32 $0xFFFFC000  }
0x43: {  	[tilespmem:s18], [sflag:$0x2] =	stream.indirect.gather [hbm4b:s3+s16], $0x80, s28, s16, $0xb8;
	[tilespmem:$0x1E400] =	vst v63  }
0x44: {  	_ =	swait.ge [sflag:s19], $0x4000  }
0x45: {  	[sflag:s19] =	ssyncset.done $0x0  }
0x46: {  	s28 =	sadd.s32 $0x1D000, s26;
	[sflag:s19] =	ssyncadd.s32 $0xFFFFC000  }
0x47: {  	[spmem:s1] =	stream.indirect.scatter.add.f32 [tilespmem:s17], [sflag:$0x3], $0x80, s28, s16, $0xb8;
	[tilespmem:$0x1E400] =	vst v63  }
0x48: {  	_ =	swait.ge [sflag:s13], $0x4000  }
0x49: {  	[sflag:s13] =	ssyncset.done $0x0  }
0x4a: {  	s28 =	sadd.s32 $0x1BD00, s26;
	[sflag:s13] =	ssyncadd.s32 $0xFFFFC000  }
0x4b: {  	[tilespmem:s17], [sflag:$0x1] =	stream.indirect.gather [hbm4b:s3+s16], $0x80, s28, s16, $0xb8;
	[tilespmem:$0x1E400] =	vst v63  }
0x4c: {  	_ =	swait.ge [sflag:s20], $0x4000  }
0x4d: {  	[sflag:s20] =	ssyncset.done $0x0  }
0x4e: {  	s29 =	sadd.s32 $0x1D080, s26;
	[sflag:s20] =	ssyncadd.s32 $0xFFFFC000  }
0x4f: {  	[spmem:s1] =	stream.indirect.scatter.add.f32 [tilespmem:s18], [sflag:$0x3], $0x80, s29, s16, $0xb8;
	[tilespmem:$0x1E400] =	vst v63  }
0x50: {  	_ =	swait.ge [sflag:s13], $0x4000  }
0x51: {  	[sflag:s13] =	ssyncset.done $0x0  }
0x52: {  	[sflag:s13] =	ssyncadd.s32 $0xFFFFC000  }
0x53: {  	[tilespmem:s18], [sflag:$0x2] =	stream.indirect.gather [hbm4b:s3+s16], $0x80, s21, s16, $0xb8;
	[tilespmem:$0x1E400] =	vst v63  }
0x54: {  	_ =	swait.ge [sflag:s19], $0x4000  }
0x55: {  	[sflag:s19] =	ssyncset.done $0x0  }
0x56: {  	[sflag:s19] =	ssyncadd.s32 $0xFFFFC000  }
0x57: {  	[spmem:s1] =	stream.indirect.scatter.add.f32 [tilespmem:s17], [sflag:$0x3], $0x80, s22, s16, $0xb8;
	[tilespmem:$0x1E400] =	vst v63  }
0x58: {  	_ =	swait.ge [sflag:s13], $0x4000  }
0x59: {  	[sflag:s13] =	ssyncset.done $0x0  }
0x5a: {  	[sflag:s13] =	ssyncadd.s32 $0xFFFFC000  }
0x5b: {  	_ =	swait.ge [sflag:s20], $0x4000  }
0x5c: {  	[sflag:s20] =	ssyncset.done $0x0  }
0x5d: {  	[sflag:s20] =	ssyncadd.s32 $0xFFFFC000  }
0x5e: {  	[spmem:s1] =	stream.indirect.scatter.add.f32 [tilespmem:s18], [sflag:$0x3], $0x80, s23, s16, $0xb8;
	[tilespmem:$0x1E400] =	vst v63  }
0x5f: {  	_ =	swait.ge [sflag:s13], $0x4000  }
0x60: {  	[sflag:s13] =	ssyncset.done $0x0  }
0x61: {  	s30 =	simm.s32 $0x0;
	[sflag:s13] =	ssyncadd.s32 $0xFFFFC000  }
0x62: {  	[tilespmem:s14], [sflag:$0x3] =	stream.linear.gather [hbm4b:s9+s30], $0x1400, $0x38;
	[tilespmem:$0x1E400] =	vst v63  }
0x63: {  	_ =	swait.ge [sflag:s13], $0x1400  }
0x64: {  	[sflag:s13] =	ssyncset.done $0x0  }
0x65: {  	[sflag:s13] =	ssyncadd.s32 $0xFFFFEC00  }
0x66: {  	[tilespmem:s15], [sflag:$0x3] =	stream.linear.gather [hbm4b:s10+s30], $0x1400, $0x38;
	[tilespmem:$0x1E400] =	vst v63  }
0x67: {  	_ =	swait.ge [sflag:s13], $0x1400  }
0x68: {  	[sflag:s13] =	ssyncset.done $0x0  }
0x69: {  	[sflag:s13] =	ssyncadd.s32 $0xFFFFEC00  }
0x6a: {  	[tilespmem:s17], [sflag:$0x1] =	stream.indirect.gather [hbm4b:s3+s16], $0x80, s14, s16, $0xb8;
	[tilespmem:$0x1E400] =	vst v63  }
0x6b: {  	s31 =	simm.s32 $0x1BC80  }
0x6c: {  	[tilespmem:s18], [sflag:$0x2] =	stream.indirect.gather [hbm4b:s3+s16], $0x80, s31, s16, $0xb8;
	[tilespmem:$0x1E400] =	vst v63  }
0x6d: {  	_ =	swait.ge [sflag:s19], $0x4000  }
0x6e: {  	[sflag:s19] =	ssyncset.done $0x0  }
0x6f: {  	s29 =	simm.s32 $0x1D000;
	[sflag:s19] =	ssyncadd.s32 $0xFFFFC000  }
0x70: {  	[spmem:s1] =	stream.indirect.scatter.add.f32 [tilespmem:s17], [sflag:$0x3], $0x80, s29, s16, $0xb8;
	[tilespmem:$0x1E400] =	vst v63  }
0x71: {  	_ =	swait.ge [sflag:s13], $0x4000  }
0x72: {  	[sflag:s13] =	ssyncset.done $0x0  }
0x73: {  	s30 =	simm.s32 $0x1BD00;
	[sflag:s13] =	ssyncadd.s32 $0xFFFFC000  }
0x74: {  	[tilespmem:s17], [sflag:$0x1] =	stream.indirect.gather [hbm4b:s3+s16], $0x80, s30, s16, $0xb8;
	[tilespmem:$0x1E400] =	vst v63  }
0x75: {  	_ =	swait.ge [sflag:s20], $0x4000  }
0x76: {  	[sflag:s20] =	ssyncset.done $0x0  }
0x77: {  	s31 =	simm.s32 $0x1D080;
	[sflag:s20] =	ssyncadd.s32 $0xFFFFC000  }
0x78: {  	[spmem:s1] =	stream.indirect.scatter.add.f32 [tilespmem:s18], [sflag:$0x3], $0x80, s31, s16, $0xb8;
	[tilespmem:$0x1E400] =	vst v63  }
0x79: {  	_ =	swait.ge [sflag:s13], $0x4000  }
0x7a: {  	s26 =	simm.s32 $0x100;
	s28 =	simm.s32 $0x800;
	[sflag:s13] =	ssyncset.done $0x0  }
.LBB2_4:
0x7b: {  	s29 =	sadd.s32 $0x1BC80, s26  }
0x7c: {  	[sflag:s13] =	ssyncadd.s32 $0xFFFFC000;
	s30 =	smov.u32 s28;
	s31 =	sadd.s32 $0x400, s28  }
0x7d: {  	[tilespmem:s18], [sflag:$0x2] =	stream.indirect.gather [hbm4b:s3+s16], $0x80, s29, s16, $0xb8;
	[tilespmem:$0x1E400] =	vst v63  }
0x7e: {  	p0 =	sne.s32 s28, $0x4800;
	_ =	swait.ge [sflag:s19], $0x4000  }
0x7f: {  	[sflag:s19] =	ssyncset.done $0x0  }
0x80: {  	s28 =	sadd.s32 $0x1D000, s26;
	[sflag:s19] =	ssyncadd.s32 $0xFFFFC000  }
0x81: {  	[spmem:s1] =	stream.indirect.scatter.add.f32 [tilespmem:s17], [sflag:$0x3], $0x80, s28, s16, $0xb8;
	[tilespmem:$0x1E400] =	vst v63  }
0x82: {  	_ =	swait.ge [sflag:s13], $0x4000  }
0x83: {  	[sflag:s13] =	ssyncset.done $0x0  }
0x84: {  	s28 =	sadd.s32 $0x1BD00, s26;
	[sflag:s13] =	ssyncadd.s32 $0xFFFFC000  }
0x85: {  	[tilespmem:s17], [sflag:$0x1] =	stream.indirect.gather [hbm4b:s3+s16], $0x80, s28, s16, $0xb8;
	[tilespmem:$0x1E400] =	vst v63  }
0x86: {  	_ =	swait.ge [sflag:s20], $0x4000  }
.Ltmp1:
0x87: {  	[sflag:s20] =	ssyncset.done $0x0;
	(pc) =	sbr.rel @p0 .LBB2_4-.Ltmp1, $4  }
0x88: {  	s26 =	sadd.s32 $0x1D080, s26;
	[sflag:s20] =	ssyncadd.s32 $0xFFFFC000  }
0x89: {  	[spmem:s1] =	stream.indirect.scatter.add.f32 [tilespmem:s18], [sflag:$0x3], $0x80, s26, s16, $0xb8;
	[tilespmem:$0x1E400] =	vst v63  }
0x8a: {  	_ =	swait.ge [sflag:s13], $0x4000  }
0x8b: {  	s28 =	smov.u32 s31;
	s26 =	sshra.s32 s30, $0x2;
	[sflag:s13] =	ssyncset.done $0x0  }
0x8c: {  	s28 =	sadd.s32 $0x1BC80, s26;
	[sflag:s13] =	ssyncadd.s32 $0xFFFFC000  }
0x8d: {  	[tilespmem:s18], [sflag:$0x2] =	stream.indirect.gather [hbm4b:s3+s16], $0x80, s28, s16, $0xb8;
	[tilespmem:$0x1E400] =	vst v63  }
0x8e: {  	_ =	swait.ge [sflag:s19], $0x4000  }
0x8f: {  	[sflag:s19] =	ssyncset.done $0x0  }
0x90: {  	s29 =	sadd.s32 $0x1D000, s26;
	[sflag:s19] =	ssyncadd.s32 $0xFFFFC000  }
0x91: {  	[spmem:s1] =	stream.indirect.scatter.add.f32 [tilespmem:s17], [sflag:$0x3], $0x80, s29, s16, $0xb8;
	[tilespmem:$0x1E400] =	vst v63  }
0x92: {  	_ =	swait.ge [sflag:s13], $0x4000  }
0x93: {  	[sflag:s13] =	ssyncset.done $0x0  }
0x94: {  	s30 =	sadd.s32 $0x1BD00, s26;
	[sflag:s13] =	ssyncadd.s32 $0xFFFFC000  }
0x95: {  	[tilespmem:s17], [sflag:$0x1] =	stream.indirect.gather [hbm4b:s3+s16], $0x80, s30, s16, $0xb8;
	[tilespmem:$0x1E400] =	vst v63  }
0x96: {  	_ =	swait.ge [sflag:s20], $0x4000  }
0x97: {  	[sflag:s20] =	ssyncset.done $0x0  }
0x98: {  	s31 =	sadd.s32 $0x1D080, s26;
	[sflag:s20] =	ssyncadd.s32 $0xFFFFC000  }
0x99: {  	[spmem:s1] =	stream.indirect.scatter.add.f32 [tilespmem:s18], [sflag:$0x3], $0x80, s31, s16, $0xb8;
	[tilespmem:$0x1E400] =	vst v63  }
0x9a: {  	_ =	swait.ge [sflag:s13], $0x4000  }
0x9b: {  	[sflag:s13] =	ssyncset.done $0x0  }
0x9c: {  	[sflag:s13] =	ssyncadd.s32 $0xFFFFC000  }
0x9d: {  	[tilespmem:s18], [sflag:$0x2] =	stream.indirect.gather [hbm4b:s3+s16], $0x80, s21, s16, $0xb8;
	[tilespmem:$0x1E400] =	vst v63  }
0x9e: {  	_ =	swait.ge [sflag:s19], $0x4000  }
0x9f: {  	[sflag:s19] =	ssyncset.done $0x0  }
0xa0: {  	[sflag:s19] =	ssyncadd.s32 $0xFFFFC000  }
0xa1: {  	[spmem:s1] =	stream.indirect.scatter.add.f32 [tilespmem:s17], [sflag:$0x3], $0x80, s22, s16, $0xb8;
	[tilespmem:$0x1E400] =	vst v63  }
0xa2: {  	_ =	swait.ge [sflag:s13], $0x4000  }
0xa3: {  	[sflag:s13] =	ssyncset.done $0x0  }
0xa4: {  	[sflag:s13] =	ssyncadd.s32 $0xFFFFC000  }
0xa5: {  	_ =	swait.ge [sflag:s20], $0x4000  }
0xa6: {  	[sflag:s20] =	ssyncset.done $0x0  }
0xa7: {  	[sflag:s20] =	ssyncadd.s32 $0xFFFFC000  }
0xa8: {  	[spmem:s1] =	stream.indirect.scatter.add.f32 [tilespmem:s18], [sflag:$0x3], $0x80, s23, s16, $0xb8;
	[tilespmem:$0x1E400] =	vst v63  }
0xa9: {  	_ =	swait.ge [sflag:s13], $0x4000  }
0xaa: {  	s25 =	sadd.s32 $0x1, s25;
	[sflag:s13] =	ssyncset.done $0x0  }
0xab: {  	p0 =	sne.s32 s25, s11;
	[sflag:s13] =	ssyncadd.s32 $0xFFFFC000  }
.Ltmp2:
0xac: {  	[bflag:$0x0] =	sbarrier.arrive $0xFFFF;
	(pc) =	sbr.rel @p0 .LBB2_1-.Ltmp2, $4  }
0xad: {  	[hbm:s24], [sflag:s6] =	dma.local [spmem:s12], $0x2780  }
0xae: {  	_ =	swait.ge [sflag:s13], $0x2780  }
0xaf: {  	[sflag:s13] =	ssyncset.done $0x0  }
0xb0: {  	[sflag:s13] =	ssyncadd.s32 $0xFFFFD880  }
0xb1: {  	_ =	sfence.sel $0x180000  }
0xb2: {  	[bflag:$0x0] =	sbarrier.arrive $0xFFFF  }
0xb3: {  	p0 =	sne.s32 s4, $0x0;
	_ =	strace $0x9000004D  }
0xb4: {  	s0 =	sadd.s32 @!p0 $0x100000, s0;
	[bflag:$0x2] =	sbarrier.arrive $0xFFFF  }
0xb5: {  	[sflag:s0] =	ssyncadd.tile.s32 @!p0 $0x1;
	_ =	shalt  }
.Lfunc_end2:
_tile_overlayer_lowered:
.L_overlay_start_2:
0xb6: {  	(tag) =	ssettag $0x2  }
0xb7: {  	s0 =	rddreg [dreg:$0x0];
	s2 =	stileid.u32  }
0xb8: {  	s1 =	rddreg [dreg:$0x1];
	p0 =	sne.s32 s2, $0x0  }
0xb9: {  	s3 =	rddreg [dreg:$0x2];
	[bflag:$0x3] =	sbarrier.arrive $0xFFFF;
	s2 =	simm.s32 @!p0 $0x1C03  }
0xba: {  	[timem:s3], [sflag:s2] =	dma.local @!p0 [hbm:s0], s1  }
0xbb: {  	s0 =	simm.s32 @!p0 $0x3  }
0xbc: {  	_ =	swait.ge @!p0 [sflag:s0], s1  }
0xbd: {  	s1 =	ssub.s32 @!p0 $0x0, s1;
	[sflag:s0] =	ssyncset.done @!p0 $0x0  }
0xbe: {  	[sflag:s0] =	ssyncadd.s32 @!p0 s1  }
0xbf: {  	[bflag:$0x3] =	sbarrier.arrive $0xFFFF  }
0xc0: {  	_ =	shalt  }

// kernel: kernel.8.cloned.1.call-start
scs
__scs_entry_jumppad:
0x0: {  	(pc) =	sbr.rel $0x88, $3  }
0x1: {  	(tag) =	ssettag $0x0;
	lr =	simm.s32 $0x1  }
0x2: {  	[smem:$0x3F96] =	sst lr;
	_ =	strace $0xD0000000  }
0x3: {  	_ = 	snop  }
0x4: {  	_ = 	snop  }
0x5: {  	_ = 	snop  }
0x6: {  	_ = 	snop  }
0x7: {  	_ = 	snop  }
__scs_overlays_trampoline_lowered:
0x8: {  	[smem:$0x3FA5] =	sst s0  }
0x9: {  	[smem:$0x3FA6] =	sst s1  }
0xa: {  	[smem:$0x3FA7] =	sst s2  }
0xb: {  	[smem:$0x3FA8] =	sst s3  }
0xc: {  	[smem:$0x3FA9] =	sst s4  }
0xd: {  	[smem:$0x3FAA] =	sst s5  }
0xe: {  	[smem:$0x3FAB] =	sst s6  }
0xf: {  	[smem:$0x3FAC] =	sst s7  }
0x10: {  	[smem:$0x3FAD] =	sst s8  }
0x11: {  	[smem:$0x3FAE] =	sst s9;
	s0 =	simm.s32 @!p0 $0x0  }
0x12: {  	s1 =	sld [smem:$0x3F94];
	s0 =	simm.s32 @p0 $0x1  }
0x13: {  	[smem:$0x3FAF] =	sst s0;
	s0 =	simm.s32 @!p1 $0x0  }
0x14: {  	s2 =	sld [smem:$0x3F93];
	s0 =	simm.s32 @p1 $0x1  }
0x15: {  	[smem:$0x3FB0] =	sst s0;
	s0 =	simm.s32 @!p2 $0x0  }
0x16: {  	s3 =	sld [smem:$0x3FDB];
	s0 =	simm.s32 @p2 $0x1  }
0x17: {  	s4 =	simm.s32 $0x1BF5;
	[smem:$0x3FB2] =	sst s0  }
0x18: {  	s0 =	sld [smem:$0x3F95];
	_ =	swait.ge [sflag:s4], $0x0  }
0x19: {  	s7 =	sld [smem:$0x3F96]  }
0x1a: {  	s8 =	sadd.s32 $0xFFFFE003, lr  }
0x1b: {  	s9 =	sadd.s32 $0xFFFFFEF7, lr;
	s5 =	simm.s32 $0xFFFFFFFF;
	p2 =	slt.u32 s8, $0xFFFFF086  }
0x1c: {  	p1 =	slt.u32 s9, $0xF7A;
	s5 =	simm.s32 @!p2 $0x0  }
0x1d: {  	s5 =	simm.s32 @p1 $0x1;
	p0 =	seq.s32 s7, s2  }
0x1e: {  	s7 =	smul.u32 @!p0 $0xF7A, s2;
	p2 =	seq.s32 @!p0 s5, $0x0  }
0x1f: {  	s9 =	smul.u32 $0xF7A, s1;
	s8 =	simm.s32 @!p0 $0x1BF5;
	p2 =	por !p2, p0  }
0x20: {  	[sflag:s8] =	ssyncset.s32 @!p0 $0xFFFFF086;
	s6 =	sadd.s32 @!p0 s3, s7;
	s7 =	simm.s32 @!p0 $0x108  }
0x21: {  	s3 =	sadd.s32 s3, s9;
	s6 =	sadd.s32 @!p0 $0x88, s6;
	s7 =	simm.s32 @p2 $0x1082  }
0x22: {  	[simem:s7], [sflag:s8] =	dma.local @!p0 [hbm:s6], $0xF7A  }
0x23: {  	s9 =	sor.u32 $0xD0000000, s2;
	s6 =	simm.s32 $0x108;
	_ =	swait.ge @!p0 [sflag:s8], $0x0  }
0x24: {  	s3 =	sadd.s32 $0x88, s3;
	s6 =	simm.s32 @!p1 $0x1082;
	[sflag:s4] =	ssyncset.s32 $0xFFFFF086  }
0x25: {  	[simem:s6], [sflag:s4] =	dma.local [hbm:s3], $0xF7A  }
0x26: {  	[smem:$0x3F96] =	sst s1;
	(tag) =	ssettag s2;
	_ =	strace s9  }
0x27: {  	s1 =	sld [smem:$0x3FA6]  }
0x28: {  	s2 =	sld [smem:$0x3FA7]  }
0x29: {  	s4 =	sld [smem:$0x3FA9]  }
0x2a: {  	p0 =	seq.s32 s5, $0x0;
	s5 =	sld [smem:$0x3FAA]  }
0x2b: {  	s6 =	sld [smem:$0x3FAB]  }
0x2c: {  	s7 =	sld [smem:$0x3FAC]  }
0x2d: {  	s3 =	simm.s32 $0x108;
	s8 =	sld [smem:$0x3FAD]  }
0x2e: {  	s3 =	simm.s32 @!p0 $0x1082;
	s9 =	sld [smem:$0x3FAE]  }
0x2f: {  	lr =	sadd.s32 s0, s3;
	s0 =	sld [smem:$0x3FA5]  }
0x30: {  	s3 =	sld [smem:$0x3FA8]  }
0x31: {  	[smem:$0x3FB1] =	sst s10  }
0x32: {  	s10 =	sld [smem:$0x3FAF];
	_ =	sdelay $0x3  }
0x33: {  	p0 =	seq.s32 s10, $0x1;
	s10 =	sld [smem:$0x3FB1];
	_ =	sdelay $0x3  }
0x34: {  	[smem:$0x3FB1] =	sst s10  }
0x35: {  	s10 =	sld [smem:$0x3FB0];
	_ =	sdelay $0x3  }
0x36: {  	p1 =	seq.s32 s10, $0x1;
	s10 =	sld [smem:$0x3FB1];
	_ =	sdelay $0x3  }
0x37: {  	[smem:$0x3FB1] =	sst s10  }
0x38: {  	s10 =	sld [smem:$0x3FB2]  }
0x39: {  	_ = 	snop;
	(pc) =	sbr.ind lr, $3  }
0x3a: {  	_ = 	snop  }
0x3b: {  	_ = 	snop  }
0x3c: {  	p2 =	seq.s32 s10, $0x1;
	s10 =	sld [smem:$0x3FB1]  }
0x3d: {  	_ =	shalt  }
0x3e: {  	_ =	shalt  }
0x3f: {  	_ =	shalt  }
0x40: {  	_ =	shalt  }
0x41: {  	_ =	shalt  }
0x42: {  	_ =	shalt  }
0x43: {  	_ =	shalt  }
0x44: {  	_ =	shalt  }
0x45: {  	_ =	shalt  }
0x46: {  	_ =	shalt  }
0x47: {  	_ =	shalt  }
0x48: {  	_ =	shalt  }
0x49: {  	_ =	shalt  }
0x4a: {  	_ =	shalt  }
0x4b: {  	_ =	shalt  }
0x4c: {  	_ =	shalt  }
0x4d: {  	_ =	shalt  }
0x4e: {  	_ =	shalt  }
0x4f: {  	_ =	shalt  }
0x50: {  	_ =	shalt  }
0x51: {  	_ =	shalt  }
0x52: {  	_ =	shalt  }
0x53: {  	_ =	shalt  }
0x54: {  	_ =	shalt  }
0x55: {  	_ =	shalt  }
0x56: {  	_ =	shalt  }
0x57: {  	_ =	shalt  }
0x58: {  	_ =	shalt  }
0x59: {  	_ =	shalt  }
0x5a: {  	_ =	shalt  }
0x5b: {  	_ =	shalt  }
0x5c: {  	_ =	shalt  }
0x5d: {  	_ =	shalt  }
0x5e: {  	_ =	shalt  }
0x5f: {  	_ =	shalt  }
0x60: {  	_ =	shalt  }
0x61: {  	_ =	shalt  }
0x62: {  	_ =	shalt  }
0x63: {  	_ =	shalt  }
0x64: {  	_ =	shalt  }
0x65: {  	_ =	shalt  }
0x66: {  	_ =	shalt  }
0x67: {  	_ =	shalt  }
0x68: {  	_ =	shalt  }
0x69: {  	_ =	shalt  }
0x6a: {  	_ =	shalt  }
0x6b: {  	_ =	shalt  }
0x6c: {  	_ =	shalt  }
0x6d: {  	_ =	shalt  }
0x6e: {  	_ =	shalt  }
0x6f: {  	_ =	shalt  }
0x70: {  	_ =	shalt  }
0x71: {  	_ =	shalt  }
0x72: {  	_ =	shalt  }
0x73: {  	_ =	shalt  }
0x74: {  	_ =	shalt  }
0x75: {  	_ =	shalt  }
0x76: {  	_ =	shalt  }
0x77: {  	_ =	shalt  }
0x78: {  	_ =	shalt  }
0x79: {  	_ =	shalt  }
0x7a: {  	_ =	shalt  }
0x7b: {  	_ =	shalt  }
0x7c: {  	_ =	shalt  }
0x7d: {  	_ =	shalt  }
0x7e: {  	_ =	shalt  }
0x7f: {  	_ =	shalt  }
0x80: {  	_ =	shalt  }
0x81: {  	_ =	shalt  }
0x82: {  	_ =	shalt  }
0x83: {  	_ =	shalt  }
0x84: {  	_ =	shalt  }
0x85: {  	_ =	shalt  }
0x86: {  	_ =	shalt  }
0x87: {  	_ =	shalt  }
.Lfunc_end0:
.L_simem_size_0:
called_computation_lowered:
.L_overlay_start_0:
0x88: {  	s2 =	sld [smem:$0x3FD9]  }
0x89: {  	s3 =	sld [smem:$0x3FFE];
	_ =	sdelay $0x1  }
0x8a: {  	s1 =	srdreg.scid  }
0x8b: {  	s0 =	sand.u32 $0x1, s1  }
0x8c: {  	s17 =	sshll.u32 s0, $0xA;
	s2 =	sadd.s32 s3, s2  }
0x8d: {  	s2 =	sadd.s32 s2, s17  }
0x8e: {  	[smem:$0x3FBD] =	sst s2  }
0x8f: {  	_ = 	snop  }
0x90: {  	s2 =	sld [smem:$0x3FD0];
	(tm) =	ssettm $0x1  }
0x91: {  	s18 =	sld [smem:$0x3FFB];
	_ =	sdelay $0x3  }
0x92: {  	_ =	strace s18  }
0x93: {  	s3 =	sld [smem:$0x3FFC];
	_ =	sdelay $0x3  }
0x94: {  	_ =	strace s3  }
0x95: {  	s3 =	sld [smem:$0x3FFD];
	_ =	sdelay $0x3  }
0x96: {  	_ =	strace s3  }
0x97: {  	_ =	strace $0x8FFFFFFF  }
0x98: {  	s19 =	sld [smem:$0x3FDB];
	_ =	sdelay $0x1  }
0x99: {  	s4 =	simm.s32 $_scs_section_size  }
0x9a: {  	s5 =	simm.s32 $_size__tile_overlayer_lowered;
	s6 =	simm.s32 $_tile_overlayer_lowered  }
0x9b: {  	s22 =	simm.s32 $0x1BFF;
	s21 =	sshll.u32 s6, $0x1;
	s3 =	sadd.s32 s4, s19  }
0x9c: {  	s7 =	simm.s32 $0x0;
	s20 =	sshll.u32 s5, $0x1;
	s5 =	sadd.s32 s21, s3  }
0x9d: {  	[timem:s7], [sflag:s22] =	dma.local [hbm:s5], s20  }
0x9e: {  	_ =	swait.ge [sflag:s22], s20  }
0x9f: {  	s4 =	ssub.s32 $0x0, s20;
	[sflag:s22] =	ssyncset.done $0x0  }
0xa0: {  	[sflag:s22] =	ssyncadd.s32 s4;
	_ =	sdelay $0x1  }
0xa1: {  	s23 =	simm.s32 $0x1B8B  }
0xa2: {  	_ =	swait.ge [sflag:s23], $0x1  }
0xa3: {  	[sflag:s23] =	ssyncset.done $0x0  }
0xa4: {  	s25 =	simm.s32 $0x1B8E;
	s24 =	sld [smem:$0x3FFE];
	[sflag:s23] =	ssyncadd.s32 $0xFFFFFFFF  }
0xa5: {  	s26 =	simm.s32 $execute0_lowered;
	[smem:$0x3FD2] =	sst s25  }
0xa6: {  	s5 =	sshll.u32 s26, $0x1;
	_ =	strace $0x80000046;
	[dreg:$0x1] =	wrdreg $0xFFFFFFFF  }
0xa7: {  	s28 =	simm.s32 $_size_execute0_lowered;
	s3 =	sadd.s32 s3, s5;
	[dreg:$0x0] =	wrdreg $0x0  }
0xa8: {  	s5 =	sshll.u32 s28, $0x1;
	[dreg:$0x2] =	wrdreg s3  }
0xa9: {  	[dreg:$0x3] =	wrdreg s5  }
0xaa: {  	[dreg:$0x4] =	wrdreg $0xC0  }
0xab: {  	_ =	task [dreg:s7], $0x5FFFF  }
0xac: {  	[dreg:$0x1] =	wrdreg $0xFFFFFFFF  }
0xad: {  	[dreg:$0x0] =	wrdreg $0x60  }
0xae: {  	[dreg:$0x2] =	wrdreg s24  }
0xaf: {  	[dreg:$0x3] =	wrdreg s2  }
0xb0: {  	[dreg:$0x4] =	wrdreg $0x0  }
0xb1: {  	[dreg:$0x5] =	wrdreg $0x9  }
0xb2: {  	_ =	task.clear_ibuf [dreg:s7], $0x6FFFF;
	_ =	strace $0x90000046  }
0xb3: {  	s29 =	simm.s32 $0x9;
	_ =	strace $0x80000048  }
0xb4: {  	_ =	swait.ge [sflag:s29], $0x1  }
0xb5: {  	[sflag:s29] =	ssyncadd.s32 $0xFFFFFFFF  }
0xb6: {  	_ =	strace $0x90000048  }
0xb7: {  	_ =	sfence  }
0xb8: {  	s30 =	sld [smem:$0x0];
	_ =	sdelay $0x2  }
0xb9: {  	s31 =	sshll.u32 s1, $0xD;
	s1 =	sshrl.u32 s1, $0x2  }
0xba: {  	s3 =	sand.u32 $0x4000, s31;
	s1 =	sadd.s32 s1, s30  }
0xbb: {  	s0 =	sor.u32 s3, s0;
	s1 =	sshll.u32 s1, $0x11  }
0xbc: {  	s0 =	sor.u32 s1, s0  }
0xbd: {  	s0 =	sadd.s32 $0x8F2B, s0  }
0xbe: {  	[sflag:s0] =	ssyncadd.remote.s32 $0x1  }
0xbf: {  	_ =	sfence.sel $0xFFFF  }
0xc0: {  	[dreg:$0x0] =	wrdreg $0xFFFFFFFF;
	(pc) =	sbr.abs _section_cstart, $3  }
0xc1: {  	[dreg:$0x1] =	wrdreg $0xFFFFFFFF  }
0xc2: {  	_ =	task.clear_ibuf [dreg:s7], $0x2FFFF;
	_ =	strace $0x9FFFFFFF  }
0xc3: {  	(tm) =	ssettm $0x7FFFFFFF  }
tec
execute0_lowered:
.L_overlay_start_1:
0x0: {  	(tag) =	ssettag $0x1  }
0x1: {  	s6 =	rddreg [dreg:$0x0]  }
0x2: {  	s0 =	srdreg.scid;
	s2 =	rddreg [dreg:$0x1]  }
0x3: {  	s3 =	rddreg [dreg:$0x2];
	s1 =	stileid.u32  }
0x4: {  	s4 =	simm.s32 $0x0;
	s5 =	sand.u32 $0x1, s0;
	s0 =	rddreg [dreg:$0x3]  }
0x5: {  	s13 =	simm.s32 $0x80;
	[smem:$0x7FF] =	sst s4;
	s10 =	smul.u32 $0x2780, s1  }
0x6: {  	s11 =	sshll.u32 s1, $0x6;
	s7 =	sshll.u32 s5, $0x4;
	_ =	strace $0x80000047  }
0x7: {  	s8 =	smul.u32 $0x4F00, s5;
	s9 =	ssub.s32 $0x2, s5;
	s5 =	sadd.s32 $0x2E00, s6  }
0x8: {  	s11 =	sor.u32 $0x1C01, s11;
	s7 =	sor.u32 s1, s7;
	s31 =	sshrl.u32 s9, $0x1  }
0x9: {  	s12 =	sadd.s32 s10, s3;
	s15 =	sshrl.u32 s10, $0x3;
	s10 =	simm.s32 $0x2780  }
0xa: {  	s7 =	smul.u32 $0x500, s7;
	s8 =	sadd.s32 s8, s6;
	s9 =	ssub.s32 s9, s31  }
0xb: {  	s12 =	sshrl.u32 s12, $0x3;
	s14 =	sadd.s32 $0x17000, s8;
	s8 =	simm.s32 $0x2F80  }
0xc: {  	s7 =	sadd.s32 s7, s6;
	s14 =	sadd.s32 s15, s14;
	s15 =	simm.s32 $0x0  }
0xd: {  	s6 =	sadd.s32 $0xD000, s7;
	s7 =	smax.u32 s9, $0x1;
	s9 =	simm.s32 $0x1  }
.LBB2_1:
0xe: {  	[tilespmem:s8], [sflag:$0x1] =	stream.linear.gather [hbm4b:s6+s4], $0x2800, $0x38;
	[tilespmem:$0x5780] =	vst v63  }
0xf: {  	_ =	swait.ge [sflag:s9], $0x2800  }
0x10: {  	[sflag:s9] =	ssyncset.done $0x0  }
0x11: {  	[sflag:s9] =	ssyncadd.s32 $0xFFFFD800  }
0x12: {  	[tilespmem:s10], [sflag:$0x1] =	stream.linear.gather [hbm4b:s5+s4], $0x800, $0x38;
	[tilespmem:$0x5780] =	vst v63  }
0x13: {  	_ =	swait.ge [sflag:s9], $0x800  }
0x14: {  	[sflag:s9] =	ssyncset.done $0x0  }
0x15: {  	[sflag:s9] =	ssyncadd.s32 $0xFFFFF800  }
0x16: {  	[spmem:s12], [sflag:s11] =	dma.local [hbm:s2], $0x4F0  }
0x17: {  	_ =	swait.ge [sflag:s9], $0x4F0  }
0x18: {  	[sflag:s9] =	ssyncset.done $0x0  }
0x19: {  	[sflag:s9] =	ssyncadd.s32 $0xFFFFFB10  }
0x1a: {  	s16 =	simm.s32 $0x2F80;
	[bflag:$0x0] =	sbarrier.arrive $0xFFFF  }
0x1b: {  	[spmem:s3] =	stream.indirect.scatter.add.f32 [tilespmem:s10], [sflag:$0x1], $0x10, s16, s13, $0xb8;
	[tilespmem:$0x5780] =	vst v63  }
0x1c: {  	s16 =	simm.s32 $0x200;
	_ =	swait.ge [sflag:s9], $0x800  }
.LBB2_2:
0x1d: {  	s17 =	sshra.s32 s16, $0x2;
	[sflag:s9] =	ssyncset.done $0x0;
	p0 =	sne.s32 s16, $0x9E00  }
.Ltmp0:
0x1e: {  	s17 =	sadd.s32 $0x2F80, s17;
	[sflag:s9] =	ssyncadd.s32 $0xFFFFF800;
	(pc) =	sbr.rel @p0 .LBB2_2-.Ltmp0, $3  }
0x1f: {  	[spmem:s3] =	stream.indirect.scatter.add.f32 [tilespmem:s10], [sflag:$0x1], $0x10, s17, s13, $0xb8;
	[tilespmem:$0x5780] =	vst v63  }
0x20: {  	s16 =	sadd.s32 $0x200, s16;
	_ =	sdelay $0x1  }
0x21: {  	_ =	swait.ge [sflag:s9], $0x800  }
0x22: {  	[sflag:s9] =	ssyncset.done $0x0;
	s15 =	sadd.s32 $0x1, s15  }
0x23: {  	[sflag:s9] =	ssyncadd.s32 $0xFFFFF800;
	p0 =	sne.s32 s15, s7  }
.Ltmp1:
0x24: {  	[bflag:$0x0] =	sbarrier.arrive $0xFFFF;
	(pc) =	sbr.rel @p0 .LBB2_1-.Ltmp1, $4  }
0x25: {  	[hbm:s14], [sflag:s11] =	dma.local [spmem:s12], $0x4F0  }
0x26: {  	_ =	swait.ge [sflag:s9], $0x4F0  }
0x27: {  	[sflag:s9] =	ssyncset.done $0x0  }
0x28: {  	[sflag:s9] =	ssyncadd.s32 $0xFFFFFB10  }
0x29: {  	_ =	sfence.sel $0x180000  }
0x2a: {  	[bflag:$0x0] =	sbarrier.arrive $0xFFFF  }
0x2b: {  	p0 =	sne.s32 s1, $0x0;
	_ =	strace $0x90000047  }
0x2c: {  	s0 =	sadd.s32 @!p0 $0x100000, s0;
	[bflag:$0x2] =	sbarrier.arrive $0xFFFF  }
0x2d: {  	[sflag:s0] =	ssyncadd.tile.s32 @!p0 $0x1;
	_ =	shalt  }
.Lfunc_end2:
_tile_overlayer_lowered:
.L_overlay_start_2:
0x2e: {  	(tag) =	ssettag $0x2  }
0x2f: {  	s0 =	rddreg [dreg:$0x0];
	s2 =	stileid.u32  }
0x30: {  	s1 =	rddreg [dreg:$0x1];
	p0 =	sne.s32 s2, $0x0  }
0x31: {  	s3 =	rddreg [dreg:$0x2];
	[bflag:$0x3] =	sbarrier.arrive $0xFFFF;
	s2 =	simm.s32 @!p0 $0x1C01  }
0x32: {  	[timem:s3], [sflag:s2] =	dma.local @!p0 [hbm:s0], s1  }
0x33: {  	s0 =	simm.s32 @!p0 $0x1  }
0x34: {  	_ =	swait.ge @!p0 [sflag:s0], s1  }
0x35: {  	s1 =	ssub.s32 @!p0 $0x0, s1;
	[sflag:s0] =	ssyncset.done @!p0 $0x0  }
0x36: {  	[sflag:s0] =	ssyncadd.s32 @!p0 s1  }
0x37: {  	[bflag:$0x3] =	sbarrier.arrive $0xFFFF  }
0x38: {  	_ =	shalt  }

</sc_bundles>
